<compile_context>
chip_gen: v7x
topology: tpu7x:2x2x1
jax: 0.10.2.dev20260603
libtpu: 0.0.44.dev20260713+nightly
codegen_flags: <defaults>
</compile_context>

<pallas_src>
import functools

import jax
import jax.numpy as jnp
from jax import lax
from jax.experimental import pallas as pl
from jax.experimental.pallas import tpu as pltpu
from jax.experimental.pallas import tpu_sc as plsc

B = 128
V = 32768
P = 96
K = 64
W_PART = 0.3

NC = 2
NS = 16
NW = NC * NS
RPW = B // NW
L = 16

NBINS = 1024
CAP = 2048
Q = 4
QV = V // L // Q
QCAP = 1024
QSTR = QCAP + L
MIN_I32 = -(2**31)
BIG_I32 = 2**30


def _skey(v):
    b = lax.bitcast_convert_type(v, jnp.int32)
    return jnp.where(b >= 0, b, b ^ jnp.int32(0x7FFFFFFF))


_mesh = plsc.VectorSubcoreMesh(core_axis_name="c", subcore_axis_name="s")


@functools.partial(
    pl.kernel,
    out_type=(
        jax.ShapeDtypeStruct((B, K), jnp.float32),
        jax.ShapeDtypeStruct((B, K), jnp.int32),
        jax.ShapeDtypeStruct((B, K), jnp.int32),
    ),
    mesh=_mesh,
    compiler_params=pltpu.CompilerParams(needs_layout_passes=False),
    scratch_types=[
        pltpu.VMEM((2 * V,), jnp.float32),
        pltpu.VMEM((2 * NBINS * L,), jnp.int32),
        pltpu.VMEM((Q * QSTR,), jnp.int32),
        pltpu.VMEM((Q * QSTR,), jnp.float32),
        pltpu.VMEM((Q * QSTR,), jnp.int32),
        pltpu.VMEM((P + L,), jnp.float32),
        pltpu.VMEM((P + L,), jnp.int32),
        pltpu.VMEM((P + L,), jnp.int32),
        pltpu.VMEM((P + L,), jnp.float32),
        pltpu.VMEM((P + L,), jnp.int32),
        pltpu.VMEM((P,), jnp.float32),
        pltpu.VMEM((B + L,), jnp.float32),
        pltpu.VMEM((K + L,), jnp.float32),
        pltpu.VMEM((K + L,), jnp.int32),
        pltpu.VMEM((K + L,), jnp.int32),
        pltpu.VMEM((K,), jnp.float32),
        pltpu.VMEM((K,), jnp.int32),
        pltpu.VMEM((K,), jnp.int32),
        pltpu.SemaphoreType.DMA,
    ],
)
def _beam_step(full_hbm, part_hbm, hyp_hbm,
               ovals_hbm, oids_hbm, olids_hbm,
               row_v, hist_v, ck_v, cv_v, ci_v,
               v96, i96, p96, g96, k2, part_v, hyp_v,
               ov, oi, ol, ovx, oix, olx, dsem):
    wid = lax.axis_index("s") * NC + lax.axis_index("c")
    lane = lax.iota(jnp.int32, L)
    lane0 = lane == 0
    pltpu.sync_copy(hyp_hbm, hyp_v.at[pl.ds(0, B)])

    def _splat(x):
        return jnp.full((L,), x)

    pltpu.async_copy(full_hbm.at[wid * RPW], row_v.at[pl.ds(0, V)], dsem)

    def do_row(r, _):
        row = wid * RPW + r
        base = (r % 2) * V
        pltpu.make_async_copy(
            full_hbm.at[row], row_v.at[pl.ds(base, V)], dsem).wait()

        @pl.when(r + 1 < RPW)
        def _prefetch():
            pltpu.async_copy(
                full_hbm.at[row + 1],
                row_v.at[pl.ds(((r + 1) % 2) * V, V)], dsem)

        pltpu.sync_copy(part_hbm.at[row], part_v)

        zeros = jnp.zeros((L,), jnp.int32)

        def zro(i, c):
            hist_v[pl.ds(i * L, L)] = zeros
            return c

        lax.fori_loop(0, 2 * NBINS, zro, 0, unroll=8)

        ones = jnp.ones((L,), jnp.int32)

        HV = V // L // 2

        def hist_body(i, mxs):
            nmx = []
            for h in range(2):
                kk = _skey(row_v[pl.ds(base + (h * HV + i) * L, L)])
                bins = lax.shift_right_arithmetic(kk, 22) + 512
                plsc.addupdate_scatter(
                    hist_v, [h * NBINS * L + bins * L + lane], ones)
                nmx.append(jnp.maximum(mxs[h], kk))
            return tuple(nmx)

        mxv0, mxv1 = lax.fori_loop(
            0, HV, hist_body,
            (jnp.full((L,), MIN_I32, jnp.int32),
             jnp.full((L,), MIN_I32, jnp.int32)), unroll=2)
        top_bin = lax.shift_right_arithmetic(
            jnp.max(jnp.maximum(mxv0, mxv1)), 22) + 512

        def t_cond(c):
            b, acc = c
            return jnp.logical_and(acc < P, b > 0)

        def t_body(c):
            b, acc = c
            b = b - 1
            acc = acc + jnp.sum(hist_v[pl.ds(b * L, L)]
                                + hist_v[pl.ds(NBINS * L + b * L, L)])
            return (b, acc)

        thr_bin, _ = lax.while_loop(t_cond, t_body,
                                    (top_bin + 1, jnp.int32(0)))

        thr_key = lax.shift_left(thr_bin - 512, 22)

        def coll(i, cs):
            ncs = []
            for q in range(Q):
                cq = cs[q]
                v = row_v[pl.ds(base + (q * QV + i) * L, L)]
                kk = _skey(v)
                m = kk >= thr_key
                nm = plsc.all_reduce_population_count(m)[0]
                plsc.store_compressed(ck_v.at[pl.ds(q * QSTR + cq, L)], kk,
                                      mask=m)
                plsc.store_compressed(cv_v.at[pl.ds(q * QSTR + cq, L)], v,
                                      mask=m)
                plsc.store_compressed(ci_v.at[pl.ds(q * QSTR + cq, L)],
                                      (q * QV + i) * L + lane, mask=m)
                ncs.append(jnp.minimum(cq + nm, jnp.int32(QCAP)))
            return tuple(ncs)

        qcnts = lax.fori_loop(0, QV, coll,
                              tuple(jnp.int32(0) for _ in range(Q)))
        nvq = []
        for q in range(Q):
            ck_v[pl.ds(q * QSTR + qcnts[q], L)] = jnp.full(
                (L,), MIN_I32, jnp.int32)
            nvq.append(qcnts[q] // L + 1)

        NEG_INF = jnp.float32(-jnp.inf)

        def ext(j, carry):
            lk, lp = carry

            def make_scan(q):
                def scanmax(t, mc):
                    mv, pv = mc
                    kv = ck_v[pl.ds(q * QSTR + t * L, L)]
                    pos = q * QSTR + t * L + lane
                    elig = jnp.logical_or(
                        kv < lk, jnp.logical_and(kv == lk, pos > lp))
                    kv2 = jnp.where(elig, kv, jnp.int32(MIN_I32))
                    upd = kv2 > mv
                    mv = jnp.where(upd, kv2, mv)
                    pv = jnp.where(upd, pos, pv)
                    return (mv, pv)
                return scanmax

            mc = (jnp.full((L,), MIN_I32, jnp.int32),
                  jnp.full((L,), BIG_I32, jnp.int32))
            for q in range(Q):
                mc = lax.fori_loop(0, nvq[q], make_scan(q), mc)
            mv, pv = mc
            m_key = jnp.max(mv)
            p = jnp.min(jnp.where(mv == m_key, pv, jnp.int32(BIG_I32)))
            plsc.store_compressed(p96.at[pl.ds(j, L)], _splat(p), mask=lane0)
            return (m_key, p)

        lax.fori_loop(0, P, ext, (jnp.int32(0x7FFFFFFF), jnp.int32(-1)), unroll=2)

        def pfetch(t, c):
            pos = p96[pl.ds(t * L, L)]
            v96[pl.ds(t * L, L)] = plsc.load_gather(cv_v, [pos])
            i96[pl.ds(t * L, L)] = plsc.load_gather(ci_v, [pos])
            return c

        lax.fori_loop(0, P // L, pfetch, 0, unroll=6)

        hyp_r = hyp_v[pl.ds(row, L)][0]

        def gcomp(t, c):
            g = (v96[pl.ds(t * L, L)]
                 + jnp.float32(W_PART) * part_v[pl.ds(t * L, L)] + hyp_r)
            g96[pl.ds(t * L, L)] = g
            k2[pl.ds(t * L, L)] = _skey(g)
            return c

        lax.fori_loop(0, P // L, gcomp, 0)

        def ext2(j, carry):
            lk, lp = carry

            def scanmax2(t, mc):
                mv, pv = mc
                kv = k2[pl.ds(t * L, L)]
                pos = t * L + lane
                elig = jnp.logical_or(
                    kv < lk, jnp.logical_and(kv == lk, pos > lp))
                kv2 = jnp.where(elig, kv, jnp.int32(MIN_I32))
                upd = kv2 > mv
                mv = jnp.where(upd, kv2, mv)
                pv = jnp.where(upd, pos, pv)
                return (mv, pv)

            mv, pv = lax.fori_loop(
                0, P // L, scanmax2,
                (jnp.full((L,), MIN_I32, jnp.int32),
                 jnp.full((L,), BIG_I32, jnp.int32)), unroll=6)
            m_key = jnp.max(mv)
            p = jnp.min(jnp.where(mv == m_key, pv, jnp.int32(BIG_I32)))
            plsc.store_compressed(ol.at[pl.ds(j, L)], _splat(p), mask=lane0)
            return (m_key, p)

        lax.fori_loop(0, K, ext2, (jnp.int32(0x7FFFFFFF), jnp.int32(-1)), unroll=2)

        def ofetch(t, c):
            pos = ol[pl.ds(t * L, L)]
            ovx[pl.ds(t * L, L)] = plsc.load_gather(g96, [pos])
            oix[pl.ds(t * L, L)] = plsc.load_gather(i96, [pos])
            olx[pl.ds(t * L, L)] = pos
            return c

        lax.fori_loop(0, K // L, ofetch, 0, unroll=4)
        pltpu.sync_copy(ovx, ovals_hbm.at[row])
        pltpu.sync_copy(oix, oids_hbm.at[row])
        pltpu.sync_copy(olx, olids_hbm.at[row])
        return _

    lax.fori_loop(0, RPW, do_row, 0)


def kernel(full_scores, part_scores, hyp_scores):
    return _beam_step(full_scores, part_scores, hyp_scores)

# --- scband reference (transcript-rebuilt; emitter-appended) ---
"""Pipeline reference for scband-beam-search-64441689309409 (READ-ONLY COPY).

The authoritative reference and input builder live on the scoring server;
editing this copy changes nothing except your own understanding.
"""

import jax, jax.numpy as jnp
import numpy as np

BEAM_SIZE = 64
PRE_BEAM_SIZE = int(1.5 * BEAM_SIZE)  # 96, as in BeamSearch.__init__ (pre_beam_ratio * beam_size)
W_FULL = 1.0   # full scorer weight (e.g. 'decoder')
W_PART = 0.3   # partial scorer weight (e.g. 'ctc')

B, V = 128, 32768  # running hypotheses batch x vocabulary size


def setup_inputs(seed: int = 0) -> dict:
    key = jax.random.key(seed)
    k1, k2, k3 = jax.random.split(key, 3)
    full_scores = jax.random.normal(k1, (B, V), dtype=jnp.float32)
    part_scores = jax.random.normal(k2, (B, PRE_BEAM_SIZE), dtype=jnp.float32)
    hyp_scores = jax.random.normal(k3, (B,), dtype=jnp.float32)
    return {"full_scores": full_scores, "part_scores": part_scores, "hyp_scores": hyp_scores}


def reference(full_scores, part_scores, hyp_scores):
    """One decoding step of BeamSearch, batched over B running hypotheses.

    pre_beam: top-k (pre_beam_size) over the full-scorer ('decoder') scores.
    weighted_sum_scores: weighted_scores = w_full * full + last hyp score;
        weighted_scores[ids] += w_part * part_scores (scatter-add restricted to pre-beam ids).
    main_beam: mask all non pre-beam ids to -inf, then top-k (beam_size) over vocab,
        plus local top-k within the pre-beam candidate set.
    """
    # pre_beam: select pre_beam_size candidate token ids per hypothesis
    _, part_ids = jax.lax.top_k(full_scores, PRE_BEAM_SIZE)  # [B, P]

    # weighted_sum_scores on the pre-beam candidates
    rows = jnp.arange(full_scores.shape[0])[:, None]
    gathered = (W_FULL * jnp.take_along_axis(full_scores, part_ids, axis=1)
                + W_PART * part_scores
                + hyp_scores[:, None])  # [B, P]

    # main_beam masking: weighted_scores[:] = -inf; weighted_scores[ids] = tmp
    masked = jnp.full(full_scores.shape, -jnp.inf, dtype=full_scores.dtype)
    masked = masked.at[rows, part_ids].set(gathered)

    # global top-k over the masked vocab-size score vector
    top_vals, top_ids = jax.lax.top_k(masked, BEAM_SIZE)  # [B, beam]

    # local ids within the pre-beam candidate set (weighted_scores[ids].topk)
    local_vals = jnp.take_along_axis(masked, part_ids, axis=1)  # [B, P]
    _, local_ids = jax.lax.top_k(local_vals, BEAM_SIZE)

    return top_vals, top_ids, local_ids

if __name__ == "__main__":
    import jax
    _d = setup_inputs()
    print(jax.jit(kernel)(*tuple(_d.values())))

</pallas_src>

<mosaic_0001>
#map = affine_map<(d0, d1) -> (0, 0)>
#map1 = affine_map<(d0, d1) -> (0)>
module attributes {stable_mosaic.version = 14 : i64} {
  func.func @_beam_step(%arg0: i32, %arg1: i32, %arg2: memref<128x32768xf32, #tpu.memory_space<hbm>>, %arg3: memref<128x96xf32, #tpu.memory_space<hbm>>, %arg4: memref<128xf32, #tpu.memory_space<hbm>>, %arg5: memref<128x64xf32, #tpu.memory_space<hbm>>, %arg6: memref<128x64xi32, #tpu.memory_space<hbm>>, %arg7: memref<128x64xi32, #tpu.memory_space<hbm>>, %arg8: memref<65536xf32, #tpu.memory_space<vmem>>, %arg9: memref<32768xi32, #tpu.memory_space<vmem>>, %arg10: memref<4160xi32, #tpu.memory_space<vmem>>, %arg11: memref<4160xf32, #tpu.memory_space<vmem>>, %arg12: memref<4160xi32, #tpu.memory_space<vmem>>, %arg13: memref<112xf32, #tpu.memory_space<vmem>>, %arg14: memref<112xi32, #tpu.memory_space<vmem>>, %arg15: memref<112xi32, #tpu.memory_space<vmem>>, %arg16: memref<112xf32, #tpu.memory_space<vmem>>, %arg17: memref<112xi32, #tpu.memory_space<vmem>>, %arg18: memref<96xf32, #tpu.memory_space<vmem>>, %arg19: memref<144xf32, #tpu.memory_space<vmem>>, %arg20: memref<80xf32, #tpu.memory_space<vmem>>, %arg21: memref<80xi32, #tpu.memory_space<vmem>>, %arg22: memref<80xi32, #tpu.memory_space<vmem>>, %arg23: memref<64xf32, #tpu.memory_space<vmem>>, %arg24: memref<64xi32, #tpu.memory_space<vmem>>, %arg25: memref<64xi32, #tpu.memory_space<vmem>>, %arg26: memref<!tpu.dma_semaphore, #tpu.memory_space<semaphore_mem>>) attributes {dimension_semantics = [#tpu.dimension_semantics<core_parallel>, #tpu.dimension_semantics<subcore_parallel>], iteration_bounds = array<i64: 2, 16>, scalar_prefetch = 0 : i64, scratch_operands = 19 : i64, tpu.core_type = #tpu.core_type<sc_vector_subcore>, window_params = [{transform_indices = #map}, {transform_indices = #map}, {transform_indices = #map1}, {transform_indices = #map}, {transform_indices = #map}, {transform_indices = #map}]} {
    %mul3A = arith.constant 2 : i32
    %mul3A_0 = arith.muli %arg1, %mul3A : i32
    %add3A = arith.addi %mul3A_0, %arg0 : i32
    %iota3A = tpu.iota {dimensions = array<i32: 0>} : vector<16xi32>
    %eq3A = arith.constant 0 : i32
    %eq3A_1 = vector.broadcast %eq3A : i32 to vector<16xi32>
    %eq3A_2 = arith.cmpi eq, %iota3A, %eq3A_1 : vector<16xi32>
    "tpu.region"() ({
      %run_scoped3A = tpu.sem_alloc : memref<!tpu.dma_semaphore, #tpu.memory_space<semaphore_mem>>
      %dma_start3A_20 = arith.constant 0 : i32
      %dma_start3A_21 = tpu.memref_slice %arg19[%dma_start3A_20] : memref<144xf32, #tpu.memory_space<vmem>> -> memref<128xf32, #tpu.memory_space<vmem>>
      %dma_start3A_22 = arith.constant 0 : i32
      %dma_start3A_23 = tpu.memref_slice %arg19[%dma_start3A_22] : memref<144xf32, #tpu.memory_space<vmem>> -> memref<128xf32, #tpu.memory_space<vmem>>
      tpu.enqueue_dma source(%arg4 : memref<128xf32, #tpu.memory_space<hbm>>) target(%dma_start3A_23 : memref<128xf32, #tpu.memory_space<vmem>>) target_semaphore(%run_scoped3A : memref<!tpu.dma_semaphore, #tpu.memory_space<semaphore_mem>>)
      %dma_wait3A = arith.constant 0 : i32
      %dma_wait3A_24 = tpu.memref_slice %arg19[%dma_wait3A] : memref<144xf32, #tpu.memory_space<vmem>> -> memref<128xf32, #tpu.memory_space<vmem>>
      %dma_wait3A_25 = arith.constant 0 : i32
      %dma_wait3A_26 = tpu.memref_slice %arg19[%dma_wait3A_25] : memref<144xf32, #tpu.memory_space<vmem>> -> memref<128xf32, #tpu.memory_space<vmem>>
      tpu.wait_dma2 semaphore(%run_scoped3A : memref<!tpu.dma_semaphore, #tpu.memory_space<semaphore_mem>>) src(%arg4 : memref<128xf32, #tpu.memory_space<hbm>>) dst(%dma_wait3A_26 : memref<128xf32, #tpu.memory_space<vmem>>)
      tpu.yield
    }) : () -> ()
    %mul3A_3 = arith.constant 4 : i32
    %mul3A_4 = arith.muli %add3A, %mul3A_3 : i32
    %dma_start3A = arith.constant 0 : i32
    %dma_start3A_5 = tpu.memref_slice %arg8[%dma_start3A] : memref<65536xf32, #tpu.memory_space<vmem>> -> memref<32768xf32, #tpu.memory_space<vmem>>
    %dma_start3A_6 = arith.constant 0 : i32
    %dma_start3A_7 = tpu.memref_slice %arg2[%mul3A_4, %dma_start3A_6] : memref<128x32768xf32, #tpu.memory_space<hbm>> -> memref<1x32768xf32, #tpu.memory_space<hbm>>
    %dma_start3A_8 = tpu.memref_squeeze %dma_start3A_7 : memref<1x32768xf32, #tpu.memory_space<hbm>> -> memref<32768xf32, #tpu.memory_space<hbm>>
    %dma_start3A_9 = arith.constant 0 : i32
    %dma_start3A_10 = tpu.memref_slice %arg8[%dma_start3A_9] : memref<65536xf32, #tpu.memory_space<vmem>> -> memref<32768xf32, #tpu.memory_space<vmem>>
    %dma_start3A_11 = arith.constant 0 : i32
    %dma_start3A_12 = tpu.memref_slice %arg2[%mul3A_4, %dma_start3A_11] : memref<128x32768xf32, #tpu.memory_space<hbm>> -> memref<1x32768xf32, #tpu.memory_space<hbm>>
    %dma_start3A_13 = tpu.memref_squeeze %dma_start3A_12 : memref<1x32768xf32, #tpu.memory_space<hbm>> -> memref<32768xf32, #tpu.memory_space<hbm>>
    tpu.enqueue_dma source(%dma_start3A_13 : memref<32768xf32, #tpu.memory_space<hbm>>) target(%dma_start3A_10 : memref<32768xf32, #tpu.memory_space<vmem>>) target_semaphore(%arg26 : memref<!tpu.dma_semaphore, #tpu.memory_space<semaphore_mem>>)
    %scan3A = arith.constant 0 : i32
    %scan3A_14 = arith.constant 0 : i32
    %scan3A_15 = arith.constant 4 : i32
    %scan3A_16 = arith.addi %scan3A_14, %scan3A_15 : i32
    %scan3A_17 = arith.constant 1 : i32
    %scan3A_18 = scf.for %scan3A_20 = %scan3A_14 to %scan3A_16 step %scan3A_17 iter_args(%scan3A_21 = %scan3A) -> (i32)  : i32 {
      %mul3A_22 = arith.constant 4 : i32
      %mul3A_23 = arith.muli %add3A, %mul3A_22 : i32
      %add3A_24 = arith.addi %mul3A_23, %scan3A_20 : i32
      %jit3A = arith.constant 2 : i32
      %eq3A_25 = arith.constant 0 : i32
      %eq3A_26 = arith.cmpi eq, %jit3A, %eq3A_25 : i32
      %jit3A_27 = arith.constant 1 : i32
      %select_n3A = arith.select %eq3A_26, %jit3A_27, %jit3A : i32
      %rem3A = arith.remsi %scan3A_20, %select_n3A : i32
      %ne3A = arith.constant 0 : i32
      %ne3A_28 = arith.cmpi ne, %rem3A, %ne3A : i32
      %lt3A = arith.constant 0 : i32
      %lt3A_29 = arith.cmpi slt, %rem3A, %lt3A : i32
      %lt3A_30 = arith.constant 0 : i32
      %lt3A_31 = arith.cmpi slt, %select_n3A, %lt3A_30 : i32
      %ne3A_32 = arith.xori %lt3A_29, %lt3A_31 : i1
      %and3A = arith.andi %ne3A_32, %ne3A_28 : i1
      %add3A_33 = arith.addi %rem3A, %select_n3A : i32
      %select_n3A_34 = arith.select %and3A, %add3A_33, %rem3A : i32
      %mul3A_35 = arith.constant 32768 : i32
      %mul3A_36 = arith.muli %select_n3A_34, %mul3A_35 : i32
      %dma_wait3A = tpu.memref_slice %arg8[%mul3A_36] : memref<65536xf32, #tpu.memory_space<vmem>> -> memref<32768xf32, #tpu.memory_space<vmem>>
      %dma_wait3A_37 = arith.constant 0 : i32
      %dma_wait3A_38 = tpu.memref_slice %arg2[%add3A_24, %dma_wait3A_37] : memref<128x32768xf32, #tpu.memory_space<hbm>> -> memref<1x32768xf32, #tpu.memory_space<hbm>>
      %dma_wait3A_39 = tpu.memref_squeeze %dma_wait3A_38 : memref<1x32768xf32, #tpu.memory_space<hbm>> -> memref<32768xf32, #tpu.memory_space<hbm>>
      %dma_wait3A_40 = tpu.memref_slice %arg8[%mul3A_36] : memref<65536xf32, #tpu.memory_space<vmem>> -> memref<32768xf32, #tpu.memory_space<vmem>>
      %dma_wait3A_41 = arith.constant 0 : i32
      %dma_wait3A_42 = tpu.memref_slice %arg2[%add3A_24, %dma_wait3A_41] : memref<128x32768xf32, #tpu.memory_space<hbm>> -> memref<1x32768xf32, #tpu.memory_space<hbm>>
      %dma_wait3A_43 = tpu.memref_squeeze %dma_wait3A_42 : memref<1x32768xf32, #tpu.memory_space<hbm>> -> memref<32768xf32, #tpu.memory_space<hbm>>
      tpu.wait_dma2 semaphore(%arg26 : memref<!tpu.dma_semaphore, #tpu.memory_space<semaphore_mem>>) src(%dma_wait3A_43 : memref<32768xf32, #tpu.memory_space<hbm>>) dst(%dma_wait3A_40 : memref<32768xf32, #tpu.memory_space<vmem>>)
      %add3A_44 = arith.constant 1 : i32
      %add3A_45 = arith.addi %scan3A_20, %add3A_44 : i32
      %lt3A_46 = arith.constant 4 : i32
      %lt3A_47 = arith.cmpi slt, %add3A_45, %lt3A_46 : i32
      %convert_element_type3A = arith.extui %lt3A_47 : i1 to i32
      %cond3A = arith.constant 0 : i32
      %cond3A_48 = arith.cmpi ne, %convert_element_type3A, %cond3A : i32
      scf.if %cond3A_48 {
        %add3A_410 = arith.constant 1 : i32
        %add3A_411 = arith.addi %add3A_24, %add3A_410 : i32
        %add3A_412 = arith.constant 1 : i32
        %add3A_413 = arith.addi %scan3A_20, %add3A_412 : i32
        %jit3A_414 = arith.constant 2 : i32
        %eq3A_415 = arith.constant 0 : i32
        %eq3A_416 = arith.cmpi eq, %jit3A_414, %eq3A_415 : i32
        %jit3A_417 = arith.constant 1 : i32
        %select_n3A_418 = arith.select %eq3A_416, %jit3A_417, %jit3A_414 : i32
        %rem3A_419 = arith.remsi %add3A_413, %select_n3A_418 : i32
        %ne3A_420 = arith.constant 0 : i32
        %ne3A_421 = arith.cmpi ne, %rem3A_419, %ne3A_420 : i32
        %lt3A_422 = arith.constant 0 : i32
        %lt3A_423 = arith.cmpi slt, %rem3A_419, %lt3A_422 : i32
        %lt3A_424 = arith.constant 0 : i32
        %lt3A_425 = arith.cmpi slt, %select_n3A_418, %lt3A_424 : i32
        %ne3A_426 = arith.xori %lt3A_423, %lt3A_425 : i1
        %and3A_427 = arith.andi %ne3A_426, %ne3A_421 : i1
        %add3A_428 = arith.addi %rem3A_419, %select_n3A_418 : i32
        %select_n3A_429 = arith.select %and3A_427, %add3A_428, %rem3A_419 : i32
        %mul3A_430 = arith.constant 32768 : i32
        %mul3A_431 = arith.muli %select_n3A_429, %mul3A_430 : i32
        %dma_start3A_432 = tpu.memref_slice %arg8[%mul3A_431] : memref<65536xf32, #tpu.memory_space<vmem>> -> memref<32768xf32, #tpu.memory_space<vmem>>
        %dma_start3A_433 = arith.constant 0 : i32
        %dma_start3A_434 = tpu.memref_slice %arg2[%add3A_411, %dma_start3A_433] : memref<128x32768xf32, #tpu.memory_space<hbm>> -> memref<1x32768xf32, #tpu.memory_space<hbm>>
        %dma_start3A_435 = tpu.memref_squeeze %dma_start3A_434 : memref<1x32768xf32, #tpu.memory_space<hbm>> -> memref<32768xf32, #tpu.memory_space<hbm>>
        %dma_start3A_436 = tpu.memref_slice %arg8[%mul3A_431] : memref<65536xf32, #tpu.memory_space<vmem>> -> memref<32768xf32, #tpu.memory_space<vmem>>
        %dma_start3A_437 = arith.constant 0 : i32
        %dma_start3A_438 = tpu.memref_slice %arg2[%add3A_411, %dma_start3A_437] : memref<128x32768xf32, #tpu.memory_space<hbm>> -> memref<1x32768xf32, #tpu.memory_space<hbm>>
        %dma_start3A_439 = tpu.memref_squeeze %dma_start3A_438 : memref<1x32768xf32, #tpu.memory_space<hbm>> -> memref<32768xf32, #tpu.memory_space<hbm>>
        tpu.enqueue_dma source(%dma_start3A_439 : memref<32768xf32, #tpu.memory_space<hbm>>) target(%dma_start3A_436 : memref<32768xf32, #tpu.memory_space<vmem>>) target_semaphore(%arg26 : memref<!tpu.dma_semaphore, #tpu.memory_space<semaphore_mem>>)
      } else {
      }
      "tpu.region"() ({
        %run_scoped3A = tpu.sem_alloc : memref<!tpu.dma_semaphore, #tpu.memory_space<semaphore_mem>>
        %dma_start3A_410 = arith.constant 0 : i32
        %dma_start3A_411 = tpu.memref_slice %arg3[%add3A_24, %dma_start3A_410] : memref<128x96xf32, #tpu.memory_space<hbm>> -> memref<1x96xf32, #tpu.memory_space<hbm>>
        %dma_start3A_412 = tpu.memref_squeeze %dma_start3A_411 : memref<1x96xf32, #tpu.memory_space<hbm>> -> memref<96xf32, #tpu.memory_space<hbm>>
        %dma_start3A_413 = arith.constant 0 : i32
        %dma_start3A_414 = tpu.memref_slice %arg3[%add3A_24, %dma_start3A_413] : memref<128x96xf32, #tpu.memory_space<hbm>> -> memref<1x96xf32, #tpu.memory_space<hbm>>
        %dma_start3A_415 = tpu.memref_squeeze %dma_start3A_414 : memref<1x96xf32, #tpu.memory_space<hbm>> -> memref<96xf32, #tpu.memory_space<hbm>>
        tpu.enqueue_dma source(%dma_start3A_415 : memref<96xf32, #tpu.memory_space<hbm>>) target(%arg18 : memref<96xf32, #tpu.memory_space<vmem>>) target_semaphore(%run_scoped3A : memref<!tpu.dma_semaphore, #tpu.memory_space<semaphore_mem>>)
        %dma_wait3A_416 = arith.constant 0 : i32
        %dma_wait3A_417 = tpu.memref_slice %arg3[%add3A_24, %dma_wait3A_416] : memref<128x96xf32, #tpu.memory_space<hbm>> -> memref<1x96xf32, #tpu.memory_space<hbm>>
        %dma_wait3A_418 = tpu.memref_squeeze %dma_wait3A_417 : memref<1x96xf32, #tpu.memory_space<hbm>> -> memref<96xf32, #tpu.memory_space<hbm>>
        %dma_wait3A_419 = arith.constant 0 : i32
        %dma_wait3A_420 = tpu.memref_slice %arg3[%add3A_24, %dma_wait3A_419] : memref<128x96xf32, #tpu.memory_space<hbm>> -> memref<1x96xf32, #tpu.memory_space<hbm>>
        %dma_wait3A_421 = tpu.memref_squeeze %dma_wait3A_420 : memref<1x96xf32, #tpu.memory_space<hbm>> -> memref<96xf32, #tpu.memory_space<hbm>>
        tpu.wait_dma2 semaphore(%run_scoped3A : memref<!tpu.dma_semaphore, #tpu.memory_space<semaphore_mem>>) src(%dma_wait3A_421 : memref<96xf32, #tpu.memory_space<hbm>>) dst(%arg18 : memref<96xf32, #tpu.memory_space<vmem>>)
        tpu.yield
      }) : () -> ()
      %broadcast_in_dim3A = arith.constant 0 : i32
      %broadcast_in_dim3A_49 = vector.broadcast %broadcast_in_dim3A : i32 to vector<16xi32>
      %scan3A_50 = arith.constant 0 : i32
      %scan3A_51 = arith.constant 0 : i32
      %scan3A_52 = arith.constant 2048 : i32
      %scan3A_53 = arith.addi %scan3A_51, %scan3A_52 : i32
      %scan3A_54 = arith.constant 8 : i32
      scf.for %scan3A_410 = %scan3A_51 to %scan3A_53 step %scan3A_54  : i32 {
        %mul3A_411 = arith.constant 16 : i32
        %mul3A_412 = arith.muli %scan3A_410, %mul3A_411 : i32
        %swap3A_413 = arith.index_cast %mul3A_412 : i32 to index
        %swap3A_414 = tpu.vector_load %arg9[%swap3A_413] {strides = array<i32>} : memref<32768xi32, #tpu.memory_space<vmem>>, vector<16xi32>,
        tpu.vector_store %arg9[%swap3A_413], %broadcast_in_dim3A_49 {strides = array<i32>} : memref<32768xi32, #tpu.memory_space<vmem>>, vector<16xi32>,
        %scan3A_415 = arith.constant 1 : i32
        %scan3A_416 = arith.addi %scan3A_410, %scan3A_415 : i32
        %mul3A_417 = arith.constant 16 : i32
        %mul3A_418 = arith.muli %scan3A_416, %mul3A_417 : i32
        %swap3A_419 = arith.index_cast %mul3A_418 : i32 to index
        %swap3A_420 = tpu.vector_load %arg9[%swap3A_419] {strides = array<i32>} : memref<32768xi32, #tpu.memory_space<vmem>>, vector<16xi32>,
        tpu.vector_store %arg9[%swap3A_419], %broadcast_in_dim3A_49 {strides = array<i32>} : memref<32768xi32, #tpu.memory_space<vmem>>, vector<16xi32>,
        %scan3A_421 = arith.constant 2 : i32
        %scan3A_422 = arith.addi %scan3A_410, %scan3A_421 : i32
        %mul3A_423 = arith.constant 16 : i32
        %mul3A_424 = arith.muli %scan3A_422, %mul3A_423 : i32
        %swap3A_425 = arith.index_cast %mul3A_424 : i32 to index
        %swap3A_426 = tpu.vector_load %arg9[%swap3A_425] {strides = array<i32>} : memref<32768xi32, #tpu.memory_space<vmem>>, vector<16xi32>,
        tpu.vector_store %arg9[%swap3A_425], %broadcast_in_dim3A_49 {strides = array<i32>} : memref<32768xi32, #tpu.memory_space<vmem>>, vector<16xi32>,
        %scan3A_427 = arith.constant 3 : i32
        %scan3A_428 = arith.addi %scan3A_410, %scan3A_427 : i32
        %mul3A_429 = arith.constant 16 : i32
        %mul3A_430 = arith.muli %scan3A_428, %mul3A_429 : i32
        %swap3A_431 = arith.index_cast %mul3A_430 : i32 to index
        %swap3A_432 = tpu.vector_load %arg9[%swap3A_431] {strides = array<i32>} : memref<32768xi32, #tpu.memory_space<vmem>>, vector<16xi32>,
        tpu.vector_store %arg9[%swap3A_431], %broadcast_in_dim3A_49 {strides = array<i32>} : memref<32768xi32, #tpu.memory_space<vmem>>, vector<16xi32>,
        %scan3A_433 = arith.constant 4 : i32
        %scan3A_434 = arith.addi %scan3A_410, %scan3A_433 : i32
        %mul3A_435 = arith.constant 16 : i32
        %mul3A_436 = arith.muli %scan3A_434, %mul3A_435 : i32
        %swap3A_437 = arith.index_cast %mul3A_436 : i32 to index
        %swap3A_438 = tpu.vector_load %arg9[%swap3A_437] {strides = array<i32>} : memref<32768xi32, #tpu.memory_space<vmem>>, vector<16xi32>,
        tpu.vector_store %arg9[%swap3A_437], %broadcast_in_dim3A_49 {strides = array<i32>} : memref<32768xi32, #tpu.memory_space<vmem>>, vector<16xi32>,
        %scan3A_439 = arith.constant 5 : i32
        %scan3A_440 = arith.addi %scan3A_410, %scan3A_439 : i32
        %mul3A_441 = arith.constant 16 : i32
        %mul3A_442 = arith.muli %scan3A_440, %mul3A_441 : i32
        %swap3A_443 = arith.index_cast %mul3A_442 : i32 to index
        %swap3A_444 = tpu.vector_load %arg9[%swap3A_443] {strides = array<i32>} : memref<32768xi32, #tpu.memory_space<vmem>>, vector<16xi32>,
        tpu.vector_store %arg9[%swap3A_443], %broadcast_in_dim3A_49 {strides = array<i32>} : memref<32768xi32, #tpu.memory_space<vmem>>, vector<16xi32>,
        %scan3A_445 = arith.constant 6 : i32
        %scan3A_446 = arith.addi %scan3A_410, %scan3A_445 : i32
        %mul3A_447 = arith.constant 16 : i32
        %mul3A_448 = arith.muli %scan3A_446, %mul3A_447 : i32
        %swap3A_449 = arith.index_cast %mul3A_448 : i32 to index
        %swap3A_450 = tpu.vector_load %arg9[%swap3A_449] {strides = array<i32>} : memref<32768xi32, #tpu.memory_space<vmem>>, vector<16xi32>,
        tpu.vector_store %arg9[%swap3A_449], %broadcast_in_dim3A_49 {strides = array<i32>} : memref<32768xi32, #tpu.memory_space<vmem>>, vector<16xi32>,
        %scan3A_451 = arith.constant 7 : i32
        %scan3A_452 = arith.addi %scan3A_410, %scan3A_451 : i32
        %mul3A_453 = arith.constant 16 : i32
        %mul3A_454 = arith.muli %scan3A_452, %mul3A_453 : i32
        %swap3A_455 = arith.index_cast %mul3A_454 : i32 to index
        %swap3A_456 = tpu.vector_load %arg9[%swap3A_455] {strides = array<i32>} : memref<32768xi32, #tpu.memory_space<vmem>>, vector<16xi32>,
        tpu.vector_store %arg9[%swap3A_455], %broadcast_in_dim3A_49 {strides = array<i32>} : memref<32768xi32, #tpu.memory_space<vmem>>, vector<16xi32>,
      }
      %scan3A_55 = arith.constant 2048 : i32
      %broadcast_in_dim3A_56 = arith.constant 1 : i32
      %broadcast_in_dim3A_57 = vector.broadcast %broadcast_in_dim3A_56 : i32 to vector<16xi32>
      %broadcast_in_dim3A_58 = arith.constant -2147483648 : i32
      %broadcast_in_dim3A_59 = vector.broadcast %broadcast_in_dim3A_58 : i32 to vector<16xi32>
      %broadcast_in_dim3A_60 = arith.constant -2147483648 : i32
      %broadcast_in_dim3A_61 = vector.broadcast %broadcast_in_dim3A_60 : i32 to vector<16xi32>
      %scan3A_62 = arith.constant 0 : i32
      %scan3A_63 = arith.constant 1024 : i32
      %scan3A_64 = arith.addi %scan3A_62, %scan3A_63 : i32
      %scan3A_65 = arith.constant 2 : i32
      %scan3A_66:2 = scf.for %scan3A_410 = %scan3A_62 to %scan3A_64 step %scan3A_65 iter_args(%scan3A_411 = %broadcast_in_dim3A_59, %scan3A_412 = %broadcast_in_dim3A_61) -> (vector<16xi32>, vector<16xi32>)  : i32 {
        %add3A_413 = arith.constant 0 : i32
        %add3A_414 = arith.addi %add3A_413, %scan3A_410 : i32
        %mul3A_415 = arith.constant 16 : i32
        %mul3A_416 = arith.muli %add3A_414, %mul3A_415 : i32
        %add3A_417 = arith.addi %mul3A_36, %mul3A_416 : i32
        %get3A_418 = arith.index_cast %add3A_417 : i32 to index
        %get3A_419 = tpu.vector_load %arg8[%get3A_418] {strides = array<i32>} : memref<65536xf32, #tpu.memory_space<vmem>>, vector<16xf32>,
        %bitcast_convert_type3A = tpu.bitcast %get3A_419 : vector<16xf32> -> vector<16xi32>
        %ge3A = arith.constant 0 : i32
        %ge3A_420 = vector.broadcast %ge3A : i32 to vector<16xi32>
        %ge3A_421 = arith.cmpi sge, %bitcast_convert_type3A, %ge3A_420 : vector<16xi32>
        %xor3A = arith.constant 2147483647 : i32
        %xor3A_422 = vector.broadcast %xor3A : i32 to vector<16xi32>
        %xor3A_423 = arith.xori %bitcast_convert_type3A, %xor3A_422 : vector<16xi32>
        %select_n3A_424 = arith.select %ge3A_421, %bitcast_convert_type3A, %xor3A_423 : vector<16xi1>, vector<16xi32>
        %shift_right_arithmetic3A_425 = arith.constant 22 : i32
        %shift_right_arithmetic3A_426 = vector.broadcast %shift_right_arithmetic3A_425 : i32 to vector<16xi32>
        %shift_right_arithmetic3A_427 = arith.shrsi %select_n3A_424, %shift_right_arithmetic3A_426 : vector<16xi32>
        %add3A_428 = arith.constant 512 : i32
        %add3A_429 = vector.broadcast %add3A_428 : i32 to vector<16xi32>
        %add3A_430 = arith.addi %shift_right_arithmetic3A_427, %add3A_429 : vector<16xi32>
        %mul3A_431 = arith.constant 16 : i32
        %mul3A_432 = vector.broadcast %mul3A_431 : i32 to vector<16xi32>
        %mul3A_433 = arith.muli %add3A_430, %mul3A_432 : vector<16xi32>
        %add3A_434 = arith.constant 0 : i32
        %add3A_435 = vector.broadcast %add3A_434 : i32 to vector<16xi32>
        %add3A_436 = arith.addi %add3A_435, %mul3A_433 : vector<16xi32>
        %add3A_437 = arith.addi %add3A_436, %iota3A : vector<16xi32>
        tpu.vector_store_idx %arg9[%add3A_437], %broadcast_in_dim3A_57 {add = true} : memref<32768xi32, #tpu.memory_space<vmem>>[vector<16xi32>], vector<16xi32>,
        %max3A_438 = arith.maxsi %scan3A_411, %select_n3A_424 : vector<16xi32>
        %add3A_439 = arith.constant 1024 : i32
        %add3A_440 = arith.addi %add3A_439, %scan3A_410 : i32
        %mul3A_441 = arith.constant 16 : i32
        %mul3A_442 = arith.muli %add3A_440, %mul3A_441 : i32
        %add3A_443 = arith.addi %mul3A_36, %mul3A_442 : i32
        %get3A_444 = arith.index_cast %add3A_443 : i32 to index
        %get3A_445 = tpu.vector_load %arg8[%get3A_444] {strides = array<i32>} : memref<65536xf32, #tpu.memory_space<vmem>>, vector<16xf32>,
        %bitcast_convert_type3A_446 = tpu.bitcast %get3A_445 : vector<16xf32> -> vector<16xi32>
        %ge3A_447 = arith.constant 0 : i32
        %ge3A_448 = vector.broadcast %ge3A_447 : i32 to vector<16xi32>
        %ge3A_449 = arith.cmpi sge, %bitcast_convert_type3A_446, %ge3A_448 : vector<16xi32>
        %xor3A_450 = arith.constant 2147483647 : i32
        %xor3A_451 = vector.broadcast %xor3A_450 : i32 to vector<16xi32>
        %xor3A_452 = arith.xori %bitcast_convert_type3A_446, %xor3A_451 : vector<16xi32>
        %select_n3A_453 = arith.select %ge3A_449, %bitcast_convert_type3A_446, %xor3A_452 : vector<16xi1>, vector<16xi32>
        %shift_right_arithmetic3A_454 = arith.constant 22 : i32
        %shift_right_arithmetic3A_455 = vector.broadcast %shift_right_arithmetic3A_454 : i32 to vector<16xi32>
        %shift_right_arithmetic3A_456 = arith.shrsi %select_n3A_453, %shift_right_arithmetic3A_455 : vector<16xi32>
        %add3A_457 = arith.constant 512 : i32
        %add3A_458 = vector.broadcast %add3A_457 : i32 to vector<16xi32>
        %add3A_459 = arith.addi %shift_right_arithmetic3A_456, %add3A_458 : vector<16xi32>
        %mul3A_460 = arith.constant 16 : i32
        %mul3A_461 = vector.broadcast %mul3A_460 : i32 to vector<16xi32>
        %mul3A_462 = arith.muli %add3A_459, %mul3A_461 : vector<16xi32>
        %add3A_463 = arith.constant 16384 : i32
        %add3A_464 = vector.broadcast %add3A_463 : i32 to vector<16xi32>
        %add3A_465 = arith.addi %add3A_464, %mul3A_462 : vector<16xi32>
        %add3A_466 = arith.addi %add3A_465, %iota3A : vector<16xi32>
        tpu.vector_store_idx %arg9[%add3A_466], %broadcast_in_dim3A_57 {add = true} : memref<32768xi32, #tpu.memory_space<vmem>>[vector<16xi32>], vector<16xi32>,
        %max3A_467 = arith.maxsi %scan3A_412, %select_n3A_453 : vector<16xi32>
        %scan3A_468 = arith.constant 1 : i32
        %scan3A_469 = arith.addi %scan3A_410, %scan3A_468 : i32
        %add3A_470 = arith.constant 0 : i32
        %add3A_471 = arith.addi %add3A_470, %scan3A_469 : i32
        %mul3A_472 = arith.constant 16 : i32
        %mul3A_473 = arith.muli %add3A_471, %mul3A_472 : i32
        %add3A_474 = arith.addi %mul3A_36, %mul3A_473 : i32
        %get3A_475 = arith.index_cast %add3A_474 : i32 to index
        %get3A_476 = tpu.vector_load %arg8[%get3A_475] {strides = array<i32>} : memref<65536xf32, #tpu.memory_space<vmem>>, vector<16xf32>,
        %bitcast_convert_type3A_477 = tpu.bitcast %get3A_476 : vector<16xf32> -> vector<16xi32>
        %ge3A_478 = arith.constant 0 : i32
        %ge3A_479 = vector.broadcast %ge3A_478 : i32 to vector<16xi32>
        %ge3A_480 = arith.cmpi sge, %bitcast_convert_type3A_477, %ge3A_479 : vector<16xi32>
        %xor3A_481 = arith.constant 2147483647 : i32
        %xor3A_482 = vector.broadcast %xor3A_481 : i32 to vector<16xi32>
        %xor3A_483 = arith.xori %bitcast_convert_type3A_477, %xor3A_482 : vector<16xi32>
        %select_n3A_484 = arith.select %ge3A_480, %bitcast_convert_type3A_477, %xor3A_483 : vector<16xi1>, vector<16xi32>
        %shift_right_arithmetic3A_485 = arith.constant 22 : i32
        %shift_right_arithmetic3A_486 = vector.broadcast %shift_right_arithmetic3A_485 : i32 to vector<16xi32>
        %shift_right_arithmetic3A_487 = arith.shrsi %select_n3A_484, %shift_right_arithmetic3A_486 : vector<16xi32>
        %add3A_488 = arith.constant 512 : i32
        %add3A_489 = vector.broadcast %add3A_488 : i32 to vector<16xi32>
        %add3A_490 = arith.addi %shift_right_arithmetic3A_487, %add3A_489 : vector<16xi32>
        %mul3A_491 = arith.constant 16 : i32
        %mul3A_492 = vector.broadcast %mul3A_491 : i32 to vector<16xi32>
        %mul3A_493 = arith.muli %add3A_490, %mul3A_492 : vector<16xi32>
        %add3A_494 = arith.constant 0 : i32
        %add3A_495 = vector.broadcast %add3A_494 : i32 to vector<16xi32>
        %add3A_496 = arith.addi %add3A_495, %mul3A_493 : vector<16xi32>
        %add3A_497 = arith.addi %add3A_496, %iota3A : vector<16xi32>
        tpu.vector_store_idx %arg9[%add3A_497], %broadcast_in_dim3A_57 {add = true} : memref<32768xi32, #tpu.memory_space<vmem>>[vector<16xi32>], vector<16xi32>,
        %max3A_498 = arith.maxsi %max3A_438, %select_n3A_484 : vector<16xi32>
        %add3A_499 = arith.constant 1024 : i32
        %add3A_500 = arith.addi %add3A_499, %scan3A_469 : i32
        %mul3A_501 = arith.constant 16 : i32
        %mul3A_502 = arith.muli %add3A_500, %mul3A_501 : i32
        %add3A_503 = arith.addi %mul3A_36, %mul3A_502 : i32
        %get3A_504 = arith.index_cast %add3A_503 : i32 to index
        %get3A_505 = tpu.vector_load %arg8[%get3A_504] {strides = array<i32>} : memref<65536xf32, #tpu.memory_space<vmem>>, vector<16xf32>,
        %bitcast_convert_type3A_506 = tpu.bitcast %get3A_505 : vector<16xf32> -> vector<16xi32>
        %ge3A_507 = arith.constant 0 : i32
        %ge3A_508 = vector.broadcast %ge3A_507 : i32 to vector<16xi32>
        %ge3A_509 = arith.cmpi sge, %bitcast_convert_type3A_506, %ge3A_508 : vector<16xi32>
        %xor3A_510 = arith.constant 2147483647 : i32
        %xor3A_511 = vector.broadcast %xor3A_510 : i32 to vector<16xi32>
        %xor3A_512 = arith.xori %bitcast_convert_type3A_506, %xor3A_511 : vector<16xi32>
        %select_n3A_513 = arith.select %ge3A_509, %bitcast_convert_type3A_506, %xor3A_512 : vector<16xi1>, vector<16xi32>
        %shift_right_arithmetic3A_514 = arith.constant 22 : i32
        %shift_right_arithmetic3A_515 = vector.broadcast %shift_right_arithmetic3A_514 : i32 to vector<16xi32>
        %shift_right_arithmetic3A_516 = arith.shrsi %select_n3A_513, %shift_right_arithmetic3A_515 : vector<16xi32>
        %add3A_517 = arith.constant 512 : i32
        %add3A_518 = vector.broadcast %add3A_517 : i32 to vector<16xi32>
        %add3A_519 = arith.addi %shift_right_arithmetic3A_516, %add3A_518 : vector<16xi32>
        %mul3A_520 = arith.constant 16 : i32
        %mul3A_521 = vector.broadcast %mul3A_520 : i32 to vector<16xi32>
        %mul3A_522 = arith.muli %add3A_519, %mul3A_521 : vector<16xi32>
        %add3A_523 = arith.constant 16384 : i32
        %add3A_524 = vector.broadcast %add3A_523 : i32 to vector<16xi32>
        %add3A_525 = arith.addi %add3A_524, %mul3A_522 : vector<16xi32>
        %add3A_526 = arith.addi %add3A_525, %iota3A : vector<16xi32>
        tpu.vector_store_idx %arg9[%add3A_526], %broadcast_in_dim3A_57 {add = true} : memref<32768xi32, #tpu.memory_space<vmem>>[vector<16xi32>], vector<16xi32>,
        %max3A_527 = arith.maxsi %max3A_467, %select_n3A_513 : vector<16xi32>
        scf.yield %max3A_498, %max3A_527 : vector<16xi32>, vector<16xi32>
      }
      %scan3A_67 = arith.constant 1024 : i32
      %max3A = arith.maxsi %scan3A_66#0, %scan3A_66#1 : vector<16xi32>
      %reduce_max3A = arith.constant true
      %reduce_max3A_68 = vector.broadcast %reduce_max3A : i1 to vector<16xi1>
      %reduce_max3A_69 = arith.constant -2147483648 : i32
      %reduce_max3A_70 = vector.broadcast %reduce_max3A_69 : i32 to vector<16xi32>
      %reduce_max3A_71 = arith.xori %max3A, %reduce_max3A_70 : vector<16xi32>
      %reduce_max3A_72 = tpu.scan <max>, %reduce_max3A_71 masked %reduce_max3A_68 : vector<16xi32>, vector<16xi1> -> vector<16xi32>
      %reduce_max3A_73 = arith.xori %reduce_max3A_72, %reduce_max3A_70 : vector<16xi32>
      %reduce_max3A_74 = vector.extract %reduce_max3A_73[15] : i32 from vector<16xi32>
      %shift_right_arithmetic3A = arith.constant 22 : i32
      %shift_right_arithmetic3A_75 = arith.shrsi %reduce_max3A_74, %shift_right_arithmetic3A : i32
      %add3A_76 = arith.constant 512 : i32
      %add3A_77 = arith.addi %shift_right_arithmetic3A_75, %add3A_76 : i32
      %add3A_78 = arith.constant 1 : i32
      %add3A_79 = arith.addi %add3A_77, %add3A_78 : i32
      %while3A = arith.constant 0 : i32
      %while3A_80:2 = scf.while (%while3A_410 = %add3A_79, %while3A_411 = %while3A) : (i32, i32) -> (i32, i32) {
        %lt3A_412 = arith.constant 96 : i32
        %lt3A_413 = arith.cmpi slt, %while3A_411, %lt3A_412 : i32
        %gt3A = arith.constant 0 : i32
        %gt3A_414 = arith.cmpi sgt, %while3A_410, %gt3A : i32
        %and3A_415 = arith.andi %lt3A_413, %gt3A_414 : i1
        scf.condition(%and3A_415) %while3A_410, %while3A_411 : i32, i32
      } do {
      ^bb0(%while3A_410: i32, %while3A_411: i32):
        %sub3A_412 = arith.constant 1 : i32
        %sub3A_413 = arith.subi %while3A_410, %sub3A_412 : i32
        %mul3A_414 = arith.constant 16 : i32
        %mul3A_415 = arith.muli %sub3A_413, %mul3A_414 : i32
        %get3A_416 = arith.index_cast %mul3A_415 : i32 to index
        %get3A_417 = tpu.vector_load %arg9[%get3A_416] {strides = array<i32>} : memref<32768xi32, #tpu.memory_space<vmem>>, vector<16xi32>,
        %mul3A_418 = arith.constant 16 : i32
        %mul3A_419 = arith.muli %sub3A_413, %mul3A_418 : i32
        %add3A_420 = arith.constant 16384 : i32
        %add3A_421 = arith.addi %add3A_420, %mul3A_419 : i32
        %get3A_422 = arith.index_cast %add3A_421 : i32 to index
        %get3A_423 = tpu.vector_load %arg9[%get3A_422] {strides = array<i32>} : memref<32768xi32, #tpu.memory_space<vmem>>, vector<16xi32>,
        %add3A_424 = arith.addi %get3A_417, %get3A_423 : vector<16xi32>
        %reduce_sum3A = arith.constant true
        %reduce_sum3A_425 = vector.broadcast %reduce_sum3A : i1 to vector<16xi1>
        %reduce_sum3A_426 = tpu.scan <sum>, %add3A_424 masked %reduce_sum3A_425 : vector<16xi32>, vector<16xi1> -> vector<16xi32>
        %reduce_sum3A_427 = vector.extract %reduce_sum3A_426[15] : i32 from vector<16xi32>
        %add3A_428 = arith.addi %while3A_411, %reduce_sum3A_427 : i32
        scf.yield %sub3A_413, %add3A_428 : i32, i32
      }
      %sub3A = arith.constant 512 : i32
      %sub3A_81 = arith.subi %while3A_80#0, %sub3A : i32
      %shift_left3A = arith.constant 22 : i32
      %shift_left3A_82 = arith.shli %sub3A_81, %shift_left3A : i32
      %scan3A_83 = arith.constant 0 : i32
      %scan3A_84 = arith.constant 0 : i32
      %scan3A_85 = arith.constant 0 : i32
      %scan3A_86 = arith.constant 0 : i32
      %scan3A_87 = arith.constant 0 : i32
      %scan3A_88 = arith.constant 512 : i32
      %scan3A_89 = arith.addi %scan3A_87, %scan3A_88 : i32
      %scan3A_90 = arith.constant 1 : i32
      %scan3A_91:4 = scf.for %scan3A_410 = %scan3A_87 to %scan3A_89 step %scan3A_90 iter_args(%scan3A_411 = %scan3A_83, %scan3A_412 = %scan3A_84, %scan3A_413 = %scan3A_85, %scan3A_414 = %scan3A_86) -> (i32, i32, i32, i32)  : i32 {
        %add3A_415 = arith.constant 0 : i32
        %add3A_416 = arith.addi %add3A_415, %scan3A_410 : i32
        %mul3A_417 = arith.constant 16 : i32
        %mul3A_418 = arith.muli %add3A_416, %mul3A_417 : i32
        %add3A_419 = arith.addi %mul3A_36, %mul3A_418 : i32
        %get3A_420 = arith.index_cast %add3A_419 : i32 to index
        %get3A_421 = tpu.vector_load %arg8[%get3A_420] {strides = array<i32>} : memref<65536xf32, #tpu.memory_space<vmem>>, vector<16xf32>,
        %bitcast_convert_type3A = tpu.bitcast %get3A_421 : vector<16xf32> -> vector<16xi32>
        %ge3A = arith.constant 0 : i32
        %ge3A_422 = vector.broadcast %ge3A : i32 to vector<16xi32>
        %ge3A_423 = arith.cmpi sge, %bitcast_convert_type3A, %ge3A_422 : vector<16xi32>
        %xor3A = arith.constant 2147483647 : i32
        %xor3A_424 = vector.broadcast %xor3A : i32 to vector<16xi32>
        %xor3A_425 = arith.xori %bitcast_convert_type3A, %xor3A_424 : vector<16xi32>
        %select_n3A_426 = arith.select %ge3A_423, %bitcast_convert_type3A, %xor3A_425 : vector<16xi1>, vector<16xi32>
        %ge3A_427 = vector.broadcast %shift_left3A_82 : i32 to vector<16xi32>
        %ge3A_428 = arith.cmpi sge, %select_n3A_426, %ge3A_427 : vector<16xi32>
        %all_reduce_population_count3A = tpu.all_reduce %ge3A_428 {dim = 0 : i64, kind = #tpu.reduction_kind<sum>} : vector<16xi1> -> vector<16xi32>
        %slice3A_429 = vector.extract_strided_slice %all_reduce_population_count3A {offsets = [0], sizes = [1], strides = [1]} : vector<16xi32> to vector<1xi32>
        %squeeze3A_430 = vector.extract %slice3A_429[0] : i32 from vector<1xi32>
        %add3A_431 = arith.constant 0 : i32
        %add3A_432 = arith.addi %add3A_431, %scan3A_411 : i32
        %swap3A_433 = arith.index_cast %add3A_432 : i32 to index
        %swap3A_434 = tpu.vector_load %arg10[%swap3A_433] masked %ge3A_428 {strides = array<i32>} : memref<4160xi32, #tpu.memory_space<vmem>>, vector<16xi32>, vector<16xi1>
        tpu.vector_store %arg10[%swap3A_433], %select_n3A_426 masked %ge3A_428 {strides = array<i32>} : memref<4160xi32, #tpu.memory_space<vmem>>, vector<16xi32>, vector<16xi1>
        %add3A_435 = arith.constant 0 : i32
        %add3A_436 = arith.addi %add3A_435, %scan3A_411 : i32
        %swap3A_437 = arith.index_cast %add3A_436 : i32 to index
        %swap3A_438 = tpu.vector_load %arg11[%swap3A_437] masked %ge3A_428 {strides = array<i32>} : memref<4160xf32, #tpu.memory_space<vmem>>, vector<16xf32>, vector<16xi1>
        tpu.vector_store %arg11[%swap3A_437], %get3A_421 masked %ge3A_428 {strides = array<i32>} : memref<4160xf32, #tpu.memory_space<vmem>>, vector<16xf32>, vector<16xi1>
        %add3A_439 = arith.constant 0 : i32
        %add3A_440 = arith.addi %add3A_439, %scan3A_411 : i32
        %add3A_441 = arith.constant 0 : i32
        %add3A_442 = arith.addi %add3A_441, %scan3A_410 : i32
        %mul3A_443 = arith.constant 16 : i32
        %mul3A_444 = arith.muli %add3A_442, %mul3A_443 : i32
        %add3A_445 = vector.broadcast %mul3A_444 : i32 to vector<16xi32>
        %add3A_446 = arith.addi %add3A_445, %iota3A : vector<16xi32>
        %swap3A_447 = arith.index_cast %add3A_440 : i32 to index
        %swap3A_448 = tpu.vector_load %arg12[%swap3A_447] masked %ge3A_428 {strides = array<i32>} : memref<4160xi32, #tpu.memory_space<vmem>>, vector<16xi32>, vector<16xi1>
        tpu.vector_store %arg12[%swap3A_447], %add3A_446 masked %ge3A_428 {strides = array<i32>} : memref<4160xi32, #tpu.memory_space<vmem>>, vector<16xi32>, vector<16xi1>
        %add3A_449 = arith.addi %scan3A_411, %squeeze3A_430 : i32
        %min3A = arith.constant 1024 : i32
        %min3A_450 = arith.minsi %add3A_449, %min3A : i32
        %add3A_451 = arith.constant 512 : i32
        %add3A_452 = arith.addi %add3A_451, %scan3A_410 : i32
        %mul3A_453 = arith.constant 16 : i32
        %mul3A_454 = arith.muli %add3A_452, %mul3A_453 : i32
        %add3A_455 = arith.addi %mul3A_36, %mul3A_454 : i32
        %get3A_456 = arith.index_cast %add3A_455 : i32 to index
        %get3A_457 = tpu.vector_load %arg8[%get3A_456] {strides = array<i32>} : memref<65536xf32, #tpu.memory_space<vmem>>, vector<16xf32>,
        %bitcast_convert_type3A_458 = tpu.bitcast %get3A_457 : vector<16xf32> -> vector<16xi32>
        %ge3A_459 = arith.constant 0 : i32
        %ge3A_460 = vector.broadcast %ge3A_459 : i32 to vector<16xi32>
        %ge3A_461 = arith.cmpi sge, %bitcast_convert_type3A_458, %ge3A_460 : vector<16xi32>
        %xor3A_462 = arith.constant 2147483647 : i32
        %xor3A_463 = vector.broadcast %xor3A_462 : i32 to vector<16xi32>
        %xor3A_464 = arith.xori %bitcast_convert_type3A_458, %xor3A_463 : vector<16xi32>
        %select_n3A_465 = arith.select %ge3A_461, %bitcast_convert_type3A_458, %xor3A_464 : vector<16xi1>, vector<16xi32>
        %ge3A_466 = vector.broadcast %shift_left3A_82 : i32 to vector<16xi32>
        %ge3A_467 = arith.cmpi sge, %select_n3A_465, %ge3A_466 : vector<16xi32>
        %all_reduce_population_count3A_468 = tpu.all_reduce %ge3A_467 {dim = 0 : i64, kind = #tpu.reduction_kind<sum>} : vector<16xi1> -> vector<16xi32>
        %slice3A_469 = vector.extract_strided_slice %all_reduce_population_count3A_468 {offsets = [0], sizes = [1], strides = [1]} : vector<16xi32> to vector<1xi32>
        %squeeze3A_470 = vector.extract %slice3A_469[0] : i32 from vector<1xi32>
        %add3A_471 = arith.constant 1040 : i32
        %add3A_472 = arith.addi %add3A_471, %scan3A_412 : i32
        %swap3A_473 = arith.index_cast %add3A_472 : i32 to index
        %swap3A_474 = tpu.vector_load %arg10[%swap3A_473] masked %ge3A_467 {strides = array<i32>} : memref<4160xi32, #tpu.memory_space<vmem>>, vector<16xi32>, vector<16xi1>
        tpu.vector_store %arg10[%swap3A_473], %select_n3A_465 masked %ge3A_467 {strides = array<i32>} : memref<4160xi32, #tpu.memory_space<vmem>>, vector<16xi32>, vector<16xi1>
        %add3A_475 = arith.constant 1040 : i32
        %add3A_476 = arith.addi %add3A_475, %scan3A_412 : i32
        %swap3A_477 = arith.index_cast %add3A_476 : i32 to index
        %swap3A_478 = tpu.vector_load %arg11[%swap3A_477] masked %ge3A_467 {strides = array<i32>} : memref<4160xf32, #tpu.memory_space<vmem>>, vector<16xf32>, vector<16xi1>
        tpu.vector_store %arg11[%swap3A_477], %get3A_457 masked %ge3A_467 {strides = array<i32>} : memref<4160xf32, #tpu.memory_space<vmem>>, vector<16xf32>, vector<16xi1>
        %add3A_479 = arith.constant 1040 : i32
        %add3A_480 = arith.addi %add3A_479, %scan3A_412 : i32
        %add3A_481 = arith.constant 512 : i32
        %add3A_482 = arith.addi %add3A_481, %scan3A_410 : i32
        %mul3A_483 = arith.constant 16 : i32
        %mul3A_484 = arith.muli %add3A_482, %mul3A_483 : i32
        %add3A_485 = vector.broadcast %mul3A_484 : i32 to vector<16xi32>
        %add3A_486 = arith.addi %add3A_485, %iota3A : vector<16xi32>
        %swap3A_487 = arith.index_cast %add3A_480 : i32 to index
        %swap3A_488 = tpu.vector_load %arg12[%swap3A_487] masked %ge3A_467 {strides = array<i32>} : memref<4160xi32, #tpu.memory_space<vmem>>, vector<16xi32>, vector<16xi1>
        tpu.vector_store %arg12[%swap3A_487], %add3A_486 masked %ge3A_467 {strides = array<i32>} : memref<4160xi32, #tpu.memory_space<vmem>>, vector<16xi32>, vector<16xi1>
        %add3A_489 = arith.addi %scan3A_412, %squeeze3A_470 : i32
        %min3A_490 = arith.constant 1024 : i32
        %min3A_491 = arith.minsi %add3A_489, %min3A_490 : i32
        %add3A_492 = arith.constant 1024 : i32
        %add3A_493 = arith.addi %add3A_492, %scan3A_410 : i32
        %mul3A_494 = arith.constant 16 : i32
        %mul3A_495 = arith.muli %add3A_493, %mul3A_494 : i32
        %add3A_496 = arith.addi %mul3A_36, %mul3A_495 : i32
        %get3A_497 = arith.index_cast %add3A_496 : i32 to index
        %get3A_498 = tpu.vector_load %arg8[%get3A_497] {strides = array<i32>} : memref<65536xf32, #tpu.memory_space<vmem>>, vector<16xf32>,
        %bitcast_convert_type3A_499 = tpu.bitcast %get3A_498 : vector<16xf32> -> vector<16xi32>
        %ge3A_500 = arith.constant 0 : i32
        %ge3A_501 = vector.broadcast %ge3A_500 : i32 to vector<16xi32>
        %ge3A_502 = arith.cmpi sge, %bitcast_convert_type3A_499, %ge3A_501 : vector<16xi32>
        %xor3A_503 = arith.constant 2147483647 : i32
        %xor3A_504 = vector.broadcast %xor3A_503 : i32 to vector<16xi32>
        %xor3A_505 = arith.xori %bitcast_convert_type3A_499, %xor3A_504 : vector<16xi32>
        %select_n3A_506 = arith.select %ge3A_502, %bitcast_convert_type3A_499, %xor3A_505 : vector<16xi1>, vector<16xi32>
        %ge3A_507 = vector.broadcast %shift_left3A_82 : i32 to vector<16xi32>
        %ge3A_508 = arith.cmpi sge, %select_n3A_506, %ge3A_507 : vector<16xi32>
        %all_reduce_population_count3A_509 = tpu.all_reduce %ge3A_508 {dim = 0 : i64, kind = #tpu.reduction_kind<sum>} : vector<16xi1> -> vector<16xi32>
        %slice3A_510 = vector.extract_strided_slice %all_reduce_population_count3A_509 {offsets = [0], sizes = [1], strides = [1]} : vector<16xi32> to vector<1xi32>
        %squeeze3A_511 = vector.extract %slice3A_510[0] : i32 from vector<1xi32>
        %add3A_512 = arith.constant 2080 : i32
        %add3A_513 = arith.addi %add3A_512, %scan3A_413 : i32
        %swap3A_514 = arith.index_cast %add3A_513 : i32 to index
        %swap3A_515 = tpu.vector_load %arg10[%swap3A_514] masked %ge3A_508 {strides = array<i32>} : memref<4160xi32, #tpu.memory_space<vmem>>, vector<16xi32>, vector<16xi1>
        tpu.vector_store %arg10[%swap3A_514], %select_n3A_506 masked %ge3A_508 {strides = array<i32>} : memref<4160xi32, #tpu.memory_space<vmem>>, vector<16xi32>, vector<16xi1>
        %add3A_516 = arith.constant 2080 : i32
        %add3A_517 = arith.addi %add3A_516, %scan3A_413 : i32
        %swap3A_518 = arith.index_cast %add3A_517 : i32 to index
        %swap3A_519 = tpu.vector_load %arg11[%swap3A_518] masked %ge3A_508 {strides = array<i32>} : memref<4160xf32, #tpu.memory_space<vmem>>, vector<16xf32>, vector<16xi1>
        tpu.vector_store %arg11[%swap3A_518], %get3A_498 masked %ge3A_508 {strides = array<i32>} : memref<4160xf32, #tpu.memory_space<vmem>>, vector<16xf32>, vector<16xi1>
        %add3A_520 = arith.constant 2080 : i32
        %add3A_521 = arith.addi %add3A_520, %scan3A_413 : i32
        %add3A_522 = arith.constant 1024 : i32
        %add3A_523 = arith.addi %add3A_522, %scan3A_410 : i32
        %mul3A_524 = arith.constant 16 : i32
        %mul3A_525 = arith.muli %add3A_523, %mul3A_524 : i32
        %add3A_526 = vector.broadcast %mul3A_525 : i32 to vector<16xi32>
        %add3A_527 = arith.addi %add3A_526, %iota3A : vector<16xi32>
        %swap3A_528 = arith.index_cast %add3A_521 : i32 to index
        %swap3A_529 = tpu.vector_load %arg12[%swap3A_528] masked %ge3A_508 {strides = array<i32>} : memref<4160xi32, #tpu.memory_space<vmem>>, vector<16xi32>, vector<16xi1>
        tpu.vector_store %arg12[%swap3A_528], %add3A_527 masked %ge3A_508 {strides = array<i32>} : memref<4160xi32, #tpu.memory_space<vmem>>, vector<16xi32>, vector<16xi1>
        %add3A_530 = arith.addi %scan3A_413, %squeeze3A_511 : i32
        %min3A_531 = arith.constant 1024 : i32
        %min3A_532 = arith.minsi %add3A_530, %min3A_531 : i32
        %add3A_533 = arith.constant 1536 : i32
        %add3A_534 = arith.addi %add3A_533, %scan3A_410 : i32
        %mul3A_535 = arith.constant 16 : i32
        %mul3A_536 = arith.muli %add3A_534, %mul3A_535 : i32
        %add3A_537 = arith.addi %mul3A_36, %mul3A_536 : i32
        %get3A_538 = arith.index_cast %add3A_537 : i32 to index
        %get3A_539 = tpu.vector_load %arg8[%get3A_538] {strides = array<i32>} : memref<65536xf32, #tpu.memory_space<vmem>>, vector<16xf32>,
        %bitcast_convert_type3A_540 = tpu.bitcast %get3A_539 : vector<16xf32> -> vector<16xi32>
        %ge3A_541 = arith.constant 0 : i32
        %ge3A_542 = vector.broadcast %ge3A_541 : i32 to vector<16xi32>
        %ge3A_543 = arith.cmpi sge, %bitcast_convert_type3A_540, %ge3A_542 : vector<16xi32>
        %xor3A_544 = arith.constant 2147483647 : i32
        %xor3A_545 = vector.broadcast %xor3A_544 : i32 to vector<16xi32>
        %xor3A_546 = arith.xori %bitcast_convert_type3A_540, %xor3A_545 : vector<16xi32>
        %select_n3A_547 = arith.select %ge3A_543, %bitcast_convert_type3A_540, %xor3A_546 : vector<16xi1>, vector<16xi32>
        %ge3A_548 = vector.broadcast %shift_left3A_82 : i32 to vector<16xi32>
        %ge3A_549 = arith.cmpi sge, %select_n3A_547, %ge3A_548 : vector<16xi32>
        %all_reduce_population_count3A_550 = tpu.all_reduce %ge3A_549 {dim = 0 : i64, kind = #tpu.reduction_kind<sum>} : vector<16xi1> -> vector<16xi32>
        %slice3A_551 = vector.extract_strided_slice %all_reduce_population_count3A_550 {offsets = [0], sizes = [1], strides = [1]} : vector<16xi32> to vector<1xi32>
        %squeeze3A_552 = vector.extract %slice3A_551[0] : i32 from vector<1xi32>
        %add3A_553 = arith.constant 3120 : i32
        %add3A_554 = arith.addi %add3A_553, %scan3A_414 : i32
        %swap3A_555 = arith.index_cast %add3A_554 : i32 to index
        %swap3A_556 = tpu.vector_load %arg10[%swap3A_555] masked %ge3A_549 {strides = array<i32>} : memref<4160xi32, #tpu.memory_space<vmem>>, vector<16xi32>, vector<16xi1>
        tpu.vector_store %arg10[%swap3A_555], %select_n3A_547 masked %ge3A_549 {strides = array<i32>} : memref<4160xi32, #tpu.memory_space<vmem>>, vector<16xi32>, vector<16xi1>
        %add3A_557 = arith.constant 3120 : i32
        %add3A_558 = arith.addi %add3A_557, %scan3A_414 : i32
        %swap3A_559 = arith.index_cast %add3A_558 : i32 to index
        %swap3A_560 = tpu.vector_load %arg11[%swap3A_559] masked %ge3A_549 {strides = array<i32>} : memref<4160xf32, #tpu.memory_space<vmem>>, vector<16xf32>, vector<16xi1>
        tpu.vector_store %arg11[%swap3A_559], %get3A_539 masked %ge3A_549 {strides = array<i32>} : memref<4160xf32, #tpu.memory_space<vmem>>, vector<16xf32>, vector<16xi1>
        %add3A_561 = arith.constant 3120 : i32
        %add3A_562 = arith.addi %add3A_561, %scan3A_414 : i32
        %add3A_563 = arith.constant 1536 : i32
        %add3A_564 = arith.addi %add3A_563, %scan3A_410 : i32
        %mul3A_565 = arith.constant 16 : i32
        %mul3A_566 = arith.muli %add3A_564, %mul3A_565 : i32
        %add3A_567 = vector.broadcast %mul3A_566 : i32 to vector<16xi32>
        %add3A_568 = arith.addi %add3A_567, %iota3A : vector<16xi32>
        %swap3A_569 = arith.index_cast %add3A_562 : i32 to index
        %swap3A_570 = tpu.vector_load %arg12[%swap3A_569] masked %ge3A_549 {strides = array<i32>} : memref<4160xi32, #tpu.memory_space<vmem>>, vector<16xi32>, vector<16xi1>
        tpu.vector_store %arg12[%swap3A_569], %add3A_568 masked %ge3A_549 {strides = array<i32>} : memref<4160xi32, #tpu.memory_space<vmem>>, vector<16xi32>, vector<16xi1>
        %add3A_571 = arith.addi %scan3A_414, %squeeze3A_552 : i32
        %min3A_572 = arith.constant 1024 : i32
        %min3A_573 = arith.minsi %add3A_571, %min3A_572 : i32
        scf.yield %min3A_450, %min3A_491, %min3A_532, %min3A_573 : i32, i32, i32, i32
      }
      %scan3A_92 = arith.constant 512 : i32
      %broadcast_in_dim3A_93 = arith.constant -2147483648 : i32
      %broadcast_in_dim3A_94 = vector.broadcast %broadcast_in_dim3A_93 : i32 to vector<16xi32>
      %add3A_95 = arith.constant 0 : i32
      %add3A_96 = arith.addi %add3A_95, %scan3A_91#0 : i32
      %swap3A = arith.index_cast %add3A_96 : i32 to index
      %swap3A_97 = tpu.vector_load %arg10[%swap3A] {strides = array<i32>} : memref<4160xi32, #tpu.memory_space<vmem>>, vector<16xi32>,
      tpu.vector_store %arg10[%swap3A], %broadcast_in_dim3A_94 {strides = array<i32>} : memref<4160xi32, #tpu.memory_space<vmem>>, vector<16xi32>,
      %jit3A_98 = arith.constant 16 : i32
      %div3A = arith.divsi %scan3A_91#0, %jit3A_98 : i32
      %sign3A = arith.constant 0 : i32
      %sign3A_99 = arith.cmpi sgt, %scan3A_91#0, %sign3A : i32
      %sign3A_100 = arith.extui %sign3A_99 : i1 to i32
      %sign3A_101 = arith.constant 0 : i32
      %sign3A_102 = arith.cmpi slt, %scan3A_91#0, %sign3A_101 : i32
      %sign3A_103 = arith.extui %sign3A_102 : i1 to i32
      %sign3A_104 = arith.subi %sign3A_100, %sign3A_103 : i32
      %sign3A_105 = arith.constant 0 : i32
      %sign3A_106 = arith.cmpi sgt, %jit3A_98, %sign3A_105 : i32
      %sign3A_107 = arith.extui %sign3A_106 : i1 to i32
      %sign3A_108 = arith.constant 0 : i32
      %sign3A_109 = arith.cmpi slt, %jit3A_98, %sign3A_108 : i32
      %sign3A_110 = arith.extui %sign3A_109 : i1 to i32
      %sign3A_111 = arith.subi %sign3A_107, %sign3A_110 : i32
      %ne3A_112 = arith.cmpi ne, %sign3A_104, %sign3A_111 : i32
      %rem3A_113 = arith.remsi %scan3A_91#0, %jit3A_98 : i32
      %ne3A_114 = arith.constant 0 : i32
      %ne3A_115 = arith.cmpi ne, %rem3A_113, %ne3A_114 : i32
      %and3A_116 = arith.andi %ne3A_112, %ne3A_115 : i1
      %sub3A_117 = arith.constant 1 : i32
      %sub3A_118 = arith.subi %div3A, %sub3A_117 : i32
      %select_n3A_119 = arith.select %and3A_116, %sub3A_118, %div3A : i32
      %add3A_120 = arith.constant 1 : i32
      %add3A_121 = arith.addi %select_n3A_119, %add3A_120 : i32
      %broadcast_in_dim3A_122 = arith.constant -2147483648 : i32
      %broadcast_in_dim3A_123 = vector.broadcast %broadcast_in_dim3A_122 : i32 to vector<16xi32>
      %add3A_124 = arith.constant 1040 : i32
      %add3A_125 = arith.addi %add3A_124, %scan3A_91#1 : i32
      %swap3A_126 = arith.index_cast %add3A_125 : i32 to index
      %swap3A_127 = tpu.vector_load %arg10[%swap3A_126] {strides = array<i32>} : memref<4160xi32, #tpu.memory_space<vmem>>, vector<16xi32>,
      tpu.vector_store %arg10[%swap3A_126], %broadcast_in_dim3A_123 {strides = array<i32>} : memref<4160xi32, #tpu.memory_space<vmem>>, vector<16xi32>,
      %jit3A_128 = arith.constant 16 : i32
      %div3A_129 = arith.divsi %scan3A_91#1, %jit3A_128 : i32
      %sign3A_130 = arith.constant 0 : i32
      %sign3A_131 = arith.cmpi sgt, %scan3A_91#1, %sign3A_130 : i32
      %sign3A_132 = arith.extui %sign3A_131 : i1 to i32
      %sign3A_133 = arith.constant 0 : i32
      %sign3A_134 = arith.cmpi slt, %scan3A_91#1, %sign3A_133 : i32
      %sign3A_135 = arith.extui %sign3A_134 : i1 to i32
      %sign3A_136 = arith.subi %sign3A_132, %sign3A_135 : i32
      %sign3A_137 = arith.constant 0 : i32
      %sign3A_138 = arith.cmpi sgt, %jit3A_128, %sign3A_137 : i32
      %sign3A_139 = arith.extui %sign3A_138 : i1 to i32
      %sign3A_140 = arith.constant 0 : i32
      %sign3A_141 = arith.cmpi slt, %jit3A_128, %sign3A_140 : i32
      %sign3A_142 = arith.extui %sign3A_141 : i1 to i32
      %sign3A_143 = arith.subi %sign3A_139, %sign3A_142 : i32
      %ne3A_144 = arith.cmpi ne, %sign3A_136, %sign3A_143 : i32
      %rem3A_145 = arith.remsi %scan3A_91#1, %jit3A_128 : i32
      %ne3A_146 = arith.constant 0 : i32
      %ne3A_147 = arith.cmpi ne, %rem3A_145, %ne3A_146 : i32
      %and3A_148 = arith.andi %ne3A_144, %ne3A_147 : i1
      %sub3A_149 = arith.constant 1 : i32
      %sub3A_150 = arith.subi %div3A_129, %sub3A_149 : i32
      %select_n3A_151 = arith.select %and3A_148, %sub3A_150, %div3A_129 : i32
      %add3A_152 = arith.constant 1 : i32
      %add3A_153 = arith.addi %select_n3A_151, %add3A_152 : i32
      %broadcast_in_dim3A_154 = arith.constant -2147483648 : i32
      %broadcast_in_dim3A_155 = vector.broadcast %broadcast_in_dim3A_154 : i32 to vector<16xi32>
      %add3A_156 = arith.constant 2080 : i32
      %add3A_157 = arith.addi %add3A_156, %scan3A_91#2 : i32
      %swap3A_158 = arith.index_cast %add3A_157 : i32 to index
      %swap3A_159 = tpu.vector_load %arg10[%swap3A_158] {strides = array<i32>} : memref<4160xi32, #tpu.memory_space<vmem>>, vector<16xi32>,
      tpu.vector_store %arg10[%swap3A_158], %broadcast_in_dim3A_155 {strides = array<i32>} : memref<4160xi32, #tpu.memory_space<vmem>>, vector<16xi32>,
      %jit3A_160 = arith.constant 16 : i32
      %div3A_161 = arith.divsi %scan3A_91#2, %jit3A_160 : i32
      %sign3A_162 = arith.constant 0 : i32
      %sign3A_163 = arith.cmpi sgt, %scan3A_91#2, %sign3A_162 : i32
      %sign3A_164 = arith.extui %sign3A_163 : i1 to i32
      %sign3A_165 = arith.constant 0 : i32
      %sign3A_166 = arith.cmpi slt, %scan3A_91#2, %sign3A_165 : i32
      %sign3A_167 = arith.extui %sign3A_166 : i1 to i32
      %sign3A_168 = arith.subi %sign3A_164, %sign3A_167 : i32
      %sign3A_169 = arith.constant 0 : i32
      %sign3A_170 = arith.cmpi sgt, %jit3A_160, %sign3A_169 : i32
      %sign3A_171 = arith.extui %sign3A_170 : i1 to i32
      %sign3A_172 = arith.constant 0 : i32
      %sign3A_173 = arith.cmpi slt, %jit3A_160, %sign3A_172 : i32
      %sign3A_174 = arith.extui %sign3A_173 : i1 to i32
      %sign3A_175 = arith.subi %sign3A_171, %sign3A_174 : i32
      %ne3A_176 = arith.cmpi ne, %sign3A_168, %sign3A_175 : i32
      %rem3A_177 = arith.remsi %scan3A_91#2, %jit3A_160 : i32
      %ne3A_178 = arith.constant 0 : i32
      %ne3A_179 = arith.cmpi ne, %rem3A_177, %ne3A_178 : i32
      %and3A_180 = arith.andi %ne3A_176, %ne3A_179 : i1
      %sub3A_181 = arith.constant 1 : i32
      %sub3A_182 = arith.subi %div3A_161, %sub3A_181 : i32
      %select_n3A_183 = arith.select %and3A_180, %sub3A_182, %div3A_161 : i32
      %add3A_184 = arith.constant 1 : i32
      %add3A_185 = arith.addi %select_n3A_183, %add3A_184 : i32
      %broadcast_in_dim3A_186 = arith.constant -2147483648 : i32
      %broadcast_in_dim3A_187 = vector.broadcast %broadcast_in_dim3A_186 : i32 to vector<16xi32>
      %add3A_188 = arith.constant 3120 : i32
      %add3A_189 = arith.addi %add3A_188, %scan3A_91#3 : i32
      %swap3A_190 = arith.index_cast %add3A_189 : i32 to index
      %swap3A_191 = tpu.vector_load %arg10[%swap3A_190] {strides = array<i32>} : memref<4160xi32, #tpu.memory_space<vmem>>, vector<16xi32>,
      tpu.vector_store %arg10[%swap3A_190], %broadcast_in_dim3A_187 {strides = array<i32>} : memref<4160xi32, #tpu.memory_space<vmem>>, vector<16xi32>,
      %jit3A_192 = arith.constant 16 : i32
      %div3A_193 = arith.divsi %scan3A_91#3, %jit3A_192 : i32
      %sign3A_194 = arith.constant 0 : i32
      %sign3A_195 = arith.cmpi sgt, %scan3A_91#3, %sign3A_194 : i32
      %sign3A_196 = arith.extui %sign3A_195 : i1 to i32
      %sign3A_197 = arith.constant 0 : i32
      %sign3A_198 = arith.cmpi slt, %scan3A_91#3, %sign3A_197 : i32
      %sign3A_199 = arith.extui %sign3A_198 : i1 to i32
      %sign3A_200 = arith.subi %sign3A_196, %sign3A_199 : i32
      %sign3A_201 = arith.constant 0 : i32
      %sign3A_202 = arith.cmpi sgt, %jit3A_192, %sign3A_201 : i32
      %sign3A_203 = arith.extui %sign3A_202 : i1 to i32
      %sign3A_204 = arith.constant 0 : i32
      %sign3A_205 = arith.cmpi slt, %jit3A_192, %sign3A_204 : i32
      %sign3A_206 = arith.extui %sign3A_205 : i1 to i32
      %sign3A_207 = arith.subi %sign3A_203, %sign3A_206 : i32
      %ne3A_208 = arith.cmpi ne, %sign3A_200, %sign3A_207 : i32
      %rem3A_209 = arith.remsi %scan3A_91#3, %jit3A_192 : i32
      %ne3A_210 = arith.constant 0 : i32
      %ne3A_211 = arith.cmpi ne, %rem3A_209, %ne3A_210 : i32
      %and3A_212 = arith.andi %ne3A_208, %ne3A_211 : i1
      %sub3A_213 = arith.constant 1 : i32
      %sub3A_214 = arith.subi %div3A_193, %sub3A_213 : i32
      %select_n3A_215 = arith.select %and3A_212, %sub3A_214, %div3A_193 : i32
      %add3A_216 = arith.constant 1 : i32
      %add3A_217 = arith.addi %select_n3A_215, %add3A_216 : i32
      %scan3A_218 = arith.constant 2147483647 : i32
      %scan3A_219 = arith.constant -1 : i32
      %scan3A_220 = arith.constant 0 : i32
      %scan3A_221 = arith.constant 96 : i32
      %scan3A_222 = arith.addi %scan3A_220, %scan3A_221 : i32
      %scan3A_223 = arith.constant 2 : i32
      %scan3A_224:2 = scf.for %scan3A_410 = %scan3A_220 to %scan3A_222 step %scan3A_223 iter_args(%scan3A_411 = %scan3A_218, %scan3A_412 = %scan3A_219) -> (i32, i32)  : i32 {
        %broadcast_in_dim3A_413 = arith.constant -2147483648 : i32
        %broadcast_in_dim3A_414 = vector.broadcast %broadcast_in_dim3A_413 : i32 to vector<16xi32>
        %broadcast_in_dim3A_415 = arith.constant 1073741824 : i32
        %broadcast_in_dim3A_416 = vector.broadcast %broadcast_in_dim3A_415 : i32 to vector<16xi32>
        %while3A_417 = arith.constant 0 : i32
        %while3A_418 = arith.subi %add3A_121, %while3A_417 : i32
        %while3A_419 = arith.addi %while3A_417, %while3A_418 : i32
        %while3A_420 = arith.constant 1 : i32
        %while3A_421 = arith.divsi %while3A_418, %while3A_420 : i32
        %while3A_422 = arith.muli %while3A_421, %while3A_420 : i32
        %while3A_423 = arith.addi %while3A_417, %while3A_422 : i32
        %while3A_424 = arith.constant 1 : i32
        %while3A_425:2 = scf.for %while3A_558 = %while3A_417 to %while3A_423 step %while3A_424 iter_args(%while3A_559 = %broadcast_in_dim3A_414, %while3A_560 = %broadcast_in_dim3A_416) -> (vector<16xi32>, vector<16xi32>)  : i32 {
          %mul3A_561 = arith.constant 16 : i32
          %mul3A_562 = arith.muli %while3A_558, %mul3A_561 : i32
          %add3A_563 = arith.constant 0 : i32
          %add3A_564 = arith.addi %add3A_563, %mul3A_562 : i32
          %get3A_565 = arith.index_cast %add3A_564 : i32 to index
          %get3A_566 = tpu.vector_load %arg10[%get3A_565] {strides = array<i32>} : memref<4160xi32, #tpu.memory_space<vmem>>, vector<16xi32>,
          %mul3A_567 = arith.constant 16 : i32
          %mul3A_568 = arith.muli %while3A_558, %mul3A_567 : i32
          %add3A_569 = arith.constant 0 : i32
          %add3A_570 = arith.addi %add3A_569, %mul3A_568 : i32
          %add3A_571 = vector.broadcast %add3A_570 : i32 to vector<16xi32>
          %add3A_572 = arith.addi %add3A_571, %iota3A : vector<16xi32>
          %lt3A_573 = vector.broadcast %scan3A_411 : i32 to vector<16xi32>
          %lt3A_574 = arith.cmpi slt, %get3A_566, %lt3A_573 : vector<16xi32>
          %eq3A_575 = vector.broadcast %scan3A_411 : i32 to vector<16xi32>
          %eq3A_576 = arith.cmpi eq, %get3A_566, %eq3A_575 : vector<16xi32>
          %gt3A = vector.broadcast %scan3A_412 : i32 to vector<16xi32>
          %gt3A_577 = arith.cmpi sgt, %add3A_572, %gt3A : vector<16xi32>
          %and3A_578 = arith.andi %eq3A_576, %gt3A_577 : vector<16xi1>
          %or3A = arith.ori %lt3A_574, %and3A_578 : vector<16xi1>
          %jit3A_579 = arith.constant -2147483648 : i32
          %broadcast_in_dim3A_580 = vector.broadcast %jit3A_579 : i32 to vector<16xi32>
          %select_n3A_581 = arith.select %or3A, %get3A_566, %broadcast_in_dim3A_580 : vector<16xi1>, vector<16xi32>
          %gt3A_582 = arith.cmpi sgt, %select_n3A_581, %while3A_559 : vector<16xi32>
          %select_n3A_583 = arith.select %gt3A_582, %select_n3A_581, %while3A_559 : vector<16xi1>, vector<16xi32>
          %select_n3A_584 = arith.select %gt3A_582, %add3A_572, %while3A_560 : vector<16xi1>, vector<16xi32>
          scf.yield %select_n3A_583, %select_n3A_584 : vector<16xi32>, vector<16xi32>
        }
        %while3A_426 = arith.constant 1 : i32
        %while3A_427:2 = scf.for %while3A_558 = %while3A_423 to %while3A_419 step %while3A_426 iter_args(%while3A_559 = %while3A_425#0, %while3A_560 = %while3A_425#1) -> (vector<16xi32>, vector<16xi32>)  : i32 {
          %mul3A_561 = arith.constant 16 : i32
          %mul3A_562 = arith.muli %while3A_558, %mul3A_561 : i32
          %add3A_563 = arith.constant 0 : i32
          %add3A_564 = arith.addi %add3A_563, %mul3A_562 : i32
          %get3A_565 = arith.index_cast %add3A_564 : i32 to index
          %get3A_566 = tpu.vector_load %arg10[%get3A_565] {strides = array<i32>} : memref<4160xi32, #tpu.memory_space<vmem>>, vector<16xi32>,
          %mul3A_567 = arith.constant 16 : i32
          %mul3A_568 = arith.muli %while3A_558, %mul3A_567 : i32
          %add3A_569 = arith.constant 0 : i32
          %add3A_570 = arith.addi %add3A_569, %mul3A_568 : i32
          %add3A_571 = vector.broadcast %add3A_570 : i32 to vector<16xi32>
          %add3A_572 = arith.addi %add3A_571, %iota3A : vector<16xi32>
          %lt3A_573 = vector.broadcast %scan3A_411 : i32 to vector<16xi32>
          %lt3A_574 = arith.cmpi slt, %get3A_566, %lt3A_573 : vector<16xi32>
          %eq3A_575 = vector.broadcast %scan3A_411 : i32 to vector<16xi32>
          %eq3A_576 = arith.cmpi eq, %get3A_566, %eq3A_575 : vector<16xi32>
          %gt3A = vector.broadcast %scan3A_412 : i32 to vector<16xi32>
          %gt3A_577 = arith.cmpi sgt, %add3A_572, %gt3A : vector<16xi32>
          %and3A_578 = arith.andi %eq3A_576, %gt3A_577 : vector<16xi1>
          %or3A = arith.ori %lt3A_574, %and3A_578 : vector<16xi1>
          %jit3A_579 = arith.constant -2147483648 : i32
          %broadcast_in_dim3A_580 = vector.broadcast %jit3A_579 : i32 to vector<16xi32>
          %select_n3A_581 = arith.select %or3A, %get3A_566, %broadcast_in_dim3A_580 : vector<16xi1>, vector<16xi32>
          %gt3A_582 = arith.cmpi sgt, %select_n3A_581, %while3A_559 : vector<16xi32>
          %select_n3A_583 = arith.select %gt3A_582, %select_n3A_581, %while3A_559 : vector<16xi1>, vector<16xi32>
          %select_n3A_584 = arith.select %gt3A_582, %add3A_572, %while3A_560 : vector<16xi1>, vector<16xi32>
          scf.yield %select_n3A_583, %select_n3A_584 : vector<16xi32>, vector<16xi32>
        }
        %while3A_428 = arith.constant 0 : i32
        %while3A_429 = arith.subi %add3A_153, %while3A_428 : i32
        %while3A_430 = arith.addi %while3A_428, %while3A_429 : i32
        %while3A_431 = arith.constant 1 : i32
        %while3A_432 = arith.divsi %while3A_429, %while3A_431 : i32
        %while3A_433 = arith.muli %while3A_432, %while3A_431 : i32
        %while3A_434 = arith.addi %while3A_428, %while3A_433 : i32
        %while3A_435 = arith.constant 1 : i32
        %while3A_436:2 = scf.for %while3A_558 = %while3A_428 to %while3A_434 step %while3A_435 iter_args(%while3A_559 = %while3A_427#0, %while3A_560 = %while3A_427#1) -> (vector<16xi32>, vector<16xi32>)  : i32 {
          %mul3A_561 = arith.constant 16 : i32
          %mul3A_562 = arith.muli %while3A_558, %mul3A_561 : i32
          %add3A_563 = arith.constant 1040 : i32
          %add3A_564 = arith.addi %add3A_563, %mul3A_562 : i32
          %get3A_565 = arith.index_cast %add3A_564 : i32 to index
          %get3A_566 = tpu.vector_load %arg10[%get3A_565] {strides = array<i32>} : memref<4160xi32, #tpu.memory_space<vmem>>, vector<16xi32>,
          %mul3A_567 = arith.constant 16 : i32
          %mul3A_568 = arith.muli %while3A_558, %mul3A_567 : i32
          %add3A_569 = arith.constant 1040 : i32
          %add3A_570 = arith.addi %add3A_569, %mul3A_568 : i32
          %add3A_571 = vector.broadcast %add3A_570 : i32 to vector<16xi32>
          %add3A_572 = arith.addi %add3A_571, %iota3A : vector<16xi32>
          %lt3A_573 = vector.broadcast %scan3A_411 : i32 to vector<16xi32>
          %lt3A_574 = arith.cmpi slt, %get3A_566, %lt3A_573 : vector<16xi32>
          %eq3A_575 = vector.broadcast %scan3A_411 : i32 to vector<16xi32>
          %eq3A_576 = arith.cmpi eq, %get3A_566, %eq3A_575 : vector<16xi32>
          %gt3A = vector.broadcast %scan3A_412 : i32 to vector<16xi32>
          %gt3A_577 = arith.cmpi sgt, %add3A_572, %gt3A : vector<16xi32>
          %and3A_578 = arith.andi %eq3A_576, %gt3A_577 : vector<16xi1>
          %or3A = arith.ori %lt3A_574, %and3A_578 : vector<16xi1>
          %jit3A_579 = arith.constant -2147483648 : i32
          %broadcast_in_dim3A_580 = vector.broadcast %jit3A_579 : i32 to vector<16xi32>
          %select_n3A_581 = arith.select %or3A, %get3A_566, %broadcast_in_dim3A_580 : vector<16xi1>, vector<16xi32>
          %gt3A_582 = arith.cmpi sgt, %select_n3A_581, %while3A_559 : vector<16xi32>
          %select_n3A_583 = arith.select %gt3A_582, %select_n3A_581, %while3A_559 : vector<16xi1>, vector<16xi32>
          %select_n3A_584 = arith.select %gt3A_582, %add3A_572, %while3A_560 : vector<16xi1>, vector<16xi32>
          scf.yield %select_n3A_583, %select_n3A_584 : vector<16xi32>, vector<16xi32>
        }
        %while3A_437 = arith.constant 1 : i32
        %while3A_438:2 = scf.for %while3A_558 = %while3A_434 to %while3A_430 step %while3A_437 iter_args(%while3A_559 = %while3A_436#0, %while3A_560 = %while3A_436#1) -> (vector<16xi32>, vector<16xi32>)  : i32 {
          %mul3A_561 = arith.constant 16 : i32
          %mul3A_562 = arith.muli %while3A_558, %mul3A_561 : i32
          %add3A_563 = arith.constant 1040 : i32
          %add3A_564 = arith.addi %add3A_563, %mul3A_562 : i32
          %get3A_565 = arith.index_cast %add3A_564 : i32 to index
          %get3A_566 = tpu.vector_load %arg10[%get3A_565] {strides = array<i32>} : memref<4160xi32, #tpu.memory_space<vmem>>, vector<16xi32>,
          %mul3A_567 = arith.constant 16 : i32
          %mul3A_568 = arith.muli %while3A_558, %mul3A_567 : i32
          %add3A_569 = arith.constant 1040 : i32
          %add3A_570 = arith.addi %add3A_569, %mul3A_568 : i32
          %add3A_571 = vector.broadcast %add3A_570 : i32 to vector<16xi32>
          %add3A_572 = arith.addi %add3A_571, %iota3A : vector<16xi32>
          %lt3A_573 = vector.broadcast %scan3A_411 : i32 to vector<16xi32>
          %lt3A_574 = arith.cmpi slt, %get3A_566, %lt3A_573 : vector<16xi32>
          %eq3A_575 = vector.broadcast %scan3A_411 : i32 to vector<16xi32>
          %eq3A_576 = arith.cmpi eq, %get3A_566, %eq3A_575 : vector<16xi32>
          %gt3A = vector.broadcast %scan3A_412 : i32 to vector<16xi32>
          %gt3A_577 = arith.cmpi sgt, %add3A_572, %gt3A : vector<16xi32>
          %and3A_578 = arith.andi %eq3A_576, %gt3A_577 : vector<16xi1>
          %or3A = arith.ori %lt3A_574, %and3A_578 : vector<16xi1>
          %jit3A_579 = arith.constant -2147483648 : i32
          %broadcast_in_dim3A_580 = vector.broadcast %jit3A_579 : i32 to vector<16xi32>
          %select_n3A_581 = arith.select %or3A, %get3A_566, %broadcast_in_dim3A_580 : vector<16xi1>, vector<16xi32>
          %gt3A_582 = arith.cmpi sgt, %select_n3A_581, %while3A_559 : vector<16xi32>
          %select_n3A_583 = arith.select %gt3A_582, %select_n3A_581, %while3A_559 : vector<16xi1>, vector<16xi32>
          %select_n3A_584 = arith.select %gt3A_582, %add3A_572, %while3A_560 : vector<16xi1>, vector<16xi32>
          scf.yield %select_n3A_583, %select_n3A_584 : vector<16xi32>, vector<16xi32>
        }
        %while3A_439 = arith.constant 0 : i32
        %while3A_440 = arith.subi %add3A_185, %while3A_439 : i32
        %while3A_441 = arith.addi %while3A_439, %while3A_440 : i32
        %while3A_442 = arith.constant 1 : i32
        %while3A_443 = arith.divsi %while3A_440, %while3A_442 : i32
        %while3A_444 = arith.muli %while3A_443, %while3A_442 : i32
        %while3A_445 = arith.addi %while3A_439, %while3A_444 : i32
        %while3A_446 = arith.constant 1 : i32
        %while3A_447:2 = scf.for %while3A_558 = %while3A_439 to %while3A_445 step %while3A_446 iter_args(%while3A_559 = %while3A_438#0, %while3A_560 = %while3A_438#1) -> (vector<16xi32>, vector<16xi32>)  : i32 {
          %mul3A_561 = arith.constant 16 : i32
          %mul3A_562 = arith.muli %while3A_558, %mul3A_561 : i32
          %add3A_563 = arith.constant 2080 : i32
          %add3A_564 = arith.addi %add3A_563, %mul3A_562 : i32
          %get3A_565 = arith.index_cast %add3A_564 : i32 to index
          %get3A_566 = tpu.vector_load %arg10[%get3A_565] {strides = array<i32>} : memref<4160xi32, #tpu.memory_space<vmem>>, vector<16xi32>,
          %mul3A_567 = arith.constant 16 : i32
          %mul3A_568 = arith.muli %while3A_558, %mul3A_567 : i32
          %add3A_569 = arith.constant 2080 : i32
          %add3A_570 = arith.addi %add3A_569, %mul3A_568 : i32
          %add3A_571 = vector.broadcast %add3A_570 : i32 to vector<16xi32>
          %add3A_572 = arith.addi %add3A_571, %iota3A : vector<16xi32>
          %lt3A_573 = vector.broadcast %scan3A_411 : i32 to vector<16xi32>
          %lt3A_574 = arith.cmpi slt, %get3A_566, %lt3A_573 : vector<16xi32>
          %eq3A_575 = vector.broadcast %scan3A_411 : i32 to vector<16xi32>
          %eq3A_576 = arith.cmpi eq, %get3A_566, %eq3A_575 : vector<16xi32>
          %gt3A = vector.broadcast %scan3A_412 : i32 to vector<16xi32>
          %gt3A_577 = arith.cmpi sgt, %add3A_572, %gt3A : vector<16xi32>
          %and3A_578 = arith.andi %eq3A_576, %gt3A_577 : vector<16xi1>
          %or3A = arith.ori %lt3A_574, %and3A_578 : vector<16xi1>
          %jit3A_579 = arith.constant -2147483648 : i32
          %broadcast_in_dim3A_580 = vector.broadcast %jit3A_579 : i32 to vector<16xi32>
          %select_n3A_581 = arith.select %or3A, %get3A_566, %broadcast_in_dim3A_580 : vector<16xi1>, vector<16xi32>
          %gt3A_582 = arith.cmpi sgt, %select_n3A_581, %while3A_559 : vector<16xi32>
          %select_n3A_583 = arith.select %gt3A_582, %select_n3A_581, %while3A_559 : vector<16xi1>, vector<16xi32>
          %select_n3A_584 = arith.select %gt3A_582, %add3A_572, %while3A_560 : vector<16xi1>, vector<16xi32>
          scf.yield %select_n3A_583, %select_n3A_584 : vector<16xi32>, vector<16xi32>
        }
        %while3A_448 = arith.constant 1 : i32
        %while3A_449:2 = scf.for %while3A_558 = %while3A_445 to %while3A_441 step %while3A_448 iter_args(%while3A_559 = %while3A_447#0, %while3A_560 = %while3A_447#1) -> (vector<16xi32>, vector<16xi32>)  : i32 {
          %mul3A_561 = arith.constant 16 : i32
          %mul3A_562 = arith.muli %while3A_558, %mul3A_561 : i32
          %add3A_563 = arith.constant 2080 : i32
          %add3A_564 = arith.addi %add3A_563, %mul3A_562 : i32
          %get3A_565 = arith.index_cast %add3A_564 : i32 to index
          %get3A_566 = tpu.vector_load %arg10[%get3A_565] {strides = array<i32>} : memref<4160xi32, #tpu.memory_space<vmem>>, vector<16xi32>,
          %mul3A_567 = arith.constant 16 : i32
          %mul3A_568 = arith.muli %while3A_558, %mul3A_567 : i32
          %add3A_569 = arith.constant 2080 : i32
          %add3A_570 = arith.addi %add3A_569, %mul3A_568 : i32
          %add3A_571 = vector.broadcast %add3A_570 : i32 to vector<16xi32>
          %add3A_572 = arith.addi %add3A_571, %iota3A : vector<16xi32>
          %lt3A_573 = vector.broadcast %scan3A_411 : i32 to vector<16xi32>
          %lt3A_574 = arith.cmpi slt, %get3A_566, %lt3A_573 : vector<16xi32>
          %eq3A_575 = vector.broadcast %scan3A_411 : i32 to vector<16xi32>
          %eq3A_576 = arith.cmpi eq, %get3A_566, %eq3A_575 : vector<16xi32>
          %gt3A = vector.broadcast %scan3A_412 : i32 to vector<16xi32>
          %gt3A_577 = arith.cmpi sgt, %add3A_572, %gt3A : vector<16xi32>
          %and3A_578 = arith.andi %eq3A_576, %gt3A_577 : vector<16xi1>
          %or3A = arith.ori %lt3A_574, %and3A_578 : vector<16xi1>
          %jit3A_579 = arith.constant -2147483648 : i32
          %broadcast_in_dim3A_580 = vector.broadcast %jit3A_579 : i32 to vector<16xi32>
          %select_n3A_581 = arith.select %or3A, %get3A_566, %broadcast_in_dim3A_580 : vector<16xi1>, vector<16xi32>
          %gt3A_582 = arith.cmpi sgt, %select_n3A_581, %while3A_559 : vector<16xi32>
          %select_n3A_583 = arith.select %gt3A_582, %select_n3A_581, %while3A_559 : vector<16xi1>, vector<16xi32>
          %select_n3A_584 = arith.select %gt3A_582, %add3A_572, %while3A_560 : vector<16xi1>, vector<16xi32>
          scf.yield %select_n3A_583, %select_n3A_584 : vector<16xi32>, vector<16xi32>
        }
        %while3A_450 = arith.constant 0 : i32
        %while3A_451 = arith.subi %add3A_217, %while3A_450 : i32
        %while3A_452 = arith.addi %while3A_450, %while3A_451 : i32
        %while3A_453 = arith.constant 1 : i32
        %while3A_454 = arith.divsi %while3A_451, %while3A_453 : i32
        %while3A_455 = arith.muli %while3A_454, %while3A_453 : i32
        %while3A_456 = arith.addi %while3A_450, %while3A_455 : i32
        %while3A_457 = arith.constant 1 : i32
        %while3A_458:2 = scf.for %while3A_558 = %while3A_450 to %while3A_456 step %while3A_457 iter_args(%while3A_559 = %while3A_449#0, %while3A_560 = %while3A_449#1) -> (vector<16xi32>, vector<16xi32>)  : i32 {
          %mul3A_561 = arith.constant 16 : i32
          %mul3A_562 = arith.muli %while3A_558, %mul3A_561 : i32
          %add3A_563 = arith.constant 3120 : i32
          %add3A_564 = arith.addi %add3A_563, %mul3A_562 : i32
          %get3A_565 = arith.index_cast %add3A_564 : i32 to index
          %get3A_566 = tpu.vector_load %arg10[%get3A_565] {strides = array<i32>} : memref<4160xi32, #tpu.memory_space<vmem>>, vector<16xi32>,
          %mul3A_567 = arith.constant 16 : i32
          %mul3A_568 = arith.muli %while3A_558, %mul3A_567 : i32
          %add3A_569 = arith.constant 3120 : i32
          %add3A_570 = arith.addi %add3A_569, %mul3A_568 : i32
          %add3A_571 = vector.broadcast %add3A_570 : i32 to vector<16xi32>
          %add3A_572 = arith.addi %add3A_571, %iota3A : vector<16xi32>
          %lt3A_573 = vector.broadcast %scan3A_411 : i32 to vector<16xi32>
          %lt3A_574 = arith.cmpi slt, %get3A_566, %lt3A_573 : vector<16xi32>
          %eq3A_575 = vector.broadcast %scan3A_411 : i32 to vector<16xi32>
          %eq3A_576 = arith.cmpi eq, %get3A_566, %eq3A_575 : vector<16xi32>
          %gt3A = vector.broadcast %scan3A_412 : i32 to vector<16xi32>
          %gt3A_577 = arith.cmpi sgt, %add3A_572, %gt3A : vector<16xi32>
          %and3A_578 = arith.andi %eq3A_576, %gt3A_577 : vector<16xi1>
          %or3A = arith.ori %lt3A_574, %and3A_578 : vector<16xi1>
          %jit3A_579 = arith.constant -2147483648 : i32
          %broadcast_in_dim3A_580 = vector.broadcast %jit3A_579 : i32 to vector<16xi32>
          %select_n3A_581 = arith.select %or3A, %get3A_566, %broadcast_in_dim3A_580 : vector<16xi1>, vector<16xi32>
          %gt3A_582 = arith.cmpi sgt, %select_n3A_581, %while3A_559 : vector<16xi32>
          %select_n3A_583 = arith.select %gt3A_582, %select_n3A_581, %while3A_559 : vector<16xi1>, vector<16xi32>
          %select_n3A_584 = arith.select %gt3A_582, %add3A_572, %while3A_560 : vector<16xi1>, vector<16xi32>
          scf.yield %select_n3A_583, %select_n3A_584 : vector<16xi32>, vector<16xi32>
        }
        %while3A_459 = arith.constant 1 : i32
        %while3A_460:2 = scf.for %while3A_558 = %while3A_456 to %while3A_452 step %while3A_459 iter_args(%while3A_559 = %while3A_458#0, %while3A_560 = %while3A_458#1) -> (vector<16xi32>, vector<16xi32>)  : i32 {
          %mul3A_561 = arith.constant 16 : i32
          %mul3A_562 = arith.muli %while3A_558, %mul3A_561 : i32
          %add3A_563 = arith.constant 3120 : i32
          %add3A_564 = arith.addi %add3A_563, %mul3A_562 : i32
          %get3A_565 = arith.index_cast %add3A_564 : i32 to index
          %get3A_566 = tpu.vector_load %arg10[%get3A_565] {strides = array<i32>} : memref<4160xi32, #tpu.memory_space<vmem>>, vector<16xi32>,
          %mul3A_567 = arith.constant 16 : i32
          %mul3A_568 = arith.muli %while3A_558, %mul3A_567 : i32
          %add3A_569 = arith.constant 3120 : i32
          %add3A_570 = arith.addi %add3A_569, %mul3A_568 : i32
          %add3A_571 = vector.broadcast %add3A_570 : i32 to vector<16xi32>
          %add3A_572 = arith.addi %add3A_571, %iota3A : vector<16xi32>
          %lt3A_573 = vector.broadcast %scan3A_411 : i32 to vector<16xi32>
          %lt3A_574 = arith.cmpi slt, %get3A_566, %lt3A_573 : vector<16xi32>
          %eq3A_575 = vector.broadcast %scan3A_411 : i32 to vector<16xi32>
          %eq3A_576 = arith.cmpi eq, %get3A_566, %eq3A_575 : vector<16xi32>
          %gt3A = vector.broadcast %scan3A_412 : i32 to vector<16xi32>
          %gt3A_577 = arith.cmpi sgt, %add3A_572, %gt3A : vector<16xi32>
          %and3A_578 = arith.andi %eq3A_576, %gt3A_577 : vector<16xi1>
          %or3A = arith.ori %lt3A_574, %and3A_578 : vector<16xi1>
          %jit3A_579 = arith.constant -2147483648 : i32
          %broadcast_in_dim3A_580 = vector.broadcast %jit3A_579 : i32 to vector<16xi32>
          %select_n3A_581 = arith.select %or3A, %get3A_566, %broadcast_in_dim3A_580 : vector<16xi1>, vector<16xi32>
          %gt3A_582 = arith.cmpi sgt, %select_n3A_581, %while3A_559 : vector<16xi32>
          %select_n3A_583 = arith.select %gt3A_582, %select_n3A_581, %while3A_559 : vector<16xi1>, vector<16xi32>
          %select_n3A_584 = arith.select %gt3A_582, %add3A_572, %while3A_560 : vector<16xi1>, vector<16xi32>
          scf.yield %select_n3A_583, %select_n3A_584 : vector<16xi32>, vector<16xi32>
        }
        %reduce_max3A_461 = arith.constant true
        %reduce_max3A_462 = vector.broadcast %reduce_max3A_461 : i1 to vector<16xi1>
        %reduce_max3A_463 = arith.constant -2147483648 : i32
        %reduce_max3A_464 = vector.broadcast %reduce_max3A_463 : i32 to vector<16xi32>
        %reduce_max3A_465 = arith.xori %while3A_460#0, %reduce_max3A_464 : vector<16xi32>
        %reduce_max3A_466 = tpu.scan <max>, %reduce_max3A_465 masked %reduce_max3A_462 : vector<16xi32>, vector<16xi1> -> vector<16xi32>
        %reduce_max3A_467 = arith.xori %reduce_max3A_466, %reduce_max3A_464 : vector<16xi32>
        %reduce_max3A_468 = vector.extract %reduce_max3A_467[15] : i32 from vector<16xi32>
        %eq3A_469 = vector.broadcast %reduce_max3A_468 : i32 to vector<16xi32>
        %eq3A_470 = arith.cmpi eq, %while3A_460#0, %eq3A_469 : vector<16xi32>
        %jit3A_471 = arith.constant 1073741824 : i32
        %broadcast_in_dim3A_472 = vector.broadcast %jit3A_471 : i32 to vector<16xi32>
        %select_n3A_473 = arith.select %eq3A_470, %while3A_460#1, %broadcast_in_dim3A_472 : vector<16xi1>, vector<16xi32>
        %reduce_min3A = arith.constant true
        %reduce_min3A_474 = vector.broadcast %reduce_min3A : i1 to vector<16xi1>
        %reduce_min3A_475 = arith.constant -2147483648 : i32
        %reduce_min3A_476 = vector.broadcast %reduce_min3A_475 : i32 to vector<16xi32>
        %reduce_min3A_477 = arith.xori %select_n3A_473, %reduce_min3A_476 : vector<16xi32>
        %reduce_min3A_478 = tpu.scan <min>, %reduce_min3A_477 masked %reduce_min3A_474 : vector<16xi32>, vector<16xi1> -> vector<16xi32>
        %reduce_min3A_479 = arith.xori %reduce_min3A_478, %reduce_min3A_476 : vector<16xi32>
        %reduce_min3A_480 = vector.extract %reduce_min3A_479[15] : i32 from vector<16xi32>
        %broadcast_in_dim3A_481 = vector.broadcast %reduce_min3A_480 : i32 to vector<16xi32>
        %swap3A_482 = arith.index_cast %scan3A_410 : i32 to index
        %swap3A_483 = tpu.vector_load %arg15[%swap3A_482] masked %eq3A_2 {strides = array<i32>} : memref<112xi32, #tpu.memory_space<vmem>>, vector<16xi32>, vector<16xi1>
        tpu.vector_store %arg15[%swap3A_482], %broadcast_in_dim3A_481 masked %eq3A_2 {strides = array<i32>} : memref<112xi32, #tpu.memory_space<vmem>>, vector<16xi32>, vector<16xi1>
        %scan3A_484 = arith.constant 1 : i32
        %scan3A_485 = arith.addi %scan3A_410, %scan3A_484 : i32
        %broadcast_in_dim3A_486 = arith.constant -2147483648 : i32
        %broadcast_in_dim3A_487 = vector.broadcast %broadcast_in_dim3A_486 : i32 to vector<16xi32>
        %broadcast_in_dim3A_488 = arith.constant 1073741824 : i32
        %broadcast_in_dim3A_489 = vector.broadcast %broadcast_in_dim3A_488 : i32 to vector<16xi32>
        %while3A_490 = arith.constant 0 : i32
        %while3A_491 = arith.subi %add3A_121, %while3A_490 : i32
        %while3A_492 = arith.addi %while3A_490, %while3A_491 : i32
        %while3A_493 = arith.constant 1 : i32
        %while3A_494 = arith.divsi %while3A_491, %while3A_493 : i32
        %while3A_495 = arith.muli %while3A_494, %while3A_493 : i32
        %while3A_496 = arith.addi %while3A_490, %while3A_495 : i32
        %while3A_497 = arith.constant 1 : i32
        %while3A_498:2 = scf.for %while3A_558 = %while3A_490 to %while3A_496 step %while3A_497 iter_args(%while3A_559 = %broadcast_in_dim3A_487, %while3A_560 = %broadcast_in_dim3A_489) -> (vector<16xi32>, vector<16xi32>)  : i32 {
          %mul3A_561 = arith.constant 16 : i32
          %mul3A_562 = arith.muli %while3A_558, %mul3A_561 : i32
          %add3A_563 = arith.constant 0 : i32
          %add3A_564 = arith.addi %add3A_563, %mul3A_562 : i32
          %get3A_565 = arith.index_cast %add3A_564 : i32 to index
          %get3A_566 = tpu.vector_load %arg10[%get3A_565] {strides = array<i32>} : memref<4160xi32, #tpu.memory_space<vmem>>, vector<16xi32>,
          %mul3A_567 = arith.constant 16 : i32
          %mul3A_568 = arith.muli %while3A_558, %mul3A_567 : i32
          %add3A_569 = arith.constant 0 : i32
          %add3A_570 = arith.addi %add3A_569, %mul3A_568 : i32
          %add3A_571 = vector.broadcast %add3A_570 : i32 to vector<16xi32>
          %add3A_572 = arith.addi %add3A_571, %iota3A : vector<16xi32>
          %lt3A_573 = vector.broadcast %reduce_max3A_468 : i32 to vector<16xi32>
          %lt3A_574 = arith.cmpi slt, %get3A_566, %lt3A_573 : vector<16xi32>
          %eq3A_575 = vector.broadcast %reduce_max3A_468 : i32 to vector<16xi32>
          %eq3A_576 = arith.cmpi eq, %get3A_566, %eq3A_575 : vector<16xi32>
          %gt3A = vector.broadcast %reduce_min3A_480 : i32 to vector<16xi32>
          %gt3A_577 = arith.cmpi sgt, %add3A_572, %gt3A : vector<16xi32>
          %and3A_578 = arith.andi %eq3A_576, %gt3A_577 : vector<16xi1>
          %or3A = arith.ori %lt3A_574, %and3A_578 : vector<16xi1>
          %jit3A_579 = arith.constant -2147483648 : i32
          %broadcast_in_dim3A_580 = vector.broadcast %jit3A_579 : i32 to vector<16xi32>
          %select_n3A_581 = arith.select %or3A, %get3A_566, %broadcast_in_dim3A_580 : vector<16xi1>, vector<16xi32>
          %gt3A_582 = arith.cmpi sgt, %select_n3A_581, %while3A_559 : vector<16xi32>
          %select_n3A_583 = arith.select %gt3A_582, %select_n3A_581, %while3A_559 : vector<16xi1>, vector<16xi32>
          %select_n3A_584 = arith.select %gt3A_582, %add3A_572, %while3A_560 : vector<16xi1>, vector<16xi32>
          scf.yield %select_n3A_583, %select_n3A_584 : vector<16xi32>, vector<16xi32>
        }
        %while3A_499 = arith.constant 1 : i32
        %while3A_500:2 = scf.for %while3A_558 = %while3A_496 to %while3A_492 step %while3A_499 iter_args(%while3A_559 = %while3A_498#0, %while3A_560 = %while3A_498#1) -> (vector<16xi32>, vector<16xi32>)  : i32 {
          %mul3A_561 = arith.constant 16 : i32
          %mul3A_562 = arith.muli %while3A_558, %mul3A_561 : i32
          %add3A_563 = arith.constant 0 : i32
          %add3A_564 = arith.addi %add3A_563, %mul3A_562 : i32
          %get3A_565 = arith.index_cast %add3A_564 : i32 to index
          %get3A_566 = tpu.vector_load %arg10[%get3A_565] {strides = array<i32>} : memref<4160xi32, #tpu.memory_space<vmem>>, vector<16xi32>,
          %mul3A_567 = arith.constant 16 : i32
          %mul3A_568 = arith.muli %while3A_558, %mul3A_567 : i32
          %add3A_569 = arith.constant 0 : i32
          %add3A_570 = arith.addi %add3A_569, %mul3A_568 : i32
          %add3A_571 = vector.broadcast %add3A_570 : i32 to vector<16xi32>
          %add3A_572 = arith.addi %add3A_571, %iota3A : vector<16xi32>
          %lt3A_573 = vector.broadcast %reduce_max3A_468 : i32 to vector<16xi32>
          %lt3A_574 = arith.cmpi slt, %get3A_566, %lt3A_573 : vector<16xi32>
          %eq3A_575 = vector.broadcast %reduce_max3A_468 : i32 to vector<16xi32>
          %eq3A_576 = arith.cmpi eq, %get3A_566, %eq3A_575 : vector<16xi32>
          %gt3A = vector.broadcast %reduce_min3A_480 : i32 to vector<16xi32>
          %gt3A_577 = arith.cmpi sgt, %add3A_572, %gt3A : vector<16xi32>
          %and3A_578 = arith.andi %eq3A_576, %gt3A_577 : vector<16xi1>
          %or3A = arith.ori %lt3A_574, %and3A_578 : vector<16xi1>
          %jit3A_579 = arith.constant -2147483648 : i32
          %broadcast_in_dim3A_580 = vector.broadcast %jit3A_579 : i32 to vector<16xi32>
          %select_n3A_581 = arith.select %or3A, %get3A_566, %broadcast_in_dim3A_580 : vector<16xi1>, vector<16xi32>
          %gt3A_582 = arith.cmpi sgt, %select_n3A_581, %while3A_559 : vector<16xi32>
          %select_n3A_583 = arith.select %gt3A_582, %select_n3A_581, %while3A_559 : vector<16xi1>, vector<16xi32>
          %select_n3A_584 = arith.select %gt3A_582, %add3A_572, %while3A_560 : vector<16xi1>, vector<16xi32>
          scf.yield %select_n3A_583, %select_n3A_584 : vector<16xi32>, vector<16xi32>
        }
        %while3A_501 = arith.constant 0 : i32
        %while3A_502 = arith.subi %add3A_153, %while3A_501 : i32
        %while3A_503 = arith.addi %while3A_501, %while3A_502 : i32
        %while3A_504 = arith.constant 1 : i32
        %while3A_505 = arith.divsi %while3A_502, %while3A_504 : i32
        %while3A_506 = arith.muli %while3A_505, %while3A_504 : i32
        %while3A_507 = arith.addi %while3A_501, %while3A_506 : i32
        %while3A_508 = arith.constant 1 : i32
        %while3A_509:2 = scf.for %while3A_558 = %while3A_501 to %while3A_507 step %while3A_508 iter_args(%while3A_559 = %while3A_500#0, %while3A_560 = %while3A_500#1) -> (vector<16xi32>, vector<16xi32>)  : i32 {
          %mul3A_561 = arith.constant 16 : i32
          %mul3A_562 = arith.muli %while3A_558, %mul3A_561 : i32
          %add3A_563 = arith.constant 1040 : i32
          %add3A_564 = arith.addi %add3A_563, %mul3A_562 : i32
          %get3A_565 = arith.index_cast %add3A_564 : i32 to index
          %get3A_566 = tpu.vector_load %arg10[%get3A_565] {strides = array<i32>} : memref<4160xi32, #tpu.memory_space<vmem>>, vector<16xi32>,
          %mul3A_567 = arith.constant 16 : i32
          %mul3A_568 = arith.muli %while3A_558, %mul3A_567 : i32
          %add3A_569 = arith.constant 1040 : i32
          %add3A_570 = arith.addi %add3A_569, %mul3A_568 : i32
          %add3A_571 = vector.broadcast %add3A_570 : i32 to vector<16xi32>
          %add3A_572 = arith.addi %add3A_571, %iota3A : vector<16xi32>
          %lt3A_573 = vector.broadcast %reduce_max3A_468 : i32 to vector<16xi32>
          %lt3A_574 = arith.cmpi slt, %get3A_566, %lt3A_573 : vector<16xi32>
          %eq3A_575 = vector.broadcast %reduce_max3A_468 : i32 to vector<16xi32>
          %eq3A_576 = arith.cmpi eq, %get3A_566, %eq3A_575 : vector<16xi32>
          %gt3A = vector.broadcast %reduce_min3A_480 : i32 to vector<16xi32>
          %gt3A_577 = arith.cmpi sgt, %add3A_572, %gt3A : vector<16xi32>
          %and3A_578 = arith.andi %eq3A_576, %gt3A_577 : vector<16xi1>
          %or3A = arith.ori %lt3A_574, %and3A_578 : vector<16xi1>
          %jit3A_579 = arith.constant -2147483648 : i32
          %broadcast_in_dim3A_580 = vector.broadcast %jit3A_579 : i32 to vector<16xi32>
          %select_n3A_581 = arith.select %or3A, %get3A_566, %broadcast_in_dim3A_580 : vector<16xi1>, vector<16xi32>
          %gt3A_582 = arith.cmpi sgt, %select_n3A_581, %while3A_559 : vector<16xi32>
          %select_n3A_583 = arith.select %gt3A_582, %select_n3A_581, %while3A_559 : vector<16xi1>, vector<16xi32>
          %select_n3A_584 = arith.select %gt3A_582, %add3A_572, %while3A_560 : vector<16xi1>, vector<16xi32>
          scf.yield %select_n3A_583, %select_n3A_584 : vector<16xi32>, vector<16xi32>
        }
        %while3A_510 = arith.constant 1 : i32
        %while3A_511:2 = scf.for %while3A_558 = %while3A_507 to %while3A_503 step %while3A_510 iter_args(%while3A_559 = %while3A_509#0, %while3A_560 = %while3A_509#1) -> (vector<16xi32>, vector<16xi32>)  : i32 {
          %mul3A_561 = arith.constant 16 : i32
          %mul3A_562 = arith.muli %while3A_558, %mul3A_561 : i32
          %add3A_563 = arith.constant 1040 : i32
          %add3A_564 = arith.addi %add3A_563, %mul3A_562 : i32
          %get3A_565 = arith.index_cast %add3A_564 : i32 to index
          %get3A_566 = tpu.vector_load %arg10[%get3A_565] {strides = array<i32>} : memref<4160xi32, #tpu.memory_space<vmem>>, vector<16xi32>,
          %mul3A_567 = arith.constant 16 : i32
          %mul3A_568 = arith.muli %while3A_558, %mul3A_567 : i32
          %add3A_569 = arith.constant 1040 : i32
          %add3A_570 = arith.addi %add3A_569, %mul3A_568 : i32
          %add3A_571 = vector.broadcast %add3A_570 : i32 to vector<16xi32>
          %add3A_572 = arith.addi %add3A_571, %iota3A : vector<16xi32>
          %lt3A_573 = vector.broadcast %reduce_max3A_468 : i32 to vector<16xi32>
          %lt3A_574 = arith.cmpi slt, %get3A_566, %lt3A_573 : vector<16xi32>
          %eq3A_575 = vector.broadcast %reduce_max3A_468 : i32 to vector<16xi32>
          %eq3A_576 = arith.cmpi eq, %get3A_566, %eq3A_575 : vector<16xi32>
          %gt3A = vector.broadcast %reduce_min3A_480 : i32 to vector<16xi32>
          %gt3A_577 = arith.cmpi sgt, %add3A_572, %gt3A : vector<16xi32>
          %and3A_578 = arith.andi %eq3A_576, %gt3A_577 : vector<16xi1>
          %or3A = arith.ori %lt3A_574, %and3A_578 : vector<16xi1>
          %jit3A_579 = arith.constant -2147483648 : i32
          %broadcast_in_dim3A_580 = vector.broadcast %jit3A_579 : i32 to vector<16xi32>
          %select_n3A_581 = arith.select %or3A, %get3A_566, %broadcast_in_dim3A_580 : vector<16xi1>, vector<16xi32>
          %gt3A_582 = arith.cmpi sgt, %select_n3A_581, %while3A_559 : vector<16xi32>
          %select_n3A_583 = arith.select %gt3A_582, %select_n3A_581, %while3A_559 : vector<16xi1>, vector<16xi32>
          %select_n3A_584 = arith.select %gt3A_582, %add3A_572, %while3A_560 : vector<16xi1>, vector<16xi32>
          scf.yield %select_n3A_583, %select_n3A_584 : vector<16xi32>, vector<16xi32>
        }
        %while3A_512 = arith.constant 0 : i32
        %while3A_513 = arith.subi %add3A_185, %while3A_512 : i32
        %while3A_514 = arith.addi %while3A_512, %while3A_513 : i32
        %while3A_515 = arith.constant 1 : i32
        %while3A_516 = arith.divsi %while3A_513, %while3A_515 : i32
        %while3A_517 = arith.muli %while3A_516, %while3A_515 : i32
        %while3A_518 = arith.addi %while3A_512, %while3A_517 : i32
        %while3A_519 = arith.constant 1 : i32
        %while3A_520:2 = scf.for %while3A_558 = %while3A_512 to %while3A_518 step %while3A_519 iter_args(%while3A_559 = %while3A_511#0, %while3A_560 = %while3A_511#1) -> (vector<16xi32>, vector<16xi32>)  : i32 {
          %mul3A_561 = arith.constant 16 : i32
          %mul3A_562 = arith.muli %while3A_558, %mul3A_561 : i32
          %add3A_563 = arith.constant 2080 : i32
          %add3A_564 = arith.addi %add3A_563, %mul3A_562 : i32
          %get3A_565 = arith.index_cast %add3A_564 : i32 to index
          %get3A_566 = tpu.vector_load %arg10[%get3A_565] {strides = array<i32>} : memref<4160xi32, #tpu.memory_space<vmem>>, vector<16xi32>,
          %mul3A_567 = arith.constant 16 : i32
          %mul3A_568 = arith.muli %while3A_558, %mul3A_567 : i32
          %add3A_569 = arith.constant 2080 : i32
          %add3A_570 = arith.addi %add3A_569, %mul3A_568 : i32
          %add3A_571 = vector.broadcast %add3A_570 : i32 to vector<16xi32>
          %add3A_572 = arith.addi %add3A_571, %iota3A : vector<16xi32>
          %lt3A_573 = vector.broadcast %reduce_max3A_468 : i32 to vector<16xi32>
          %lt3A_574 = arith.cmpi slt, %get3A_566, %lt3A_573 : vector<16xi32>
          %eq3A_575 = vector.broadcast %reduce_max3A_468 : i32 to vector<16xi32>
          %eq3A_576 = arith.cmpi eq, %get3A_566, %eq3A_575 : vector<16xi32>
          %gt3A = vector.broadcast %reduce_min3A_480 : i32 to vector<16xi32>
          %gt3A_577 = arith.cmpi sgt, %add3A_572, %gt3A : vector<16xi32>
          %and3A_578 = arith.andi %eq3A_576, %gt3A_577 : vector<16xi1>
          %or3A = arith.ori %lt3A_574, %and3A_578 : vector<16xi1>
          %jit3A_579 = arith.constant -2147483648 : i32
          %broadcast_in_dim3A_580 = vector.broadcast %jit3A_579 : i32 to vector<16xi32>
          %select_n3A_581 = arith.select %or3A, %get3A_566, %broadcast_in_dim3A_580 : vector<16xi1>, vector<16xi32>
          %gt3A_582 = arith.cmpi sgt, %select_n3A_581, %while3A_559 : vector<16xi32>
          %select_n3A_583 = arith.select %gt3A_582, %select_n3A_581, %while3A_559 : vector<16xi1>, vector<16xi32>
          %select_n3A_584 = arith.select %gt3A_582, %add3A_572, %while3A_560 : vector<16xi1>, vector<16xi32>
          scf.yield %select_n3A_583, %select_n3A_584 : vector<16xi32>, vector<16xi32>
        }
        %while3A_521 = arith.constant 1 : i32
        %while3A_522:2 = scf.for %while3A_558 = %while3A_518 to %while3A_514 step %while3A_521 iter_args(%while3A_559 = %while3A_520#0, %while3A_560 = %while3A_520#1) -> (vector<16xi32>, vector<16xi32>)  : i32 {
          %mul3A_561 = arith.constant 16 : i32
          %mul3A_562 = arith.muli %while3A_558, %mul3A_561 : i32
          %add3A_563 = arith.constant 2080 : i32
          %add3A_564 = arith.addi %add3A_563, %mul3A_562 : i32
          %get3A_565 = arith.index_cast %add3A_564 : i32 to index
          %get3A_566 = tpu.vector_load %arg10[%get3A_565] {strides = array<i32>} : memref<4160xi32, #tpu.memory_space<vmem>>, vector<16xi32>,
          %mul3A_567 = arith.constant 16 : i32
          %mul3A_568 = arith.muli %while3A_558, %mul3A_567 : i32
          %add3A_569 = arith.constant 2080 : i32
          %add3A_570 = arith.addi %add3A_569, %mul3A_568 : i32
          %add3A_571 = vector.broadcast %add3A_570 : i32 to vector<16xi32>
          %add3A_572 = arith.addi %add3A_571, %iota3A : vector<16xi32>
          %lt3A_573 = vector.broadcast %reduce_max3A_468 : i32 to vector<16xi32>
          %lt3A_574 = arith.cmpi slt, %get3A_566, %lt3A_573 : vector<16xi32>
          %eq3A_575 = vector.broadcast %reduce_max3A_468 : i32 to vector<16xi32>
          %eq3A_576 = arith.cmpi eq, %get3A_566, %eq3A_575 : vector<16xi32>
          %gt3A = vector.broadcast %reduce_min3A_480 : i32 to vector<16xi32>
          %gt3A_577 = arith.cmpi sgt, %add3A_572, %gt3A : vector<16xi32>
          %and3A_578 = arith.andi %eq3A_576, %gt3A_577 : vector<16xi1>
          %or3A = arith.ori %lt3A_574, %and3A_578 : vector<16xi1>
          %jit3A_579 = arith.constant -2147483648 : i32
          %broadcast_in_dim3A_580 = vector.broadcast %jit3A_579 : i32 to vector<16xi32>
          %select_n3A_581 = arith.select %or3A, %get3A_566, %broadcast_in_dim3A_580 : vector<16xi1>, vector<16xi32>
          %gt3A_582 = arith.cmpi sgt, %select_n3A_581, %while3A_559 : vector<16xi32>
          %select_n3A_583 = arith.select %gt3A_582, %select_n3A_581, %while3A_559 : vector<16xi1>, vector<16xi32>
          %select_n3A_584 = arith.select %gt3A_582, %add3A_572, %while3A_560 : vector<16xi1>, vector<16xi32>
          scf.yield %select_n3A_583, %select_n3A_584 : vector<16xi32>, vector<16xi32>
        }
        %while3A_523 = arith.constant 0 : i32
        %while3A_524 = arith.subi %add3A_217, %while3A_523 : i32
        %while3A_525 = arith.addi %while3A_523, %while3A_524 : i32
        %while3A_526 = arith.constant 1 : i32
        %while3A_527 = arith.divsi %while3A_524, %while3A_526 : i32
        %while3A_528 = arith.muli %while3A_527, %while3A_526 : i32
        %while3A_529 = arith.addi %while3A_523, %while3A_528 : i32
        %while3A_530 = arith.constant 1 : i32
        %while3A_531:2 = scf.for %while3A_558 = %while3A_523 to %while3A_529 step %while3A_530 iter_args(%while3A_559 = %while3A_522#0, %while3A_560 = %while3A_522#1) -> (vector<16xi32>, vector<16xi32>)  : i32 {
          %mul3A_561 = arith.constant 16 : i32
          %mul3A_562 = arith.muli %while3A_558, %mul3A_561 : i32
          %add3A_563 = arith.constant 3120 : i32
          %add3A_564 = arith.addi %add3A_563, %mul3A_562 : i32
          %get3A_565 = arith.index_cast %add3A_564 : i32 to index
          %get3A_566 = tpu.vector_load %arg10[%get3A_565] {strides = array<i32>} : memref<4160xi32, #tpu.memory_space<vmem>>, vector<16xi32>,
          %mul3A_567 = arith.constant 16 : i32
          %mul3A_568 = arith.muli %while3A_558, %mul3A_567 : i32
          %add3A_569 = arith.constant 3120 : i32
          %add3A_570 = arith.addi %add3A_569, %mul3A_568 : i32
          %add3A_571 = vector.broadcast %add3A_570 : i32 to vector<16xi32>
          %add3A_572 = arith.addi %add3A_571, %iota3A : vector<16xi32>
          %lt3A_573 = vector.broadcast %reduce_max3A_468 : i32 to vector<16xi32>
          %lt3A_574 = arith.cmpi slt, %get3A_566, %lt3A_573 : vector<16xi32>
          %eq3A_575 = vector.broadcast %reduce_max3A_468 : i32 to vector<16xi32>
          %eq3A_576 = arith.cmpi eq, %get3A_566, %eq3A_575 : vector<16xi32>
          %gt3A = vector.broadcast %reduce_min3A_480 : i32 to vector<16xi32>
          %gt3A_577 = arith.cmpi sgt, %add3A_572, %gt3A : vector<16xi32>
          %and3A_578 = arith.andi %eq3A_576, %gt3A_577 : vector<16xi1>
          %or3A = arith.ori %lt3A_574, %and3A_578 : vector<16xi1>
          %jit3A_579 = arith.constant -2147483648 : i32
          %broadcast_in_dim3A_580 = vector.broadcast %jit3A_579 : i32 to vector<16xi32>
          %select_n3A_581 = arith.select %or3A, %get3A_566, %broadcast_in_dim3A_580 : vector<16xi1>, vector<16xi32>
          %gt3A_582 = arith.cmpi sgt, %select_n3A_581, %while3A_559 : vector<16xi32>
          %select_n3A_583 = arith.select %gt3A_582, %select_n3A_581, %while3A_559 : vector<16xi1>, vector<16xi32>
          %select_n3A_584 = arith.select %gt3A_582, %add3A_572, %while3A_560 : vector<16xi1>, vector<16xi32>
          scf.yield %select_n3A_583, %select_n3A_584 : vector<16xi32>, vector<16xi32>
        }
        %while3A_532 = arith.constant 1 : i32
        %while3A_533:2 = scf.for %while3A_558 = %while3A_529 to %while3A_525 step %while3A_532 iter_args(%while3A_559 = %while3A_531#0, %while3A_560 = %while3A_531#1) -> (vector<16xi32>, vector<16xi32>)  : i32 {
          %mul3A_561 = arith.constant 16 : i32
          %mul3A_562 = arith.muli %while3A_558, %mul3A_561 : i32
          %add3A_563 = arith.constant 3120 : i32
          %add3A_564 = arith.addi %add3A_563, %mul3A_562 : i32
          %get3A_565 = arith.index_cast %add3A_564 : i32 to index
          %get3A_566 = tpu.vector_load %arg10[%get3A_565] {strides = array<i32>} : memref<4160xi32, #tpu.memory_space<vmem>>, vector<16xi32>,
          %mul3A_567 = arith.constant 16 : i32
          %mul3A_568 = arith.muli %while3A_558, %mul3A_567 : i32
          %add3A_569 = arith.constant 3120 : i32
          %add3A_570 = arith.addi %add3A_569, %mul3A_568 : i32
          %add3A_571 = vector.broadcast %add3A_570 : i32 to vector<16xi32>
          %add3A_572 = arith.addi %add3A_571, %iota3A : vector<16xi32>
          %lt3A_573 = vector.broadcast %reduce_max3A_468 : i32 to vector<16xi32>
          %lt3A_574 = arith.cmpi slt, %get3A_566, %lt3A_573 : vector<16xi32>
          %eq3A_575 = vector.broadcast %reduce_max3A_468 : i32 to vector<16xi32>
          %eq3A_576 = arith.cmpi eq, %get3A_566, %eq3A_575 : vector<16xi32>
          %gt3A = vector.broadcast %reduce_min3A_480 : i32 to vector<16xi32>
          %gt3A_577 = arith.cmpi sgt, %add3A_572, %gt3A : vector<16xi32>
          %and3A_578 = arith.andi %eq3A_576, %gt3A_577 : vector<16xi1>
          %or3A = arith.ori %lt3A_574, %and3A_578 : vector<16xi1>
          %jit3A_579 = arith.constant -2147483648 : i32
          %broadcast_in_dim3A_580 = vector.broadcast %jit3A_579 : i32 to vector<16xi32>
          %select_n3A_581 = arith.select %or3A, %get3A_566, %broadcast_in_dim3A_580 : vector<16xi1>, vector<16xi32>
          %gt3A_582 = arith.cmpi sgt, %select_n3A_581, %while3A_559 : vector<16xi32>
          %select_n3A_583 = arith.select %gt3A_582, %select_n3A_581, %while3A_559 : vector<16xi1>, vector<16xi32>
          %select_n3A_584 = arith.select %gt3A_582, %add3A_572, %while3A_560 : vector<16xi1>, vector<16xi32>
          scf.yield %select_n3A_583, %select_n3A_584 : vector<16xi32>, vector<16xi32>
        }
        %reduce_max3A_534 = arith.constant true
        %reduce_max3A_535 = vector.broadcast %reduce_max3A_534 : i1 to vector<16xi1>
        %reduce_max3A_536 = arith.constant -2147483648 : i32
        %reduce_max3A_537 = vector.broadcast %reduce_max3A_536 : i32 to vector<16xi32>
        %reduce_max3A_538 = arith.xori %while3A_533#0, %reduce_max3A_537 : vector<16xi32>
        %reduce_max3A_539 = tpu.scan <max>, %reduce_max3A_538 masked %reduce_max3A_535 : vector<16xi32>, vector<16xi1> -> vector<16xi32>
        %reduce_max3A_540 = arith.xori %reduce_max3A_539, %reduce_max3A_537 : vector<16xi32>
        %reduce_max3A_541 = vector.extract %reduce_max3A_540[15] : i32 from vector<16xi32>
        %eq3A_542 = vector.broadcast %reduce_max3A_541 : i32 to vector<16xi32>
        %eq3A_543 = arith.cmpi eq, %while3A_533#0, %eq3A_542 : vector<16xi32>
        %jit3A_544 = arith.constant 1073741824 : i32
        %broadcast_in_dim3A_545 = vector.broadcast %jit3A_544 : i32 to vector<16xi32>
        %select_n3A_546 = arith.select %eq3A_543, %while3A_533#1, %broadcast_in_dim3A_545 : vector<16xi1>, vector<16xi32>
        %reduce_min3A_547 = arith.constant true
        %reduce_min3A_548 = vector.broadcast %reduce_min3A_547 : i1 to vector<16xi1>
        %reduce_min3A_549 = arith.constant -2147483648 : i32
        %reduce_min3A_550 = vector.broadcast %reduce_min3A_549 : i32 to vector<16xi32>
        %reduce_min3A_551 = arith.xori %select_n3A_546, %reduce_min3A_550 : vector<16xi32>
        %reduce_min3A_552 = tpu.scan <min>, %reduce_min3A_551 masked %reduce_min3A_548 : vector<16xi32>, vector<16xi1> -> vector<16xi32>
        %reduce_min3A_553 = arith.xori %reduce_min3A_552, %reduce_min3A_550 : vector<16xi32>
        %reduce_min3A_554 = vector.extract %reduce_min3A_553[15] : i32 from vector<16xi32>
        %broadcast_in_dim3A_555 = vector.broadcast %reduce_min3A_554 : i32 to vector<16xi32>
        %swap3A_556 = arith.index_cast %scan3A_485 : i32 to index
        %swap3A_557 = tpu.vector_load %arg15[%swap3A_556] masked %eq3A_2 {strides = array<i32>} : memref<112xi32, #tpu.memory_space<vmem>>, vector<16xi32>, vector<16xi1>
        tpu.vector_store %arg15[%swap3A_556], %broadcast_in_dim3A_555 masked %eq3A_2 {strides = array<i32>} : memref<112xi32, #tpu.memory_space<vmem>>, vector<16xi32>, vector<16xi1>
        scf.yield %reduce_max3A_541, %reduce_min3A_554 : i32, i32
      }
      %scan3A_225 = arith.constant 96 : i32
      %scan3A_226 = arith.constant 0 : i32
      %scan3A_227 = arith.constant 0 : i32
      %mul3A_228 = arith.constant 16 : i32
      %mul3A_229 = arith.muli %scan3A_227, %mul3A_228 : i32
      %get3A = arith.index_cast %mul3A_229 : i32 to index
      %get3A_230 = tpu.vector_load %arg15[%get3A] {strides = array<i32>} : memref<112xi32, #tpu.memory_space<vmem>>, vector<16xi32>,
      %gather3A = tpu.vector_load_idx %arg11[%get3A_230] : memref<4160xf32, #tpu.memory_space<vmem>>[vector<16xi32>], vector<16xf32>,
      %mul3A_231 = arith.constant 16 : i32
      %mul3A_232 = arith.muli %scan3A_227, %mul3A_231 : i32
      %swap3A_233 = arith.index_cast %mul3A_232 : i32 to index
      %swap3A_234 = tpu.vector_load %arg13[%swap3A_233] {strides = array<i32>} : memref<112xf32, #tpu.memory_space<vmem>>, vector<16xf32>,
      tpu.vector_store %arg13[%swap3A_233], %gather3A {strides = array<i32>} : memref<112xf32, #tpu.memory_space<vmem>>, vector<16xf32>,
      %gather3A_235 = tpu.vector_load_idx %arg12[%get3A_230] : memref<4160xi32, #tpu.memory_space<vmem>>[vector<16xi32>], vector<16xi32>,
      %mul3A_236 = arith.constant 16 : i32
      %mul3A_237 = arith.muli %scan3A_227, %mul3A_236 : i32
      %swap3A_238 = arith.index_cast %mul3A_237 : i32 to index
      %swap3A_239 = tpu.vector_load %arg14[%swap3A_238] {strides = array<i32>} : memref<112xi32, #tpu.memory_space<vmem>>, vector<16xi32>,
      tpu.vector_store %arg14[%swap3A_238], %gather3A_235 {strides = array<i32>} : memref<112xi32, #tpu.memory_space<vmem>>, vector<16xi32>,
      %scan3A_240 = arith.constant 1 : i32
      %mul3A_241 = arith.constant 16 : i32
      %mul3A_242 = arith.muli %scan3A_240, %mul3A_241 : i32
      %get3A_243 = arith.index_cast %mul3A_242 : i32 to index
      %get3A_244 = tpu.vector_load %arg15[%get3A_243] {strides = array<i32>} : memref<112xi32, #tpu.memory_space<vmem>>, vector<16xi32>,
      %gather3A_245 = tpu.vector_load_idx %arg11[%get3A_244] : memref<4160xf32, #tpu.memory_space<vmem>>[vector<16xi32>], vector<16xf32>,
      %mul3A_246 = arith.constant 16 : i32
      %mul3A_247 = arith.muli %scan3A_240, %mul3A_246 : i32
      %swap3A_248 = arith.index_cast %mul3A_247 : i32 to index
      %swap3A_249 = tpu.vector_load %arg13[%swap3A_248] {strides = array<i32>} : memref<112xf32, #tpu.memory_space<vmem>>, vector<16xf32>,
      tpu.vector_store %arg13[%swap3A_248], %gather3A_245 {strides = array<i32>} : memref<112xf32, #tpu.memory_space<vmem>>, vector<16xf32>,
      %gather3A_250 = tpu.vector_load_idx %arg12[%get3A_244] : memref<4160xi32, #tpu.memory_space<vmem>>[vector<16xi32>], vector<16xi32>,
      %mul3A_251 = arith.constant 16 : i32
      %mul3A_252 = arith.muli %scan3A_240, %mul3A_251 : i32
      %swap3A_253 = arith.index_cast %mul3A_252 : i32 to index
      %swap3A_254 = tpu.vector_load %arg14[%swap3A_253] {strides = array<i32>} : memref<112xi32, #tpu.memory_space<vmem>>, vector<16xi32>,
      tpu.vector_store %arg14[%swap3A_253], %gather3A_250 {strides = array<i32>} : memref<112xi32, #tpu.memory_space<vmem>>, vector<16xi32>,
      %scan3A_255 = arith.constant 2 : i32
      %mul3A_256 = arith.constant 16 : i32
      %mul3A_257 = arith.muli %scan3A_255, %mul3A_256 : i32
      %get3A_258 = arith.index_cast %mul3A_257 : i32 to index
      %get3A_259 = tpu.vector_load %arg15[%get3A_258] {strides = array<i32>} : memref<112xi32, #tpu.memory_space<vmem>>, vector<16xi32>,
      %gather3A_260 = tpu.vector_load_idx %arg11[%get3A_259] : memref<4160xf32, #tpu.memory_space<vmem>>[vector<16xi32>], vector<16xf32>,
      %mul3A_261 = arith.constant 16 : i32
      %mul3A_262 = arith.muli %scan3A_255, %mul3A_261 : i32
      %swap3A_263 = arith.index_cast %mul3A_262 : i32 to index
      %swap3A_264 = tpu.vector_load %arg13[%swap3A_263] {strides = array<i32>} : memref<112xf32, #tpu.memory_space<vmem>>, vector<16xf32>,
      tpu.vector_store %arg13[%swap3A_263], %gather3A_260 {strides = array<i32>} : memref<112xf32, #tpu.memory_space<vmem>>, vector<16xf32>,
      %gather3A_265 = tpu.vector_load_idx %arg12[%get3A_259] : memref<4160xi32, #tpu.memory_space<vmem>>[vector<16xi32>], vector<16xi32>,
      %mul3A_266 = arith.constant 16 : i32
      %mul3A_267 = arith.muli %scan3A_255, %mul3A_266 : i32
      %swap3A_268 = arith.index_cast %mul3A_267 : i32 to index
      %swap3A_269 = tpu.vector_load %arg14[%swap3A_268] {strides = array<i32>} : memref<112xi32, #tpu.memory_space<vmem>>, vector<16xi32>,
      tpu.vector_store %arg14[%swap3A_268], %gather3A_265 {strides = array<i32>} : memref<112xi32, #tpu.memory_space<vmem>>, vector<16xi32>,
      %scan3A_270 = arith.constant 3 : i32
      %mul3A_271 = arith.constant 16 : i32
      %mul3A_272 = arith.muli %scan3A_270, %mul3A_271 : i32
      %get3A_273 = arith.index_cast %mul3A_272 : i32 to index
      %get3A_274 = tpu.vector_load %arg15[%get3A_273] {strides = array<i32>} : memref<112xi32, #tpu.memory_space<vmem>>, vector<16xi32>,
      %gather3A_275 = tpu.vector_load_idx %arg11[%get3A_274] : memref<4160xf32, #tpu.memory_space<vmem>>[vector<16xi32>], vector<16xf32>,
      %mul3A_276 = arith.constant 16 : i32
      %mul3A_277 = arith.muli %scan3A_270, %mul3A_276 : i32
      %swap3A_278 = arith.index_cast %mul3A_277 : i32 to index
      %swap3A_279 = tpu.vector_load %arg13[%swap3A_278] {strides = array<i32>} : memref<112xf32, #tpu.memory_space<vmem>>, vector<16xf32>,
      tpu.vector_store %arg13[%swap3A_278], %gather3A_275 {strides = array<i32>} : memref<112xf32, #tpu.memory_space<vmem>>, vector<16xf32>,
      %gather3A_280 = tpu.vector_load_idx %arg12[%get3A_274] : memref<4160xi32, #tpu.memory_space<vmem>>[vector<16xi32>], vector<16xi32>,
      %mul3A_281 = arith.constant 16 : i32
      %mul3A_282 = arith.muli %scan3A_270, %mul3A_281 : i32
      %swap3A_283 = arith.index_cast %mul3A_282 : i32 to index
      %swap3A_284 = tpu.vector_load %arg14[%swap3A_283] {strides = array<i32>} : memref<112xi32, #tpu.memory_space<vmem>>, vector<16xi32>,
      tpu.vector_store %arg14[%swap3A_283], %gather3A_280 {strides = array<i32>} : memref<112xi32, #tpu.memory_space<vmem>>, vector<16xi32>,
      %scan3A_285 = arith.constant 4 : i32
      %mul3A_286 = arith.constant 16 : i32
      %mul3A_287 = arith.muli %scan3A_285, %mul3A_286 : i32
      %get3A_288 = arith.index_cast %mul3A_287 : i32 to index
      %get3A_289 = tpu.vector_load %arg15[%get3A_288] {strides = array<i32>} : memref<112xi32, #tpu.memory_space<vmem>>, vector<16xi32>,
      %gather3A_290 = tpu.vector_load_idx %arg11[%get3A_289] : memref<4160xf32, #tpu.memory_space<vmem>>[vector<16xi32>], vector<16xf32>,
      %mul3A_291 = arith.constant 16 : i32
      %mul3A_292 = arith.muli %scan3A_285, %mul3A_291 : i32
      %swap3A_293 = arith.index_cast %mul3A_292 : i32 to index
      %swap3A_294 = tpu.vector_load %arg13[%swap3A_293] {strides = array<i32>} : memref<112xf32, #tpu.memory_space<vmem>>, vector<16xf32>,
      tpu.vector_store %arg13[%swap3A_293], %gather3A_290 {strides = array<i32>} : memref<112xf32, #tpu.memory_space<vmem>>, vector<16xf32>,
      %gather3A_295 = tpu.vector_load_idx %arg12[%get3A_289] : memref<4160xi32, #tpu.memory_space<vmem>>[vector<16xi32>], vector<16xi32>,
      %mul3A_296 = arith.constant 16 : i32
      %mul3A_297 = arith.muli %scan3A_285, %mul3A_296 : i32
      %swap3A_298 = arith.index_cast %mul3A_297 : i32 to index
      %swap3A_299 = tpu.vector_load %arg14[%swap3A_298] {strides = array<i32>} : memref<112xi32, #tpu.memory_space<vmem>>, vector<16xi32>,
      tpu.vector_store %arg14[%swap3A_298], %gather3A_295 {strides = array<i32>} : memref<112xi32, #tpu.memory_space<vmem>>, vector<16xi32>,
      %scan3A_300 = arith.constant 5 : i32
      %mul3A_301 = arith.constant 16 : i32
      %mul3A_302 = arith.muli %scan3A_300, %mul3A_301 : i32
      %get3A_303 = arith.index_cast %mul3A_302 : i32 to index
      %get3A_304 = tpu.vector_load %arg15[%get3A_303] {strides = array<i32>} : memref<112xi32, #tpu.memory_space<vmem>>, vector<16xi32>,
      %gather3A_305 = tpu.vector_load_idx %arg11[%get3A_304] : memref<4160xf32, #tpu.memory_space<vmem>>[vector<16xi32>], vector<16xf32>,
      %mul3A_306 = arith.constant 16 : i32
      %mul3A_307 = arith.muli %scan3A_300, %mul3A_306 : i32
      %swap3A_308 = arith.index_cast %mul3A_307 : i32 to index
      %swap3A_309 = tpu.vector_load %arg13[%swap3A_308] {strides = array<i32>} : memref<112xf32, #tpu.memory_space<vmem>>, vector<16xf32>,
      tpu.vector_store %arg13[%swap3A_308], %gather3A_305 {strides = array<i32>} : memref<112xf32, #tpu.memory_space<vmem>>, vector<16xf32>,
      %gather3A_310 = tpu.vector_load_idx %arg12[%get3A_304] : memref<4160xi32, #tpu.memory_space<vmem>>[vector<16xi32>], vector<16xi32>,
      %mul3A_311 = arith.constant 16 : i32
      %mul3A_312 = arith.muli %scan3A_300, %mul3A_311 : i32
      %swap3A_313 = arith.index_cast %mul3A_312 : i32 to index
      %swap3A_314 = tpu.vector_load %arg14[%swap3A_313] {strides = array<i32>} : memref<112xi32, #tpu.memory_space<vmem>>, vector<16xi32>,
      tpu.vector_store %arg14[%swap3A_313], %gather3A_310 {strides = array<i32>} : memref<112xi32, #tpu.memory_space<vmem>>, vector<16xi32>,
      %scan3A_315 = arith.constant 6 : i32
      %get3A_316 = arith.index_cast %add3A_24 : i32 to index
      %get3A_317 = tpu.vector_load %arg19[%get3A_316] {strides = array<i32>} : memref<144xf32, #tpu.memory_space<vmem>>, vector<16xf32>,
      %slice3A = vector.extract_strided_slice %get3A_317 {offsets = [0], sizes = [1], strides = [1]} : vector<16xf32> to vector<1xf32>
      %squeeze3A = vector.extract %slice3A[0] : f32 from vector<1xf32>
      %scan3A_318 = arith.constant 0 : i32
      %scan3A_319 = arith.constant 0 : i32
      %scan3A_320 = arith.constant 6 : i32
      %scan3A_321 = arith.addi %scan3A_319, %scan3A_320 : i32
      %scan3A_322 = arith.constant 1 : i32
      scf.for %scan3A_410 = %scan3A_319 to %scan3A_321 step %scan3A_322  : i32 {
        %mul3A_411 = arith.constant 16 : i32
        %mul3A_412 = arith.muli %scan3A_410, %mul3A_411 : i32
        %get3A_413 = arith.index_cast %mul3A_412 : i32 to index
        %get3A_414 = tpu.vector_load %arg13[%get3A_413] {strides = array<i32>} : memref<112xf32, #tpu.memory_space<vmem>>, vector<16xf32>,
        %mul3A_415 = arith.constant 16 : i32
        %mul3A_416 = arith.muli %scan3A_410, %mul3A_415 : i32
        %get3A_417 = arith.index_cast %mul3A_416 : i32 to index
        %get3A_418 = tpu.vector_load %arg18[%get3A_417] {strides = array<i32>} : memref<96xf32, #tpu.memory_space<vmem>>, vector<16xf32>,
        %mul3A_419 = arith.constant 3.000000e-01 : f32
        %mul3A_420 = vector.broadcast %mul3A_419 : f32 to vector<16xf32>
        %mul3A_421 = arith.mulf %mul3A_420, %get3A_418 : vector<16xf32>
        %add3A_422 = arith.addf %get3A_414, %mul3A_421 : vector<16xf32>
        %add3A_423 = vector.broadcast %squeeze3A : f32 to vector<16xf32>
        %add3A_424 = arith.addf %add3A_422, %add3A_423 : vector<16xf32>
        %mul3A_425 = arith.constant 16 : i32
        %mul3A_426 = arith.muli %scan3A_410, %mul3A_425 : i32
        %swap3A_427 = arith.index_cast %mul3A_426 : i32 to index
        %swap3A_428 = tpu.vector_load %arg16[%swap3A_427] {strides = array<i32>} : memref<112xf32, #tpu.memory_space<vmem>>, vector<16xf32>,
        tpu.vector_store %arg16[%swap3A_427], %add3A_424 {strides = array<i32>} : memref<112xf32, #tpu.memory_space<vmem>>, vector<16xf32>,
        %bitcast_convert_type3A = tpu.bitcast %add3A_424 : vector<16xf32> -> vector<16xi32>
        %ge3A = arith.constant 0 : i32
        %ge3A_429 = vector.broadcast %ge3A : i32 to vector<16xi32>
        %ge3A_430 = arith.cmpi sge, %bitcast_convert_type3A, %ge3A_429 : vector<16xi32>
        %xor3A = arith.constant 2147483647 : i32
        %xor3A_431 = vector.broadcast %xor3A : i32 to vector<16xi32>
        %xor3A_432 = arith.xori %bitcast_convert_type3A, %xor3A_431 : vector<16xi32>
        %select_n3A_433 = arith.select %ge3A_430, %bitcast_convert_type3A, %xor3A_432 : vector<16xi1>, vector<16xi32>
        %mul3A_434 = arith.constant 16 : i32
        %mul3A_435 = arith.muli %scan3A_410, %mul3A_434 : i32
        %swap3A_436 = arith.index_cast %mul3A_435 : i32 to index
        %swap3A_437 = tpu.vector_load %arg17[%swap3A_436] {strides = array<i32>} : memref<112xi32, #tpu.memory_space<vmem>>, vector<16xi32>,
        tpu.vector_store %arg17[%swap3A_436], %select_n3A_433 {strides = array<i32>} : memref<112xi32, #tpu.memory_space<vmem>>, vector<16xi32>,
      }
      %scan3A_323 = arith.constant 6 : i32
      %scan3A_324 = arith.constant 2147483647 : i32
      %scan3A_325 = arith.constant -1 : i32
      %scan3A_326 = arith.constant 0 : i32
      %scan3A_327 = arith.constant 64 : i32
      %scan3A_328 = arith.addi %scan3A_326, %scan3A_327 : i32
      %scan3A_329 = arith.constant 2 : i32
      %scan3A_330:2 = scf.for %scan3A_410 = %scan3A_326 to %scan3A_328 step %scan3A_329 iter_args(%scan3A_411 = %scan3A_324, %scan3A_412 = %scan3A_325) -> (i32, i32)  : i32 {
        %broadcast_in_dim3A_413 = arith.constant -2147483648 : i32
        %broadcast_in_dim3A_414 = vector.broadcast %broadcast_in_dim3A_413 : i32 to vector<16xi32>
        %broadcast_in_dim3A_415 = arith.constant 1073741824 : i32
        %broadcast_in_dim3A_416 = vector.broadcast %broadcast_in_dim3A_415 : i32 to vector<16xi32>
        %scan3A_417 = arith.constant 0 : i32
        %mul3A_418 = arith.constant 16 : i32
        %mul3A_419 = arith.muli %scan3A_417, %mul3A_418 : i32
        %get3A_420 = arith.index_cast %mul3A_419 : i32 to index
        %get3A_421 = tpu.vector_load %arg17[%get3A_420] {strides = array<i32>} : memref<112xi32, #tpu.memory_space<vmem>>, vector<16xi32>,
        %mul3A_422 = arith.constant 16 : i32
        %mul3A_423 = arith.muli %scan3A_417, %mul3A_422 : i32
        %add3A_424 = vector.broadcast %mul3A_423 : i32 to vector<16xi32>
        %add3A_425 = arith.addi %add3A_424, %iota3A : vector<16xi32>
        %lt3A_426 = vector.broadcast %scan3A_411 : i32 to vector<16xi32>
        %lt3A_427 = arith.cmpi slt, %get3A_421, %lt3A_426 : vector<16xi32>
        %eq3A_428 = vector.broadcast %scan3A_411 : i32 to vector<16xi32>
        %eq3A_429 = arith.cmpi eq, %get3A_421, %eq3A_428 : vector<16xi32>
        %gt3A = vector.broadcast %scan3A_412 : i32 to vector<16xi32>
        %gt3A_430 = arith.cmpi sgt, %add3A_425, %gt3A : vector<16xi32>
        %and3A_431 = arith.andi %eq3A_429, %gt3A_430 : vector<16xi1>
        %or3A = arith.ori %lt3A_427, %and3A_431 : vector<16xi1>
        %jit3A_432 = arith.constant -2147483648 : i32
        %broadcast_in_dim3A_433 = vector.broadcast %jit3A_432 : i32 to vector<16xi32>
        %select_n3A_434 = arith.select %or3A, %get3A_421, %broadcast_in_dim3A_433 : vector<16xi1>, vector<16xi32>
        %gt3A_435 = arith.cmpi sgt, %select_n3A_434, %broadcast_in_dim3A_414 : vector<16xi32>
        %select_n3A_436 = arith.select %gt3A_435, %select_n3A_434, %broadcast_in_dim3A_414 : vector<16xi1>, vector<16xi32>
        %select_n3A_437 = arith.select %gt3A_435, %add3A_425, %broadcast_in_dim3A_416 : vector<16xi1>, vector<16xi32>
        %scan3A_438 = arith.constant 1 : i32
        %mul3A_439 = arith.constant 16 : i32
        %mul3A_440 = arith.muli %scan3A_438, %mul3A_439 : i32
        %get3A_441 = arith.index_cast %mul3A_440 : i32 to index
        %get3A_442 = tpu.vector_load %arg17[%get3A_441] {strides = array<i32>} : memref<112xi32, #tpu.memory_space<vmem>>, vector<16xi32>,
        %mul3A_443 = arith.constant 16 : i32
        %mul3A_444 = arith.muli %scan3A_438, %mul3A_443 : i32
        %add3A_445 = vector.broadcast %mul3A_444 : i32 to vector<16xi32>
        %add3A_446 = arith.addi %add3A_445, %iota3A : vector<16xi32>
        %lt3A_447 = vector.broadcast %scan3A_411 : i32 to vector<16xi32>
        %lt3A_448 = arith.cmpi slt, %get3A_442, %lt3A_447 : vector<16xi32>
        %eq3A_449 = vector.broadcast %scan3A_411 : i32 to vector<16xi32>
        %eq3A_450 = arith.cmpi eq, %get3A_442, %eq3A_449 : vector<16xi32>
        %gt3A_451 = vector.broadcast %scan3A_412 : i32 to vector<16xi32>
        %gt3A_452 = arith.cmpi sgt, %add3A_446, %gt3A_451 : vector<16xi32>
        %and3A_453 = arith.andi %eq3A_450, %gt3A_452 : vector<16xi1>
        %or3A_454 = arith.ori %lt3A_448, %and3A_453 : vector<16xi1>
        %jit3A_455 = arith.constant -2147483648 : i32
        %broadcast_in_dim3A_456 = vector.broadcast %jit3A_455 : i32 to vector<16xi32>
        %select_n3A_457 = arith.select %or3A_454, %get3A_442, %broadcast_in_dim3A_456 : vector<16xi1>, vector<16xi32>
        %gt3A_458 = arith.cmpi sgt, %select_n3A_457, %select_n3A_436 : vector<16xi32>
        %select_n3A_459 = arith.select %gt3A_458, %select_n3A_457, %select_n3A_436 : vector<16xi1>, vector<16xi32>
        %select_n3A_460 = arith.select %gt3A_458, %add3A_446, %select_n3A_437 : vector<16xi1>, vector<16xi32>
        %scan3A_461 = arith.constant 2 : i32
        %mul3A_462 = arith.constant 16 : i32
        %mul3A_463 = arith.muli %scan3A_461, %mul3A_462 : i32
        %get3A_464 = arith.index_cast %mul3A_463 : i32 to index
        %get3A_465 = tpu.vector_load %arg17[%get3A_464] {strides = array<i32>} : memref<112xi32, #tpu.memory_space<vmem>>, vector<16xi32>,
        %mul3A_466 = arith.constant 16 : i32
        %mul3A_467 = arith.muli %scan3A_461, %mul3A_466 : i32
        %add3A_468 = vector.broadcast %mul3A_467 : i32 to vector<16xi32>
        %add3A_469 = arith.addi %add3A_468, %iota3A : vector<16xi32>
        %lt3A_470 = vector.broadcast %scan3A_411 : i32 to vector<16xi32>
        %lt3A_471 = arith.cmpi slt, %get3A_465, %lt3A_470 : vector<16xi32>
        %eq3A_472 = vector.broadcast %scan3A_411 : i32 to vector<16xi32>
        %eq3A_473 = arith.cmpi eq, %get3A_465, %eq3A_472 : vector<16xi32>
        %gt3A_474 = vector.broadcast %scan3A_412 : i32 to vector<16xi32>
        %gt3A_475 = arith.cmpi sgt, %add3A_469, %gt3A_474 : vector<16xi32>
        %and3A_476 = arith.andi %eq3A_473, %gt3A_475 : vector<16xi1>
        %or3A_477 = arith.ori %lt3A_471, %and3A_476 : vector<16xi1>
        %jit3A_478 = arith.constant -2147483648 : i32
        %broadcast_in_dim3A_479 = vector.broadcast %jit3A_478 : i32 to vector<16xi32>
        %select_n3A_480 = arith.select %or3A_477, %get3A_465, %broadcast_in_dim3A_479 : vector<16xi1>, vector<16xi32>
        %gt3A_481 = arith.cmpi sgt, %select_n3A_480, %select_n3A_459 : vector<16xi32>
        %select_n3A_482 = arith.select %gt3A_481, %select_n3A_480, %select_n3A_459 : vector<16xi1>, vector<16xi32>
        %select_n3A_483 = arith.select %gt3A_481, %add3A_469, %select_n3A_460 : vector<16xi1>, vector<16xi32>
        %scan3A_484 = arith.constant 3 : i32
        %mul3A_485 = arith.constant 16 : i32
        %mul3A_486 = arith.muli %scan3A_484, %mul3A_485 : i32
        %get3A_487 = arith.index_cast %mul3A_486 : i32 to index
        %get3A_488 = tpu.vector_load %arg17[%get3A_487] {strides = array<i32>} : memref<112xi32, #tpu.memory_space<vmem>>, vector<16xi32>,
        %mul3A_489 = arith.constant 16 : i32
        %mul3A_490 = arith.muli %scan3A_484, %mul3A_489 : i32
        %add3A_491 = vector.broadcast %mul3A_490 : i32 to vector<16xi32>
        %add3A_492 = arith.addi %add3A_491, %iota3A : vector<16xi32>
        %lt3A_493 = vector.broadcast %scan3A_411 : i32 to vector<16xi32>
        %lt3A_494 = arith.cmpi slt, %get3A_488, %lt3A_493 : vector<16xi32>
        %eq3A_495 = vector.broadcast %scan3A_411 : i32 to vector<16xi32>
        %eq3A_496 = arith.cmpi eq, %get3A_488, %eq3A_495 : vector<16xi32>
        %gt3A_497 = vector.broadcast %scan3A_412 : i32 to vector<16xi32>
        %gt3A_498 = arith.cmpi sgt, %add3A_492, %gt3A_497 : vector<16xi32>
        %and3A_499 = arith.andi %eq3A_496, %gt3A_498 : vector<16xi1>
        %or3A_500 = arith.ori %lt3A_494, %and3A_499 : vector<16xi1>
        %jit3A_501 = arith.constant -2147483648 : i32
        %broadcast_in_dim3A_502 = vector.broadcast %jit3A_501 : i32 to vector<16xi32>
        %select_n3A_503 = arith.select %or3A_500, %get3A_488, %broadcast_in_dim3A_502 : vector<16xi1>, vector<16xi32>
        %gt3A_504 = arith.cmpi sgt, %select_n3A_503, %select_n3A_482 : vector<16xi32>
        %select_n3A_505 = arith.select %gt3A_504, %select_n3A_503, %select_n3A_482 : vector<16xi1>, vector<16xi32>
        %select_n3A_506 = arith.select %gt3A_504, %add3A_492, %select_n3A_483 : vector<16xi1>, vector<16xi32>
        %scan3A_507 = arith.constant 4 : i32
        %mul3A_508 = arith.constant 16 : i32
        %mul3A_509 = arith.muli %scan3A_507, %mul3A_508 : i32
        %get3A_510 = arith.index_cast %mul3A_509 : i32 to index
        %get3A_511 = tpu.vector_load %arg17[%get3A_510] {strides = array<i32>} : memref<112xi32, #tpu.memory_space<vmem>>, vector<16xi32>,
        %mul3A_512 = arith.constant 16 : i32
        %mul3A_513 = arith.muli %scan3A_507, %mul3A_512 : i32
        %add3A_514 = vector.broadcast %mul3A_513 : i32 to vector<16xi32>
        %add3A_515 = arith.addi %add3A_514, %iota3A : vector<16xi32>
        %lt3A_516 = vector.broadcast %scan3A_411 : i32 to vector<16xi32>
        %lt3A_517 = arith.cmpi slt, %get3A_511, %lt3A_516 : vector<16xi32>
        %eq3A_518 = vector.broadcast %scan3A_411 : i32 to vector<16xi32>
        %eq3A_519 = arith.cmpi eq, %get3A_511, %eq3A_518 : vector<16xi32>
        %gt3A_520 = vector.broadcast %scan3A_412 : i32 to vector<16xi32>
        %gt3A_521 = arith.cmpi sgt, %add3A_515, %gt3A_520 : vector<16xi32>
        %and3A_522 = arith.andi %eq3A_519, %gt3A_521 : vector<16xi1>
        %or3A_523 = arith.ori %lt3A_517, %and3A_522 : vector<16xi1>
        %jit3A_524 = arith.constant -2147483648 : i32
        %broadcast_in_dim3A_525 = vector.broadcast %jit3A_524 : i32 to vector<16xi32>
        %select_n3A_526 = arith.select %or3A_523, %get3A_511, %broadcast_in_dim3A_525 : vector<16xi1>, vector<16xi32>
        %gt3A_527 = arith.cmpi sgt, %select_n3A_526, %select_n3A_505 : vector<16xi32>
        %select_n3A_528 = arith.select %gt3A_527, %select_n3A_526, %select_n3A_505 : vector<16xi1>, vector<16xi32>
        %select_n3A_529 = arith.select %gt3A_527, %add3A_515, %select_n3A_506 : vector<16xi1>, vector<16xi32>
        %scan3A_530 = arith.constant 5 : i32
        %mul3A_531 = arith.constant 16 : i32
        %mul3A_532 = arith.muli %scan3A_530, %mul3A_531 : i32
        %get3A_533 = arith.index_cast %mul3A_532 : i32 to index
        %get3A_534 = tpu.vector_load %arg17[%get3A_533] {strides = array<i32>} : memref<112xi32, #tpu.memory_space<vmem>>, vector<16xi32>,
        %mul3A_535 = arith.constant 16 : i32
        %mul3A_536 = arith.muli %scan3A_530, %mul3A_535 : i32
        %add3A_537 = vector.broadcast %mul3A_536 : i32 to vector<16xi32>
        %add3A_538 = arith.addi %add3A_537, %iota3A : vector<16xi32>
        %lt3A_539 = vector.broadcast %scan3A_411 : i32 to vector<16xi32>
        %lt3A_540 = arith.cmpi slt, %get3A_534, %lt3A_539 : vector<16xi32>
        %eq3A_541 = vector.broadcast %scan3A_411 : i32 to vector<16xi32>
        %eq3A_542 = arith.cmpi eq, %get3A_534, %eq3A_541 : vector<16xi32>
        %gt3A_543 = vector.broadcast %scan3A_412 : i32 to vector<16xi32>
        %gt3A_544 = arith.cmpi sgt, %add3A_538, %gt3A_543 : vector<16xi32>
        %and3A_545 = arith.andi %eq3A_542, %gt3A_544 : vector<16xi1>
        %or3A_546 = arith.ori %lt3A_540, %and3A_545 : vector<16xi1>
        %jit3A_547 = arith.constant -2147483648 : i32
        %broadcast_in_dim3A_548 = vector.broadcast %jit3A_547 : i32 to vector<16xi32>
        %select_n3A_549 = arith.select %or3A_546, %get3A_534, %broadcast_in_dim3A_548 : vector<16xi1>, vector<16xi32>
        %gt3A_550 = arith.cmpi sgt, %select_n3A_549, %select_n3A_528 : vector<16xi32>
        %select_n3A_551 = arith.select %gt3A_550, %select_n3A_549, %select_n3A_528 : vector<16xi1>, vector<16xi32>
        %select_n3A_552 = arith.select %gt3A_550, %add3A_538, %select_n3A_529 : vector<16xi1>, vector<16xi32>
        %scan3A_553 = arith.constant 6 : i32
        %reduce_max3A_554 = arith.constant true
        %reduce_max3A_555 = vector.broadcast %reduce_max3A_554 : i1 to vector<16xi1>
        %reduce_max3A_556 = arith.constant -2147483648 : i32
        %reduce_max3A_557 = vector.broadcast %reduce_max3A_556 : i32 to vector<16xi32>
        %reduce_max3A_558 = arith.xori %select_n3A_551, %reduce_max3A_557 : vector<16xi32>
        %reduce_max3A_559 = tpu.scan <max>, %reduce_max3A_558 masked %reduce_max3A_555 : vector<16xi32>, vector<16xi1> -> vector<16xi32>
        %reduce_max3A_560 = arith.xori %reduce_max3A_559, %reduce_max3A_557 : vector<16xi32>
        %reduce_max3A_561 = vector.extract %reduce_max3A_560[15] : i32 from vector<16xi32>
        %eq3A_562 = vector.broadcast %reduce_max3A_561 : i32 to vector<16xi32>
        %eq3A_563 = arith.cmpi eq, %select_n3A_551, %eq3A_562 : vector<16xi32>
        %jit3A_564 = arith.constant 1073741824 : i32
        %broadcast_in_dim3A_565 = vector.broadcast %jit3A_564 : i32 to vector<16xi32>
        %select_n3A_566 = arith.select %eq3A_563, %select_n3A_552, %broadcast_in_dim3A_565 : vector<16xi1>, vector<16xi32>
        %reduce_min3A = arith.constant true
        %reduce_min3A_567 = vector.broadcast %reduce_min3A : i1 to vector<16xi1>
        %reduce_min3A_568 = arith.constant -2147483648 : i32
        %reduce_min3A_569 = vector.broadcast %reduce_min3A_568 : i32 to vector<16xi32>
        %reduce_min3A_570 = arith.xori %select_n3A_566, %reduce_min3A_569 : vector<16xi32>
        %reduce_min3A_571 = tpu.scan <min>, %reduce_min3A_570 masked %reduce_min3A_567 : vector<16xi32>, vector<16xi1> -> vector<16xi32>
        %reduce_min3A_572 = arith.xori %reduce_min3A_571, %reduce_min3A_569 : vector<16xi32>
        %reduce_min3A_573 = vector.extract %reduce_min3A_572[15] : i32 from vector<16xi32>
        %broadcast_in_dim3A_574 = vector.broadcast %reduce_min3A_573 : i32 to vector<16xi32>
        %swap3A_575 = arith.index_cast %scan3A_410 : i32 to index
        %swap3A_576 = tpu.vector_load %arg22[%swap3A_575] masked %eq3A_2 {strides = array<i32>} : memref<80xi32, #tpu.memory_space<vmem>>, vector<16xi32>, vector<16xi1>
        tpu.vector_store %arg22[%swap3A_575], %broadcast_in_dim3A_574 masked %eq3A_2 {strides = array<i32>} : memref<80xi32, #tpu.memory_space<vmem>>, vector<16xi32>, vector<16xi1>
        %scan3A_577 = arith.constant 1 : i32
        %scan3A_578 = arith.addi %scan3A_410, %scan3A_577 : i32
        %broadcast_in_dim3A_579 = arith.constant -2147483648 : i32
        %broadcast_in_dim3A_580 = vector.broadcast %broadcast_in_dim3A_579 : i32 to vector<16xi32>
        %broadcast_in_dim3A_581 = arith.constant 1073741824 : i32
        %broadcast_in_dim3A_582 = vector.broadcast %broadcast_in_dim3A_581 : i32 to vector<16xi32>
        %scan3A_583 = arith.constant 0 : i32
        %mul3A_584 = arith.constant 16 : i32
        %mul3A_585 = arith.muli %scan3A_583, %mul3A_584 : i32
        %get3A_586 = arith.index_cast %mul3A_585 : i32 to index
        %get3A_587 = tpu.vector_load %arg17[%get3A_586] {strides = array<i32>} : memref<112xi32, #tpu.memory_space<vmem>>, vector<16xi32>,
        %mul3A_588 = arith.constant 16 : i32
        %mul3A_589 = arith.muli %scan3A_583, %mul3A_588 : i32
        %add3A_590 = vector.broadcast %mul3A_589 : i32 to vector<16xi32>
        %add3A_591 = arith.addi %add3A_590, %iota3A : vector<16xi32>
        %lt3A_592 = vector.broadcast %reduce_max3A_561 : i32 to vector<16xi32>
        %lt3A_593 = arith.cmpi slt, %get3A_587, %lt3A_592 : vector<16xi32>
        %eq3A_594 = vector.broadcast %reduce_max3A_561 : i32 to vector<16xi32>
        %eq3A_595 = arith.cmpi eq, %get3A_587, %eq3A_594 : vector<16xi32>
        %gt3A_596 = vector.broadcast %reduce_min3A_573 : i32 to vector<16xi32>
        %gt3A_597 = arith.cmpi sgt, %add3A_591, %gt3A_596 : vector<16xi32>
        %and3A_598 = arith.andi %eq3A_595, %gt3A_597 : vector<16xi1>
        %or3A_599 = arith.ori %lt3A_593, %and3A_598 : vector<16xi1>
        %jit3A_600 = arith.constant -2147483648 : i32
        %broadcast_in_dim3A_601 = vector.broadcast %jit3A_600 : i32 to vector<16xi32>
        %select_n3A_602 = arith.select %or3A_599, %get3A_587, %broadcast_in_dim3A_601 : vector<16xi1>, vector<16xi32>
        %gt3A_603 = arith.cmpi sgt, %select_n3A_602, %broadcast_in_dim3A_580 : vector<16xi32>
        %select_n3A_604 = arith.select %gt3A_603, %select_n3A_602, %broadcast_in_dim3A_580 : vector<16xi1>, vector<16xi32>
        %select_n3A_605 = arith.select %gt3A_603, %add3A_591, %broadcast_in_dim3A_582 : vector<16xi1>, vector<16xi32>
        %scan3A_606 = arith.constant 1 : i32
        %mul3A_607 = arith.constant 16 : i32
        %mul3A_608 = arith.muli %scan3A_606, %mul3A_607 : i32
        %get3A_609 = arith.index_cast %mul3A_608 : i32 to index
        %get3A_610 = tpu.vector_load %arg17[%get3A_609] {strides = array<i32>} : memref<112xi32, #tpu.memory_space<vmem>>, vector<16xi32>,
        %mul3A_611 = arith.constant 16 : i32
        %mul3A_612 = arith.muli %scan3A_606, %mul3A_611 : i32
        %add3A_613 = vector.broadcast %mul3A_612 : i32 to vector<16xi32>
        %add3A_614 = arith.addi %add3A_613, %iota3A : vector<16xi32>
        %lt3A_615 = vector.broadcast %reduce_max3A_561 : i32 to vector<16xi32>
        %lt3A_616 = arith.cmpi slt, %get3A_610, %lt3A_615 : vector<16xi32>
        %eq3A_617 = vector.broadcast %reduce_max3A_561 : i32 to vector<16xi32>
        %eq3A_618 = arith.cmpi eq, %get3A_610, %eq3A_617 : vector<16xi32>
        %gt3A_619 = vector.broadcast %reduce_min3A_573 : i32 to vector<16xi32>
        %gt3A_620 = arith.cmpi sgt, %add3A_614, %gt3A_619 : vector<16xi32>
        %and3A_621 = arith.andi %eq3A_618, %gt3A_620 : vector<16xi1>
        %or3A_622 = arith.ori %lt3A_616, %and3A_621 : vector<16xi1>
        %jit3A_623 = arith.constant -2147483648 : i32
        %broadcast_in_dim3A_624 = vector.broadcast %jit3A_623 : i32 to vector<16xi32>
        %select_n3A_625 = arith.select %or3A_622, %get3A_610, %broadcast_in_dim3A_624 : vector<16xi1>, vector<16xi32>
        %gt3A_626 = arith.cmpi sgt, %select_n3A_625, %select_n3A_604 : vector<16xi32>
        %select_n3A_627 = arith.select %gt3A_626, %select_n3A_625, %select_n3A_604 : vector<16xi1>, vector<16xi32>
        %select_n3A_628 = arith.select %gt3A_626, %add3A_614, %select_n3A_605 : vector<16xi1>, vector<16xi32>
        %scan3A_629 = arith.constant 2 : i32
        %mul3A_630 = arith.constant 16 : i32
        %mul3A_631 = arith.muli %scan3A_629, %mul3A_630 : i32
        %get3A_632 = arith.index_cast %mul3A_631 : i32 to index
        %get3A_633 = tpu.vector_load %arg17[%get3A_632] {strides = array<i32>} : memref<112xi32, #tpu.memory_space<vmem>>, vector<16xi32>,
        %mul3A_634 = arith.constant 16 : i32
        %mul3A_635 = arith.muli %scan3A_629, %mul3A_634 : i32
        %add3A_636 = vector.broadcast %mul3A_635 : i32 to vector<16xi32>
        %add3A_637 = arith.addi %add3A_636, %iota3A : vector<16xi32>
        %lt3A_638 = vector.broadcast %reduce_max3A_561 : i32 to vector<16xi32>
        %lt3A_639 = arith.cmpi slt, %get3A_633, %lt3A_638 : vector<16xi32>
        %eq3A_640 = vector.broadcast %reduce_max3A_561 : i32 to vector<16xi32>
        %eq3A_641 = arith.cmpi eq, %get3A_633, %eq3A_640 : vector<16xi32>
        %gt3A_642 = vector.broadcast %reduce_min3A_573 : i32 to vector<16xi32>
        %gt3A_643 = arith.cmpi sgt, %add3A_637, %gt3A_642 : vector<16xi32>
        %and3A_644 = arith.andi %eq3A_641, %gt3A_643 : vector<16xi1>
        %or3A_645 = arith.ori %lt3A_639, %and3A_644 : vector<16xi1>
        %jit3A_646 = arith.constant -2147483648 : i32
        %broadcast_in_dim3A_647 = vector.broadcast %jit3A_646 : i32 to vector<16xi32>
        %select_n3A_648 = arith.select %or3A_645, %get3A_633, %broadcast_in_dim3A_647 : vector<16xi1>, vector<16xi32>
        %gt3A_649 = arith.cmpi sgt, %select_n3A_648, %select_n3A_627 : vector<16xi32>
        %select_n3A_650 = arith.select %gt3A_649, %select_n3A_648, %select_n3A_627 : vector<16xi1>, vector<16xi32>
        %select_n3A_651 = arith.select %gt3A_649, %add3A_637, %select_n3A_628 : vector<16xi1>, vector<16xi32>
        %scan3A_652 = arith.constant 3 : i32
        %mul3A_653 = arith.constant 16 : i32
        %mul3A_654 = arith.muli %scan3A_652, %mul3A_653 : i32
        %get3A_655 = arith.index_cast %mul3A_654 : i32 to index
        %get3A_656 = tpu.vector_load %arg17[%get3A_655] {strides = array<i32>} : memref<112xi32, #tpu.memory_space<vmem>>, vector<16xi32>,
        %mul3A_657 = arith.constant 16 : i32
        %mul3A_658 = arith.muli %scan3A_652, %mul3A_657 : i32
        %add3A_659 = vector.broadcast %mul3A_658 : i32 to vector<16xi32>
        %add3A_660 = arith.addi %add3A_659, %iota3A : vector<16xi32>
        %lt3A_661 = vector.broadcast %reduce_max3A_561 : i32 to vector<16xi32>
        %lt3A_662 = arith.cmpi slt, %get3A_656, %lt3A_661 : vector<16xi32>
        %eq3A_663 = vector.broadcast %reduce_max3A_561 : i32 to vector<16xi32>
        %eq3A_664 = arith.cmpi eq, %get3A_656, %eq3A_663 : vector<16xi32>
        %gt3A_665 = vector.broadcast %reduce_min3A_573 : i32 to vector<16xi32>
        %gt3A_666 = arith.cmpi sgt, %add3A_660, %gt3A_665 : vector<16xi32>
        %and3A_667 = arith.andi %eq3A_664, %gt3A_666 : vector<16xi1>
        %or3A_668 = arith.ori %lt3A_662, %and3A_667 : vector<16xi1>
        %jit3A_669 = arith.constant -2147483648 : i32
        %broadcast_in_dim3A_670 = vector.broadcast %jit3A_669 : i32 to vector<16xi32>
        %select_n3A_671 = arith.select %or3A_668, %get3A_656, %broadcast_in_dim3A_670 : vector<16xi1>, vector<16xi32>
        %gt3A_672 = arith.cmpi sgt, %select_n3A_671, %select_n3A_650 : vector<16xi32>
        %select_n3A_673 = arith.select %gt3A_672, %select_n3A_671, %select_n3A_650 : vector<16xi1>, vector<16xi32>
        %select_n3A_674 = arith.select %gt3A_672, %add3A_660, %select_n3A_651 : vector<16xi1>, vector<16xi32>
        %scan3A_675 = arith.constant 4 : i32
        %mul3A_676 = arith.constant 16 : i32
        %mul3A_677 = arith.muli %scan3A_675, %mul3A_676 : i32
        %get3A_678 = arith.index_cast %mul3A_677 : i32 to index
        %get3A_679 = tpu.vector_load %arg17[%get3A_678] {strides = array<i32>} : memref<112xi32, #tpu.memory_space<vmem>>, vector<16xi32>,
        %mul3A_680 = arith.constant 16 : i32
        %mul3A_681 = arith.muli %scan3A_675, %mul3A_680 : i32
        %add3A_682 = vector.broadcast %mul3A_681 : i32 to vector<16xi32>
        %add3A_683 = arith.addi %add3A_682, %iota3A : vector<16xi32>
        %lt3A_684 = vector.broadcast %reduce_max3A_561 : i32 to vector<16xi32>
        %lt3A_685 = arith.cmpi slt, %get3A_679, %lt3A_684 : vector<16xi32>
        %eq3A_686 = vector.broadcast %reduce_max3A_561 : i32 to vector<16xi32>
        %eq3A_687 = arith.cmpi eq, %get3A_679, %eq3A_686 : vector<16xi32>
        %gt3A_688 = vector.broadcast %reduce_min3A_573 : i32 to vector<16xi32>
        %gt3A_689 = arith.cmpi sgt, %add3A_683, %gt3A_688 : vector<16xi32>
        %and3A_690 = arith.andi %eq3A_687, %gt3A_689 : vector<16xi1>
        %or3A_691 = arith.ori %lt3A_685, %and3A_690 : vector<16xi1>
        %jit3A_692 = arith.constant -2147483648 : i32
        %broadcast_in_dim3A_693 = vector.broadcast %jit3A_692 : i32 to vector<16xi32>
        %select_n3A_694 = arith.select %or3A_691, %get3A_679, %broadcast_in_dim3A_693 : vector<16xi1>, vector<16xi32>
        %gt3A_695 = arith.cmpi sgt, %select_n3A_694, %select_n3A_673 : vector<16xi32>
        %select_n3A_696 = arith.select %gt3A_695, %select_n3A_694, %select_n3A_673 : vector<16xi1>, vector<16xi32>
        %select_n3A_697 = arith.select %gt3A_695, %add3A_683, %select_n3A_674 : vector<16xi1>, vector<16xi32>
        %scan3A_698 = arith.constant 5 : i32
        %mul3A_699 = arith.constant 16 : i32
        %mul3A_700 = arith.muli %scan3A_698, %mul3A_699 : i32
        %get3A_701 = arith.index_cast %mul3A_700 : i32 to index
        %get3A_702 = tpu.vector_load %arg17[%get3A_701] {strides = array<i32>} : memref<112xi32, #tpu.memory_space<vmem>>, vector<16xi32>,
        %mul3A_703 = arith.constant 16 : i32
        %mul3A_704 = arith.muli %scan3A_698, %mul3A_703 : i32
        %add3A_705 = vector.broadcast %mul3A_704 : i32 to vector<16xi32>
        %add3A_706 = arith.addi %add3A_705, %iota3A : vector<16xi32>
        %lt3A_707 = vector.broadcast %reduce_max3A_561 : i32 to vector<16xi32>
        %lt3A_708 = arith.cmpi slt, %get3A_702, %lt3A_707 : vector<16xi32>
        %eq3A_709 = vector.broadcast %reduce_max3A_561 : i32 to vector<16xi32>
        %eq3A_710 = arith.cmpi eq, %get3A_702, %eq3A_709 : vector<16xi32>
        %gt3A_711 = vector.broadcast %reduce_min3A_573 : i32 to vector<16xi32>
        %gt3A_712 = arith.cmpi sgt, %add3A_706, %gt3A_711 : vector<16xi32>
        %and3A_713 = arith.andi %eq3A_710, %gt3A_712 : vector<16xi1>
        %or3A_714 = arith.ori %lt3A_708, %and3A_713 : vector<16xi1>
        %jit3A_715 = arith.constant -2147483648 : i32
        %broadcast_in_dim3A_716 = vector.broadcast %jit3A_715 : i32 to vector<16xi32>
        %select_n3A_717 = arith.select %or3A_714, %get3A_702, %broadcast_in_dim3A_716 : vector<16xi1>, vector<16xi32>
        %gt3A_718 = arith.cmpi sgt, %select_n3A_717, %select_n3A_696 : vector<16xi32>
        %select_n3A_719 = arith.select %gt3A_718, %select_n3A_717, %select_n3A_696 : vector<16xi1>, vector<16xi32>
        %select_n3A_720 = arith.select %gt3A_718, %add3A_706, %select_n3A_697 : vector<16xi1>, vector<16xi32>
        %scan3A_721 = arith.constant 6 : i32
        %reduce_max3A_722 = arith.constant true
        %reduce_max3A_723 = vector.broadcast %reduce_max3A_722 : i1 to vector<16xi1>
        %reduce_max3A_724 = arith.constant -2147483648 : i32
        %reduce_max3A_725 = vector.broadcast %reduce_max3A_724 : i32 to vector<16xi32>
        %reduce_max3A_726 = arith.xori %select_n3A_719, %reduce_max3A_725 : vector<16xi32>
        %reduce_max3A_727 = tpu.scan <max>, %reduce_max3A_726 masked %reduce_max3A_723 : vector<16xi32>, vector<16xi1> -> vector<16xi32>
        %reduce_max3A_728 = arith.xori %reduce_max3A_727, %reduce_max3A_725 : vector<16xi32>
        %reduce_max3A_729 = vector.extract %reduce_max3A_728[15] : i32 from vector<16xi32>
        %eq3A_730 = vector.broadcast %reduce_max3A_729 : i32 to vector<16xi32>
        %eq3A_731 = arith.cmpi eq, %select_n3A_719, %eq3A_730 : vector<16xi32>
        %jit3A_732 = arith.constant 1073741824 : i32
        %broadcast_in_dim3A_733 = vector.broadcast %jit3A_732 : i32 to vector<16xi32>
        %select_n3A_734 = arith.select %eq3A_731, %select_n3A_720, %broadcast_in_dim3A_733 : vector<16xi1>, vector<16xi32>
        %reduce_min3A_735 = arith.constant true
        %reduce_min3A_736 = vector.broadcast %reduce_min3A_735 : i1 to vector<16xi1>
        %reduce_min3A_737 = arith.constant -2147483648 : i32
        %reduce_min3A_738 = vector.broadcast %reduce_min3A_737 : i32 to vector<16xi32>
        %reduce_min3A_739 = arith.xori %select_n3A_734, %reduce_min3A_738 : vector<16xi32>
        %reduce_min3A_740 = tpu.scan <min>, %reduce_min3A_739 masked %reduce_min3A_736 : vector<16xi32>, vector<16xi1> -> vector<16xi32>
        %reduce_min3A_741 = arith.xori %reduce_min3A_740, %reduce_min3A_738 : vector<16xi32>
        %reduce_min3A_742 = vector.extract %reduce_min3A_741[15] : i32 from vector<16xi32>
        %broadcast_in_dim3A_743 = vector.broadcast %reduce_min3A_742 : i32 to vector<16xi32>
        %swap3A_744 = arith.index_cast %scan3A_578 : i32 to index
        %swap3A_745 = tpu.vector_load %arg22[%swap3A_744] masked %eq3A_2 {strides = array<i32>} : memref<80xi32, #tpu.memory_space<vmem>>, vector<16xi32>, vector<16xi1>
        tpu.vector_store %arg22[%swap3A_744], %broadcast_in_dim3A_743 masked %eq3A_2 {strides = array<i32>} : memref<80xi32, #tpu.memory_space<vmem>>, vector<16xi32>, vector<16xi1>
        scf.yield %reduce_max3A_729, %reduce_min3A_742 : i32, i32
      }
      %scan3A_331 = arith.constant 64 : i32
      %scan3A_332 = arith.constant 0 : i32
      %scan3A_333 = arith.constant 0 : i32
      %mul3A_334 = arith.constant 16 : i32
      %mul3A_335 = arith.muli %scan3A_333, %mul3A_334 : i32
      %get3A_336 = arith.index_cast %mul3A_335 : i32 to index
      %get3A_337 = tpu.vector_load %arg22[%get3A_336] {strides = array<i32>} : memref<80xi32, #tpu.memory_space<vmem>>, vector<16xi32>,
      %gather3A_338 = tpu.vector_load_idx %arg16[%get3A_337] : memref<112xf32, #tpu.memory_space<vmem>>[vector<16xi32>], vector<16xf32>,
      %mul3A_339 = arith.constant 16 : i32
      %mul3A_340 = arith.muli %scan3A_333, %mul3A_339 : i32
      %swap3A_341 = arith.index_cast %mul3A_340 : i32 to index
      %swap3A_342 = tpu.vector_load %arg23[%swap3A_341] {strides = array<i32>} : memref<64xf32, #tpu.memory_space<vmem>>, vector<16xf32>,
      tpu.vector_store %arg23[%swap3A_341], %gather3A_338 {strides = array<i32>} : memref<64xf32, #tpu.memory_space<vmem>>, vector<16xf32>,
      %gather3A_343 = tpu.vector_load_idx %arg14[%get3A_337] : memref<112xi32, #tpu.memory_space<vmem>>[vector<16xi32>], vector<16xi32>,
      %mul3A_344 = arith.constant 16 : i32
      %mul3A_345 = arith.muli %scan3A_333, %mul3A_344 : i32
      %swap3A_346 = arith.index_cast %mul3A_345 : i32 to index
      %swap3A_347 = tpu.vector_load %arg24[%swap3A_346] {strides = array<i32>} : memref<64xi32, #tpu.memory_space<vmem>>, vector<16xi32>,
      tpu.vector_store %arg24[%swap3A_346], %gather3A_343 {strides = array<i32>} : memref<64xi32, #tpu.memory_space<vmem>>, vector<16xi32>,
      %mul3A_348 = arith.constant 16 : i32
      %mul3A_349 = arith.muli %scan3A_333, %mul3A_348 : i32
      %swap3A_350 = arith.index_cast %mul3A_349 : i32 to index
      %swap3A_351 = tpu.vector_load %arg25[%swap3A_350] {strides = array<i32>} : memref<64xi32, #tpu.memory_space<vmem>>, vector<16xi32>,
      tpu.vector_store %arg25[%swap3A_350], %get3A_337 {strides = array<i32>} : memref<64xi32, #tpu.memory_space<vmem>>, vector<16xi32>,
      %scan3A_352 = arith.constant 1 : i32
      %mul3A_353 = arith.constant 16 : i32
      %mul3A_354 = arith.muli %scan3A_352, %mul3A_353 : i32
      %get3A_355 = arith.index_cast %mul3A_354 : i32 to index
      %get3A_356 = tpu.vector_load %arg22[%get3A_355] {strides = array<i32>} : memref<80xi32, #tpu.memory_space<vmem>>, vector<16xi32>,
      %gather3A_357 = tpu.vector_load_idx %arg16[%get3A_356] : memref<112xf32, #tpu.memory_space<vmem>>[vector<16xi32>], vector<16xf32>,
      %mul3A_358 = arith.constant 16 : i32
      %mul3A_359 = arith.muli %scan3A_352, %mul3A_358 : i32
      %swap3A_360 = arith.index_cast %mul3A_359 : i32 to index
      %swap3A_361 = tpu.vector_load %arg23[%swap3A_360] {strides = array<i32>} : memref<64xf32, #tpu.memory_space<vmem>>, vector<16xf32>,
      tpu.vector_store %arg23[%swap3A_360], %gather3A_357 {strides = array<i32>} : memref<64xf32, #tpu.memory_space<vmem>>, vector<16xf32>,
      %gather3A_362 = tpu.vector_load_idx %arg14[%get3A_356] : memref<112xi32, #tpu.memory_space<vmem>>[vector<16xi32>], vector<16xi32>,
      %mul3A_363 = arith.constant 16 : i32
      %mul3A_364 = arith.muli %scan3A_352, %mul3A_363 : i32
      %swap3A_365 = arith.index_cast %mul3A_364 : i32 to index
      %swap3A_366 = tpu.vector_load %arg24[%swap3A_365] {strides = array<i32>} : memref<64xi32, #tpu.memory_space<vmem>>, vector<16xi32>,
      tpu.vector_store %arg24[%swap3A_365], %gather3A_362 {strides = array<i32>} : memref<64xi32, #tpu.memory_space<vmem>>, vector<16xi32>,
      %mul3A_367 = arith.constant 16 : i32
      %mul3A_368 = arith.muli %scan3A_352, %mul3A_367 : i32
      %swap3A_369 = arith.index_cast %mul3A_368 : i32 to index
      %swap3A_370 = tpu.vector_load %arg25[%swap3A_369] {strides = array<i32>} : memref<64xi32, #tpu.memory_space<vmem>>, vector<16xi32>,
      tpu.vector_store %arg25[%swap3A_369], %get3A_356 {strides = array<i32>} : memref<64xi32, #tpu.memory_space<vmem>>, vector<16xi32>,
      %scan3A_371 = arith.constant 2 : i32
      %mul3A_372 = arith.constant 16 : i32
      %mul3A_373 = arith.muli %scan3A_371, %mul3A_372 : i32
      %get3A_374 = arith.index_cast %mul3A_373 : i32 to index
      %get3A_375 = tpu.vector_load %arg22[%get3A_374] {strides = array<i32>} : memref<80xi32, #tpu.memory_space<vmem>>, vector<16xi32>,
      %gather3A_376 = tpu.vector_load_idx %arg16[%get3A_375] : memref<112xf32, #tpu.memory_space<vmem>>[vector<16xi32>], vector<16xf32>,
      %mul3A_377 = arith.constant 16 : i32
      %mul3A_378 = arith.muli %scan3A_371, %mul3A_377 : i32
      %swap3A_379 = arith.index_cast %mul3A_378 : i32 to index
      %swap3A_380 = tpu.vector_load %arg23[%swap3A_379] {strides = array<i32>} : memref<64xf32, #tpu.memory_space<vmem>>, vector<16xf32>,
      tpu.vector_store %arg23[%swap3A_379], %gather3A_376 {strides = array<i32>} : memref<64xf32, #tpu.memory_space<vmem>>, vector<16xf32>,
      %gather3A_381 = tpu.vector_load_idx %arg14[%get3A_375] : memref<112xi32, #tpu.memory_space<vmem>>[vector<16xi32>], vector<16xi32>,
      %mul3A_382 = arith.constant 16 : i32
      %mul3A_383 = arith.muli %scan3A_371, %mul3A_382 : i32
      %swap3A_384 = arith.index_cast %mul3A_383 : i32 to index
      %swap3A_385 = tpu.vector_load %arg24[%swap3A_384] {strides = array<i32>} : memref<64xi32, #tpu.memory_space<vmem>>, vector<16xi32>,
      tpu.vector_store %arg24[%swap3A_384], %gather3A_381 {strides = array<i32>} : memref<64xi32, #tpu.memory_space<vmem>>, vector<16xi32>,
      %mul3A_386 = arith.constant 16 : i32
      %mul3A_387 = arith.muli %scan3A_371, %mul3A_386 : i32
      %swap3A_388 = arith.index_cast %mul3A_387 : i32 to index
      %swap3A_389 = tpu.vector_load %arg25[%swap3A_388] {strides = array<i32>} : memref<64xi32, #tpu.memory_space<vmem>>, vector<16xi32>,
      tpu.vector_store %arg25[%swap3A_388], %get3A_375 {strides = array<i32>} : memref<64xi32, #tpu.memory_space<vmem>>, vector<16xi32>,
      %scan3A_390 = arith.constant 3 : i32
      %mul3A_391 = arith.constant 16 : i32
      %mul3A_392 = arith.muli %scan3A_390, %mul3A_391 : i32
      %get3A_393 = arith.index_cast %mul3A_392 : i32 to index
      %get3A_394 = tpu.vector_load %arg22[%get3A_393] {strides = array<i32>} : memref<80xi32, #tpu.memory_space<vmem>>, vector<16xi32>,
      %gather3A_395 = tpu.vector_load_idx %arg16[%get3A_394] : memref<112xf32, #tpu.memory_space<vmem>>[vector<16xi32>], vector<16xf32>,
      %mul3A_396 = arith.constant 16 : i32
      %mul3A_397 = arith.muli %scan3A_390, %mul3A_396 : i32
      %swap3A_398 = arith.index_cast %mul3A_397 : i32 to index
      %swap3A_399 = tpu.vector_load %arg23[%swap3A_398] {strides = array<i32>} : memref<64xf32, #tpu.memory_space<vmem>>, vector<16xf32>,
      tpu.vector_store %arg23[%swap3A_398], %gather3A_395 {strides = array<i32>} : memref<64xf32, #tpu.memory_space<vmem>>, vector<16xf32>,
      %gather3A_400 = tpu.vector_load_idx %arg14[%get3A_394] : memref<112xi32, #tpu.memory_space<vmem>>[vector<16xi32>], vector<16xi32>,
      %mul3A_401 = arith.constant 16 : i32
      %mul3A_402 = arith.muli %scan3A_390, %mul3A_401 : i32
      %swap3A_403 = arith.index_cast %mul3A_402 : i32 to index
      %swap3A_404 = tpu.vector_load %arg24[%swap3A_403] {strides = array<i32>} : memref<64xi32, #tpu.memory_space<vmem>>, vector<16xi32>,
      tpu.vector_store %arg24[%swap3A_403], %gather3A_400 {strides = array<i32>} : memref<64xi32, #tpu.memory_space<vmem>>, vector<16xi32>,
      %mul3A_405 = arith.constant 16 : i32
      %mul3A_406 = arith.muli %scan3A_390, %mul3A_405 : i32
      %swap3A_407 = arith.index_cast %mul3A_406 : i32 to index
      %swap3A_408 = tpu.vector_load %arg25[%swap3A_407] {strides = array<i32>} : memref<64xi32, #tpu.memory_space<vmem>>, vector<16xi32>,
      tpu.vector_store %arg25[%swap3A_407], %get3A_394 {strides = array<i32>} : memref<64xi32, #tpu.memory_space<vmem>>, vector<16xi32>,
      %scan3A_409 = arith.constant 4 : i32
      "tpu.region"() ({
        %run_scoped3A = tpu.sem_alloc : memref<!tpu.dma_semaphore, #tpu.memory_space<semaphore_mem>>
        %dma_start3A_410 = arith.constant 0 : i32
        %dma_start3A_411 = tpu.memref_slice %arg5[%add3A_24, %dma_start3A_410] : memref<128x64xf32, #tpu.memory_space<hbm>> -> memref<1x64xf32, #tpu.memory_space<hbm>>
        %dma_start3A_412 = tpu.memref_squeeze %dma_start3A_411 : memref<1x64xf32, #tpu.memory_space<hbm>> -> memref<64xf32, #tpu.memory_space<hbm>>
        %dma_start3A_413 = arith.constant 0 : i32
        %dma_start3A_414 = tpu.memref_slice %arg5[%add3A_24, %dma_start3A_413] : memref<128x64xf32, #tpu.memory_space<hbm>> -> memref<1x64xf32, #tpu.memory_space<hbm>>
        %dma_start3A_415 = tpu.memref_squeeze %dma_start3A_414 : memref<1x64xf32, #tpu.memory_space<hbm>> -> memref<64xf32, #tpu.memory_space<hbm>>
        tpu.enqueue_dma source(%arg23 : memref<64xf32, #tpu.memory_space<vmem>>) target(%dma_start3A_415 : memref<64xf32, #tpu.memory_space<hbm>>) target_semaphore(%run_scoped3A : memref<!tpu.dma_semaphore, #tpu.memory_space<semaphore_mem>>)
        %dma_wait3A_416 = arith.constant 0 : i32
        %dma_wait3A_417 = tpu.memref_slice %arg5[%add3A_24, %dma_wait3A_416] : memref<128x64xf32, #tpu.memory_space<hbm>> -> memref<1x64xf32, #tpu.memory_space<hbm>>
        %dma_wait3A_418 = tpu.memref_squeeze %dma_wait3A_417 : memref<1x64xf32, #tpu.memory_space<hbm>> -> memref<64xf32, #tpu.memory_space<hbm>>
        %dma_wait3A_419 = arith.constant 0 : i32
        %dma_wait3A_420 = tpu.memref_slice %arg5[%add3A_24, %dma_wait3A_419] : memref<128x64xf32, #tpu.memory_space<hbm>> -> memref<1x64xf32, #tpu.memory_space<hbm>>
        %dma_wait3A_421 = tpu.memref_squeeze %dma_wait3A_420 : memref<1x64xf32, #tpu.memory_space<hbm>> -> memref<64xf32, #tpu.memory_space<hbm>>
        tpu.wait_dma2 semaphore(%run_scoped3A : memref<!tpu.dma_semaphore, #tpu.memory_space<semaphore_mem>>) src(%arg23 : memref<64xf32, #tpu.memory_space<vmem>>) dst(%dma_wait3A_421 : memref<64xf32, #tpu.memory_space<hbm>>)
        tpu.yield
      }) : () -> ()
      "tpu.region"() ({
        %run_scoped3A = tpu.sem_alloc : memref<!tpu.dma_semaphore, #tpu.memory_space<semaphore_mem>>
        %dma_start3A_410 = arith.constant 0 : i32
        %dma_start3A_411 = tpu.memref_slice %arg6[%add3A_24, %dma_start3A_410] : memref<128x64xi32, #tpu.memory_space<hbm>> -> memref<1x64xi32, #tpu.memory_space<hbm>>
        %dma_start3A_412 = tpu.memref_squeeze %dma_start3A_411 : memref<1x64xi32, #tpu.memory_space<hbm>> -> memref<64xi32, #tpu.memory_space<hbm>>
        %dma_start3A_413 = arith.constant 0 : i32
        %dma_start3A_414 = tpu.memref_slice %arg6[%add3A_24, %dma_start3A_413] : memref<128x64xi32, #tpu.memory_space<hbm>> -> memref<1x64xi32, #tpu.memory_space<hbm>>
        %dma_start3A_415 = tpu.memref_squeeze %dma_start3A_414 : memref<1x64xi32, #tpu.memory_space<hbm>> -> memref<64xi32, #tpu.memory_space<hbm>>
        tpu.enqueue_dma source(%arg24 : memref<64xi32, #tpu.memory_space<vmem>>) target(%dma_start3A_415 : memref<64xi32, #tpu.memory_space<hbm>>) target_semaphore(%run_scoped3A : memref<!tpu.dma_semaphore, #tpu.memory_space<semaphore_mem>>)
        %dma_wait3A_416 = arith.constant 0 : i32
        %dma_wait3A_417 = tpu.memref_slice %arg6[%add3A_24, %dma_wait3A_416] : memref<128x64xi32, #tpu.memory_space<hbm>> -> memref<1x64xi32, #tpu.memory_space<hbm>>
        %dma_wait3A_418 = tpu.memref_squeeze %dma_wait3A_417 : memref<1x64xi32, #tpu.memory_space<hbm>> -> memref<64xi32, #tpu.memory_space<hbm>>
        %dma_wait3A_419 = arith.constant 0 : i32
        %dma_wait3A_420 = tpu.memref_slice %arg6[%add3A_24, %dma_wait3A_419] : memref<128x64xi32, #tpu.memory_space<hbm>> -> memref<1x64xi32, #tpu.memory_space<hbm>>
        %dma_wait3A_421 = tpu.memref_squeeze %dma_wait3A_420 : memref<1x64xi32, #tpu.memory_space<hbm>> -> memref<64xi32, #tpu.memory_space<hbm>>
        tpu.wait_dma2 semaphore(%run_scoped3A : memref<!tpu.dma_semaphore, #tpu.memory_space<semaphore_mem>>) src(%arg24 : memref<64xi32, #tpu.memory_space<vmem>>) dst(%dma_wait3A_421 : memref<64xi32, #tpu.memory_space<hbm>>)
        tpu.yield
      }) : () -> ()
      "tpu.region"() ({
        %run_scoped3A = tpu.sem_alloc : memref<!tpu.dma_semaphore, #tpu.memory_space<semaphore_mem>>
        %dma_start3A_410 = arith.constant 0 : i32
        %dma_start3A_411 = tpu.memref_slice %arg7[%add3A_24, %dma_start3A_410] : memref<128x64xi32, #tpu.memory_space<hbm>> -> memref<1x64xi32, #tpu.memory_space<hbm>>
        %dma_start3A_412 = tpu.memref_squeeze %dma_start3A_411 : memref<1x64xi32, #tpu.memory_space<hbm>> -> memref<64xi32, #tpu.memory_space<hbm>>
        %dma_start3A_413 = arith.constant 0 : i32
        %dma_start3A_414 = tpu.memref_slice %arg7[%add3A_24, %dma_start3A_413] : memref<128x64xi32, #tpu.memory_space<hbm>> -> memref<1x64xi32, #tpu.memory_space<hbm>>
        %dma_start3A_415 = tpu.memref_squeeze %dma_start3A_414 : memref<1x64xi32, #tpu.memory_space<hbm>> -> memref<64xi32, #tpu.memory_space<hbm>>
        tpu.enqueue_dma source(%arg25 : memref<64xi32, #tpu.memory_space<vmem>>) target(%dma_start3A_415 : memref<64xi32, #tpu.memory_space<hbm>>) target_semaphore(%run_scoped3A : memref<!tpu.dma_semaphore, #tpu.memory_space<semaphore_mem>>)
        %dma_wait3A_416 = arith.constant 0 : i32
        %dma_wait3A_417 = tpu.memref_slice %arg7[%add3A_24, %dma_wait3A_416] : memref<128x64xi32, #tpu.memory_space<hbm>> -> memref<1x64xi32, #tpu.memory_space<hbm>>
        %dma_wait3A_418 = tpu.memref_squeeze %dma_wait3A_417 : memref<1x64xi32, #tpu.memory_space<hbm>> -> memref<64xi32, #tpu.memory_space<hbm>>
        %dma_wait3A_419 = arith.constant 0 : i32
        %dma_wait3A_420 = tpu.memref_slice %arg7[%add3A_24, %dma_wait3A_419] : memref<128x64xi32, #tpu.memory_space<hbm>> -> memref<1x64xi32, #tpu.memory_space<hbm>>
        %dma_wait3A_421 = tpu.memref_squeeze %dma_wait3A_420 : memref<1x64xi32, #tpu.memory_space<hbm>> -> memref<64xi32, #tpu.memory_space<hbm>>
        tpu.wait_dma2 semaphore(%run_scoped3A : memref<!tpu.dma_semaphore, #tpu.memory_space<semaphore_mem>>) src(%arg25 : memref<64xi32, #tpu.memory_space<vmem>>) dst(%dma_wait3A_421 : memref<64xi32, #tpu.memory_space<hbm>>)
        tpu.yield
      }) : () -> ()
      scf.yield %while3A_80#1 : i32
    }
    %scan3A_19 = arith.constant 4 : i32
    return
  }
}

</mosaic_0001>

<sc_bundles>
// kernel: kernel.3.cloned.1.call-start
scs
__scs_entry_jumppad:
0x0: {  	(pc) =	sbr.rel $0x88, $3  }
0x1: {  	(tag) =	ssettag $0x0;
	lr =	simm.s32 $0x1  }
0x2: {  	[smem:$0x3F9E] =	sst lr;
	_ =	strace $0xD0000000  }
0x3: {  	_ = 	snop  }
0x4: {  	_ = 	snop  }
0x5: {  	_ = 	snop  }
0x6: {  	_ = 	snop  }
0x7: {  	_ = 	snop  }
__scs_overlays_trampoline_lowered:
0x8: {  	[smem:$0x3FAD] =	sst s0  }
0x9: {  	[smem:$0x3FAE] =	sst s1  }
0xa: {  	[smem:$0x3FAF] =	sst s2  }
0xb: {  	[smem:$0x3FB0] =	sst s3  }
0xc: {  	[smem:$0x3FB1] =	sst s4  }
0xd: {  	[smem:$0x3FB2] =	sst s5  }
0xe: {  	[smem:$0x3FB3] =	sst s6  }
0xf: {  	[smem:$0x3FB4] =	sst s7  }
0x10: {  	[smem:$0x3FB5] =	sst s8  }
0x11: {  	[smem:$0x3FB6] =	sst s9;
	s0 =	simm.s32 @!p0 $0x0  }
0x12: {  	s1 =	sld [smem:$0x3F9C];
	s0 =	simm.s32 @p0 $0x1  }
0x13: {  	[smem:$0x3FB7] =	sst s0;
	s0 =	simm.s32 @!p1 $0x0  }
0x14: {  	s2 =	sld [smem:$0x3F9B];
	s0 =	simm.s32 @p1 $0x1  }
0x15: {  	[smem:$0x3FB8] =	sst s0;
	s0 =	simm.s32 @!p2 $0x0  }
0x16: {  	s3 =	sld [smem:$0x3FDB];
	s0 =	simm.s32 @p2 $0x1  }
0x17: {  	s4 =	simm.s32 $0x1BF5;
	[smem:$0x3FBA] =	sst s0  }
0x18: {  	s0 =	sld [smem:$0x3F9D];
	_ =	swait.ge [sflag:s4], $0x0  }
0x19: {  	s7 =	sld [smem:$0x3F9E]  }
0x1a: {  	s8 =	sadd.s32 $0xFFFFE003, lr  }
0x1b: {  	s9 =	sadd.s32 $0xFFFFFEF7, lr;
	s5 =	simm.s32 $0xFFFFFFFF;
	p2 =	slt.u32 s8, $0xFFFFF086  }
0x1c: {  	p1 =	slt.u32 s9, $0xF7A;
	s5 =	simm.s32 @!p2 $0x0  }
0x1d: {  	s5 =	simm.s32 @p1 $0x1;
	p0 =	seq.s32 s7, s2  }
0x1e: {  	s7 =	smul.u32 @!p0 $0xF7A, s2;
	p2 =	seq.s32 @!p0 s5, $0x0  }
0x1f: {  	s9 =	smul.u32 $0xF7A, s1;
	s8 =	simm.s32 @!p0 $0x1BF5;
	p2 =	por !p2, p0  }
0x20: {  	[sflag:s8] =	ssyncset.s32 @!p0 $0xFFFFF086;
	s6 =	sadd.s32 @!p0 s3, s7;
	s7 =	simm.s32 @!p0 $0x108  }
0x21: {  	s3 =	sadd.s32 s3, s9;
	s6 =	sadd.s32 @!p0 $0x88, s6;
	s7 =	simm.s32 @p2 $0x1082  }
0x22: {  	[simem:s7], [sflag:s8] =	dma.local @!p0 [hbm:s6], $0xF7A  }
0x23: {  	s9 =	sor.u32 $0xD0000000, s2;
	s6 =	simm.s32 $0x108;
	_ =	swait.ge @!p0 [sflag:s8], $0x0  }
0x24: {  	s3 =	sadd.s32 $0x88, s3;
	s6 =	simm.s32 @!p1 $0x1082;
	[sflag:s4] =	ssyncset.s32 $0xFFFFF086  }
0x25: {  	[simem:s6], [sflag:s4] =	dma.local [hbm:s3], $0xF7A  }
0x26: {  	[smem:$0x3F9E] =	sst s1;
	(tag) =	ssettag s2;
	_ =	strace s9  }
0x27: {  	s1 =	sld [smem:$0x3FAE]  }
0x28: {  	s2 =	sld [smem:$0x3FAF]  }
0x29: {  	s4 =	sld [smem:$0x3FB1]  }
0x2a: {  	p0 =	seq.s32 s5, $0x0;
	s5 =	sld [smem:$0x3FB2]  }
0x2b: {  	s6 =	sld [smem:$0x3FB3]  }
0x2c: {  	s7 =	sld [smem:$0x3FB4]  }
0x2d: {  	s3 =	simm.s32 $0x108;
	s8 =	sld [smem:$0x3FB5]  }
0x2e: {  	s3 =	simm.s32 @!p0 $0x1082;
	s9 =	sld [smem:$0x3FB6]  }
0x2f: {  	lr =	sadd.s32 s0, s3;
	s0 =	sld [smem:$0x3FAD]  }
0x30: {  	s3 =	sld [smem:$0x3FB0]  }
0x31: {  	[smem:$0x3FB9] =	sst s10  }
0x32: {  	s10 =	sld [smem:$0x3FB7];
	_ =	sdelay $0x3  }
0x33: {  	p0 =	seq.s32 s10, $0x1;
	s10 =	sld [smem:$0x3FB9];
	_ =	sdelay $0x3  }
0x34: {  	[smem:$0x3FB9] =	sst s10  }
0x35: {  	s10 =	sld [smem:$0x3FB8];
	_ =	sdelay $0x3  }
0x36: {  	p1 =	seq.s32 s10, $0x1;
	s10 =	sld [smem:$0x3FB9];
	_ =	sdelay $0x3  }
0x37: {  	[smem:$0x3FB9] =	sst s10  }
0x38: {  	s10 =	sld [smem:$0x3FBA]  }
0x39: {  	_ = 	snop;
	(pc) =	sbr.ind lr, $3  }
0x3a: {  	_ = 	snop  }
0x3b: {  	_ = 	snop  }
0x3c: {  	p2 =	seq.s32 s10, $0x1;
	s10 =	sld [smem:$0x3FB9]  }
0x3d: {  	_ =	shalt  }
0x3e: {  	_ =	shalt  }
0x3f: {  	_ =	shalt  }
0x40: {  	_ =	shalt  }
0x41: {  	_ =	shalt  }
0x42: {  	_ =	shalt  }
0x43: {  	_ =	shalt  }
0x44: {  	_ =	shalt  }
0x45: {  	_ =	shalt  }
0x46: {  	_ =	shalt  }
0x47: {  	_ =	shalt  }
0x48: {  	_ =	shalt  }
0x49: {  	_ =	shalt  }
0x4a: {  	_ =	shalt  }
0x4b: {  	_ =	shalt  }
0x4c: {  	_ =	shalt  }
0x4d: {  	_ =	shalt  }
0x4e: {  	_ =	shalt  }
0x4f: {  	_ =	shalt  }
0x50: {  	_ =	shalt  }
0x51: {  	_ =	shalt  }
0x52: {  	_ =	shalt  }
0x53: {  	_ =	shalt  }
0x54: {  	_ =	shalt  }
0x55: {  	_ =	shalt  }
0x56: {  	_ =	shalt  }
0x57: {  	_ =	shalt  }
0x58: {  	_ =	shalt  }
0x59: {  	_ =	shalt  }
0x5a: {  	_ =	shalt  }
0x5b: {  	_ =	shalt  }
0x5c: {  	_ =	shalt  }
0x5d: {  	_ =	shalt  }
0x5e: {  	_ =	shalt  }
0x5f: {  	_ =	shalt  }
0x60: {  	_ =	shalt  }
0x61: {  	_ =	shalt  }
0x62: {  	_ =	shalt  }
0x63: {  	_ =	shalt  }
0x64: {  	_ =	shalt  }
0x65: {  	_ =	shalt  }
0x66: {  	_ =	shalt  }
0x67: {  	_ =	shalt  }
0x68: {  	_ =	shalt  }
0x69: {  	_ =	shalt  }
0x6a: {  	_ =	shalt  }
0x6b: {  	_ =	shalt  }
0x6c: {  	_ =	shalt  }
0x6d: {  	_ =	shalt  }
0x6e: {  	_ =	shalt  }
0x6f: {  	_ =	shalt  }
0x70: {  	_ =	shalt  }
0x71: {  	_ =	shalt  }
0x72: {  	_ =	shalt  }
0x73: {  	_ =	shalt  }
0x74: {  	_ =	shalt  }
0x75: {  	_ =	shalt  }
0x76: {  	_ =	shalt  }
0x77: {  	_ =	shalt  }
0x78: {  	_ =	shalt  }
0x79: {  	_ =	shalt  }
0x7a: {  	_ =	shalt  }
0x7b: {  	_ =	shalt  }
0x7c: {  	_ =	shalt  }
0x7d: {  	_ =	shalt  }
0x7e: {  	_ =	shalt  }
0x7f: {  	_ =	shalt  }
0x80: {  	_ =	shalt  }
0x81: {  	_ =	shalt  }
0x82: {  	_ =	shalt  }
0x83: {  	_ =	shalt  }
0x84: {  	_ =	shalt  }
0x85: {  	_ =	shalt  }
0x86: {  	_ =	shalt  }
0x87: {  	_ =	shalt  }
.Lfunc_end0:
.L_simem_size_0:
called_computation_lowered:
.L_overlay_start_0:
0x88: {  	s2 =	sld [smem:$0x3FD9]  }
0x89: {  	s3 =	sld [smem:$0x3FFE];
	_ =	sdelay $0x1  }
0x8a: {  	s1 =	srdreg.scid  }
0x8b: {  	s0 =	sand.u32 $0x1, s1  }
0x8c: {  	s17 =	sshll.u32 s0, $0xA;
	s2 =	sadd.s32 s3, s2  }
0x8d: {  	s2 =	sadd.s32 s2, s17  }
0x8e: {  	[smem:$0x3FC5] =	sst s2  }
0x8f: {  	_ = 	snop  }
0x90: {  	s2 =	sld [smem:$0x3FC9]  }
0x91: {  	s18 =	sld [smem:$0x3FC7];
	(tm) =	ssettm $0x1  }
0x92: {  	s4 =	sld [smem:$0x3FFB];
	_ =	sdelay $0x3  }
0x93: {  	_ =	strace s4  }
0x94: {  	s4 =	sld [smem:$0x3FFC];
	_ =	sdelay $0x3  }
0x95: {  	_ =	strace s4  }
0x96: {  	s4 =	sld [smem:$0x3FFD];
	_ =	sdelay $0x3  }
0x97: {  	_ =	strace s4  }
0x98: {  	_ =	strace $0x8FFFFFFF  }
0x99: {  	s19 =	sld [smem:$0x3FDB];
	_ =	sdelay $0x1  }
0x9a: {  	s5 =	simm.s32 $_scs_section_size  }
0x9b: {  	s6 =	simm.s32 $_size__tile_overlayer_lowered;
	s7 =	simm.s32 $_tile_overlayer_lowered  }
0x9c: {  	s22 =	simm.s32 $0x1BFF;
	s21 =	sshll.u32 s7, $0x1;
	s4 =	sadd.s32 s5, s19  }
0x9d: {  	s8 =	simm.s32 $0x0;
	s20 =	sshll.u32 s6, $0x1;
	s6 =	sadd.s32 s21, s4  }
0x9e: {  	[timem:s8], [sflag:s22] =	dma.local [hbm:s6], s20  }
0x9f: {  	_ =	swait.ge [sflag:s22], s20  }
0xa0: {  	s5 =	ssub.s32 $0x0, s20;
	[sflag:s22] =	ssyncset.done $0x0  }
0xa1: {  	[sflag:s22] =	ssyncadd.s32 s5;
	_ =	sdelay $0x1  }
0xa2: {  	s23 =	simm.s32 $0x1B8B  }
0xa3: {  	_ =	swait.ge [sflag:s23], $0x1  }
0xa4: {  	[sflag:s23] =	ssyncset.done $0x0  }
0xa5: {  	s25 =	simm.s32 $0x1B8E;
	s24 =	sld [smem:$0x3FFE];
	[sflag:s23] =	ssyncadd.s32 $0xFFFFFFFF  }
0xa6: {  	s26 =	simm.s32 $execute0_lowered;
	[smem:$0x3FD2] =	sst s25  }
0xa7: {  	s6 =	sshll.u32 s26, $0x1;
	_ =	strace $0x80000046;
	[dreg:$0x1] =	wrdreg $0xFFFFFFFF  }
0xa8: {  	s28 =	simm.s32 $_size_execute0_lowered;
	s4 =	sadd.s32 s4, s6;
	[dreg:$0x0] =	wrdreg $0x0  }
0xa9: {  	s6 =	sshll.u32 s28, $0x1;
	[dreg:$0x2] =	wrdreg s4  }
0xaa: {  	[dreg:$0x3] =	wrdreg s6  }
0xab: {  	[dreg:$0x4] =	wrdreg $0xC0  }
0xac: {  	_ =	task [dreg:s8], $0x5FFFF  }
0xad: {  	[dreg:$0x1] =	wrdreg $0xFFFFFFFF  }
0xae: {  	[dreg:$0x0] =	wrdreg $0x60  }
0xaf: {  	[dreg:$0x2] =	wrdreg s2  }
0xb0: {  	[dreg:$0x3] =	wrdreg s24  }
0xb1: {  	[dreg:$0x4] =	wrdreg s18  }
0xb2: {  	[dreg:$0x5] =	wrdreg $0x9  }
0xb3: {  	_ =	task.clear_ibuf [dreg:s8], $0x6FFFF;
	_ =	strace $0x90000046  }
0xb4: {  	s29 =	simm.s32 $0x9;
	_ =	strace $0x80000048  }
0xb5: {  	_ =	swait.ge [sflag:s29], $0x1  }
0xb6: {  	[sflag:s29] =	ssyncadd.s32 $0xFFFFFFFF  }
0xb7: {  	_ =	strace $0x90000048  }
0xb8: {  	_ =	sfence  }
0xb9: {  	s30 =	sld [smem:$0x0];
	_ =	sdelay $0x2  }
0xba: {  	s31 =	sshll.u32 s1, $0xD;
	s1 =	sshrl.u32 s1, $0x2  }
0xbb: {  	s3 =	sand.u32 $0x4000, s31;
	s1 =	sadd.s32 s1, s30  }
0xbc: {  	s0 =	sor.u32 s3, s0;
	s1 =	sshll.u32 s1, $0x11  }
0xbd: {  	s0 =	sor.u32 s1, s0  }
0xbe: {  	s0 =	sadd.s32 $0x8F2B, s0  }
0xbf: {  	[sflag:s0] =	ssyncadd.remote.s32 $0x1  }
0xc0: {  	_ =	sfence.sel $0xFFFF  }
0xc1: {  	[dreg:$0x0] =	wrdreg $0xFFFFFFFF;
	(pc) =	sbr.abs _section_cstart, $3  }
0xc2: {  	[dreg:$0x1] =	wrdreg $0xFFFFFFFF  }
0xc3: {  	_ =	task.clear_ibuf [dreg:s8], $0x2FFFF;
	_ =	strace $0x9FFFFFFF  }
0xc4: {  	(tm) =	ssettm $0x7FFFFFFF  }
0xc5: {  	_ =	shalt  }
tec
execute0_lowered:
.L_overlay_start_1:
0x0: {  	(tag) =	ssettag $0x1  }
0x1: {  	s10 =	rddreg [dreg:$0x0]  }
0x2: {  	s0 =	rddreg [dreg:$0x1];
	s3 =	simm.s32 $0x0;
	s1 =	srdreg.scid  }
0x3: {  	s11 =	stileid.u32;
	s14 =	simm.s32 $0x2;
	s17 =	simm.s32 $0x1  }
0x4: {  	s19 =	simm.s32 $0x10000;
	s20 =	simm.s32 $0x19080;
	s21 =	simm.s32 $0x1A100  }
0x5: {  	s22 =	simm.s32 $0x1B300;
	s23 =	simm.s32 $0x1B200;
	[smem:$0x7FF] =	sst s3  }
0x6: {  	s1 =	sand.u32 $0x1, s1;
	s4 =	sadd.s32 $0x800, s0;
	s6 =	sadd.s32 $0x1000, s0  }
0x7: {  	s7 =	sadd.s32 $0x1800, s0;
	s8 =	sadd.s32 $0x2000, s0;
	s29 =	sshll.u32 s11, $0x3  }
0x8: {  	s2 =	ssub.s32 $0x2, s1;
	s30 =	sshll.u32 s1, $0x2;
	s1 =	sshll.u32 s1, $0x6  }
0x9: {  	s31 =	sshll.u32 s11, $0xF;
	s5 =	sshrl.u32 s2, $0x1;
	s1 =	sadd.s32 s10, s1  }
0xa: {  	s11 =	sshll.u32 s11, $0x7;
	s28 =	ssub.s32 s2, s5;
	s1 =	sadd.s32 s31, s1  }
0xb: {  	v0 =	vlaneseq.u32;
	v1 =	vimm.s32 $0x0;
	v3 =	vimm.s32 $0x1;
	_ =	strace $0x80000047;
	[dreg:$0x4] =	wrdreg s1;
	s0 =	smax.u32 s28, $0x1  }
0xc: {  	v5 =	vimm.s32 $0x80000000;
	v2 =	vor.u32 $0x2000, v0;
	v4 =	vor.u32 $0x6000, v0;
	s9 =	sor.u32 s30, s29;
	s1 =	simm.s32 $0x0;
	[dreg:$0x5] =	wrdreg s0  }
.LBB2_1:
0xd: {  	[dreg:$0x6] =	wrdreg s1  }
0xe: {  	s0 =	rddreg [dreg:$0x2];
	s26 =	simm.s32 $0x1B480  }
0xf: {  	[tilespmem:s26], [sflag:$0x2] =	stream.linear.gather [hbm4b:s0+s3], $0x80, $0x38;
	[tilespmem:$0x1B780] =	vst v63  }
0x10: {  	s31 =	simm.s32 $0x80;
	_ =	swait.ge [sflag:s14], $0x80  }
0x11: {  	s2 =	simm.s32 $0x400;
	s29 =	simm.s32 $0x0;
	[sflag:s14] =	ssyncset.done $0x0  }
0x12: {  	s30 =	simm.s32 $0x0;
	s28 =	rddreg [dreg:$0x4];
	[sflag:s14] =	ssyncadd.s32 $0xFFFFFF80  }
0x13: {  	[tilespmem:s3], [sflag:$0x1] =	stream.strided.gather [hbm4b:s28+s31], $0x8000, s2, s31, $0x38;
	[tilespmem:$0x1B780] =	vst v63  }
.LBB2_2:
0x14: {  	s0 =	sadd.s32 s9, s30;
	_ =	swait.ge [sflag:s17], $0x8000;
	p0 =	seq.s32 s30, $0x3  }
0x15: {  	s30 =	sadd.s32 $0x1, s30;
	s1 =	sshll.u32 s0, $0x4;
	[sflag:s17] =	ssyncset.done $0x0  }
0x16: {  	s2 =	sadd.s32 @!p0 $0x1, s0;
	s10 =	sshll.u32 @!p0 s30, $0xF;
	s1 =	sand.u32 $0x70, s1  }
0x17: {  	[sflag:s17] =	ssyncadd.s32 $0xFFFF8000;
	s5 =	sshll.u32 @!p0 s2, $0x4;
	s2 =	sshll.u32 @!p0 s2, $0xC  }
0x18: {  	s10 =	sand.u32 @!p0 $0x8000, s10;
	s5 =	sand.u32 @!p0 $0x70, s5;
	s12 =	rddreg [dreg:$0x0]  }
0x19: {  	s2 =	sand.u32 @!p0 $0xFFF8000, s2;
	s31 =	sor.u32 s11, s1;
	s5 =	sadd.s32 @!p0 s12, s5  }
0x1a: {  	s12 =	simm.s32 @!p0 $0x400;
	s2 =	sadd.s32 @!p0 s2, s5;
	s5 =	simm.s32 @!p0 $0x80  }
0x1b: {  	[tilespmem:s10], [sflag:$0x1] =	stream.strided.gather @!p0 [hbm4b:s2+s5], $0x8000, s12, s5, $0x38;
	[tilespmem:$0x1B780] =	vst v63  }
0x1c: {  	s28 =	simm.s32 $0x1B400;
	s1 =	sadd.s32 s4, s31  }
0x1d: {  	[tilespmem:s28], [sflag:$0x2] =	stream.linear.gather [hbm4b:s1+s3], $0x80, $0x38;
	[tilespmem:$0x1B780] =	vst v63  }
0x1e: {  	_ =	swait.ge [sflag:s14], $0x80  }
0x1f: {  	[sflag:s14] =	ssyncset.done $0x0  }
0x20: {  	s5 =	simm.s32 $0x10040;
	[sflag:s14] =	ssyncadd.s32 $0xFFFFFF80  }
0x21: {  	[tilespmem:s5+$0xFFFFFFC0] =	vst v1  }
0x22: {  	[tilespmem:s5+$0x30] =	vst v1  }
0x23: {  	[tilespmem:s5+$0x20] =	vst v1  }
0x24: {  	[tilespmem:s5+$0x10] =	vst v1  }
0x25: {  	[tilespmem:s5+$0x0] =	vst v1  }
0x26: {  	[tilespmem:s5+$0xFFFFFFF0] =	vst v1  }
0x27: {  	s10 =	simm.s32 $0x0;
	[tilespmem:s5+$0xFFFFFFE0] =	vst v1  }
.LBB2_3:
0x28: {  	s10 =	sadd.s32 $0x8, s10;
	[tilespmem:s5+$0xFFFFFFD0] =	vst v1;
	s5 =	sadd.s32 $0x80, s5;
	s1 =	simm.s32 $0xFFFFFFFE  }
0x29: {  	[tilespmem:s5+$0xFFFFFFC0] =	vst v1;
	p0 =	slt.u32 s10, $0x7F8  }
0x2a: {  	[tilespmem:s5+$0x30] =	vst v1  }
.Ltmp0:
0x2b: {  	[tilespmem:s5+$0x20] =	vst v1;
	(pc) =	sbr.rel @p0 .LBB2_3-.Ltmp0, $4  }
0x2c: {  	[tilespmem:s5+$0x10] =	vst v1  }
0x2d: {  	[tilespmem:s5+$0x0] =	vst v1  }
0x2e: {  	[tilespmem:s5+$0xFFFFFFF0] =	vst v1  }
0x2f: {  	s2 =	simm.s32 $0x0;
	[tilespmem:s5+$0xFFFFFFE0] =	vst v1  }
0x30: {  	[tilespmem:s5+$0xFFFFFFD0] =	vst v1;
	v6 =	vimm.s32 $0x80000000;
	v7 =	vimm.s32 $0x80000000  }
.LBB2_5:
0x31: {  	s5 =	sadd.s32 s2, s29  }
0x32: {  	s12 =	sand.u32 $0x60, s2;
	s10 =	sand.u32 $0xBF80, s5  }
0x33: {  	s10 =	sor.u32 s12, s10  }
0x34: {  	v8 =	vld [tilespmem:s10+$0x0];
	_ =	sdelay $0x4  }
0x35: {  	v9 =	vxor.u32 $0x7FFFFFFF, v8;
	vm0 =	vlt.s32 v8, $0x0  }
0x36: {  	v8 =	vsel vm0, v9, v8  }
0x37: {  	v9 =	vshra.s32 v8, $0x12  }
0x38: {  	v9 =	vand.u32 $0xFFFFFFF0, v9  }
0x39: {  	v9 =	vadd.s32 v2, v9;
	_ =	sdelay $0x4  }
0x3a: {  	[tilespmem:v9+s19+$0x0] =	vst.idx.add.s32.msk $0xffff, v3  }
0x3b: {  	v9 =	vld [tilespmem:s10+$0x4000];
	_ =	sdelay $0x4  }
0x3c: {  	v10 =	vxor.u32 $0x7FFFFFFF, v9;
	vm12 =	vlt.s32 v9, $0x0  }
0x3d: {  	v9 =	vsel vm12, v10, v9  }
0x3e: {  	v10 =	vshra.s32 v9, $0x12  }
0x3f: {  	v10 =	vand.u32 $0xFFFFFFF0, v10  }
0x40: {  	v10 =	vadd.s32 v4, v10;
	_ =	sdelay $0x4  }
0x41: {  	[tilespmem:v10+s19+$0x0] =	vst.idx.add.s32.msk $0xffff, v3  }
0x42: {  	v10 =	vld [tilespmem:s10+$0x10];
	_ =	sdelay $0x4  }
0x43: {  	v11 =	vxor.u32 $0x7FFFFFFF, v10;
	vm13 =	vlt.s32 v10, $0x0  }
0x44: {  	v10 =	vsel vm13, v11, v10  }
0x45: {  	v11 =	vshra.s32 v10, $0x12  }
0x46: {  	v11 =	vand.u32 $0xFFFFFFF0, v11  }
0x47: {  	v11 =	vadd.s32 v2, v11;
	_ =	sdelay $0x2  }
0x48: {  	s28 =	sadd.s32 $0x4010, s2;
	s5 =	sadd.s32 $0x4010, s5  }
0x49: {  	s5 =	sand.u32 $0xFF80, s5;
	s10 =	sand.u32 $0x70, s28  }
0x4a: {  	s5 =	sor.u32 s10, s5;
	[tilespmem:v11+s19+$0x0] =	vst.idx.add.s32.msk $0xffff, v3  }
0x4b: {  	v11 =	vld [tilespmem:s5+$0x0];
	_ =	sdelay $0x4  }
0x4c: {  	v12 =	vxor.u32 $0x7FFFFFFF, v11;
	vm14 =	vlt.s32 v11, $0x0  }
0x4d: {  	v11 =	vsel vm14, v12, v11  }
0x4e: {  	v12 =	vshra.s32 v11, $0x12  }
0x4f: {  	s1 =	sadd.s32 $0x2, s1;
	v12 =	vand.u32 $0xFFFFFFF0, v12  }
0x50: {  	p0 =	slt.u32 s1, $0x3FE;
	v12 =	vadd.s32 v4, v12  }
.Ltmp1:
0x51: {  	_ = 	snop;
	(pc) =	sbr.rel @p0 .LBB2_5-.Ltmp1, $4  }
0x52: {  	vm15 =	vgt.s32 v7, v8;
	vm1 =	vgt.s32 v6, v9  }
0x53: {  	v7 =	vsel vm15, v7, v8;
	v6 =	vsel vm1, v6, v9  }
0x54: {  	vm0 =	vgt.s32 v7, v10;
	vm1 =	vgt.s32 v6, v11  }
0x55: {  	s2 =	sadd.s32 $0x20, s2;
	v7 =	vsel vm0, v7, v10;
	v6 =	vsel vm1, v6, v11;
	[tilespmem:v12+s19+$0x0] =	vst.idx.add.s32.msk $0xffff, v3  }
0x56: {  	vm0 =	vgt.s32 v7, v6  }
0x57: {  	v6 =	vsel vm0, v7, v6  }
0x58: {  	v6 =	vxor.u32 $0x80000000, v6  }
0x59: {  	(xrf0) =	vmax.scan.msk.u32 $0xffff, v6;
	_ =	sdelay $0x5  }
0x5a: {  	v6, _, _ =	vpop (xrf0)  }
0x5b: {  	(v2sf) =	vpush v6, $0xF;
	_ =	sdelay $0xe  }
0x5c: {  	s1 =	spop (v2sf)  }
0x5d: {  	s1 =	sshra.s32 s1, $0x16  }
0x5e: {  	s1 =	sxor.u32 $0xFFFFFE00, s1  }
0x5f: {  	p0 =	slt.s32 s1, $0xFFFFFE00  }
.Ltmp2:
0x60: {  	_ = 	snop;
	(pc) =	sbr.rel @p0 .LBB2_10-.Ltmp2, $2  }
0x61: {  	_ =	sdelay $0x2  }
0x62: {  	s2 =	sadd.s32 $0x201, s1  }
0x63: {  	s5 =	sshll.u32 s1, $0x6  }
0x64: {  	s28 =	sshll.u32 s1, $0x4;
	s5 =	sshra.s32 s5, $0x2  }
0x65: {  	s10 =	simm.s32 $0x0;
	s1 =	sadd.s32 $0x2000, s28;
	s5 =	sadd.s32 $0x12000, s5  }
.LBB2_8:
0x66: {  	v6 =	vld [tilespmem:s5+$0x0];
	s12 =	sand.u32 $0xFFFFFFF0, s1  }
0x67: {  	v7 =	vld [tilespmem:s12+$0x14000];
	_ =	sdelay $0x4  }
0x68: {  	v6 =	vadd.s32 v6, v7  }
0x69: {  	(xrf0) =	vadd.scan.msk.s32 $0xffff, v6;
	_ =	sdelay $0x5  }
0x6a: {  	v6, _, _ =	vpop (xrf0)  }
0x6b: {  	(v2sf) =	vpush v6, $0xF;
	_ =	sdelay $0xe  }
0x6c: {  	s28 =	spop (v2sf)  }
0x6d: {  	p0 =	slt.u32 s2, $0x2;
	s10 =	sadd.s32 s10, s28  }
0x6e: {  	p1 =	slt.s32 @!p0 s10, $0x60  }
0x6f: {  	p1 =	por p0, !p1  }
.Ltmp3:
0x70: {  	_ = 	snop;
	(pc) =	sbr.rel @!p1 .LBB2_8-.Ltmp3, $2  }
0x71: {  	_ =	sdelay $0x2  }
0x72: {  	s2 =	sadd.s32 $0xFFFFFFFF, s2;
	s1 =	sadd.s32 $0xFFFFFFF0, s1;
	s5 =	sadd.s32 $0xFFFFFFF0, s5  }
0x73: {  	s2 =	smov.u32 @p0 s2  }
.LBB2_10:
0x74: {  	s1 =	simm.s32 $0x0;
	s5 =	sadd.s32 $0x0, s29  }
0x75: {  	s10 =	sand.u32 $0x70, s1;
	s12 =	sand.u32 $0x9F80, s5  }
0x76: {  	s12 =	sor.u32 s10, s12  }
0x77: {  	v7 =	vld [tilespmem:s12+$0x0];
	_ =	sdelay $0x3  }
0x78: {  	s2 =	sshll.u32 s2, $0x16  }
0x79: {  	s2 =	sxor.u32 $0x80000000, s2;
	v8 =	vxor.u32 $0x7FFFFFFF, v7;
	vm0 =	vlt.s32 v7, $0x0  }
0x7a: {  	v6 =	vmov s2;
	v8 =	vsel vm0, v8, v7  }
0x7b: {  	vm0 =	vge.s32 v8, v6  }
0x7c: {  	s13 =	sadd.s32 $0x2000, s5;
	[tilespmem:s1+$0x18000] =	vst.msk vm0, v8  }
0x7d: {  	s2 =	sand.u32 $0xBF80, s13;
	[tilespmem:s1+$0x19080] =	vst.msk vm0, v7;
	v7 =	vor.u32 s1, v0  }
0x7e: {  	s2 =	sor.u32 s10, s2;
	[tilespmem:s1+$0x1A100] =	vst.msk vm0, v7  }
0x7f: {  	v7 =	vld [tilespmem:s2+$0x0];
	_ =	sdelay $0x4  }
0x80: {  	v8 =	vxor.u32 $0x7FFFFFFF, v7;
	vm1 =	vlt.s32 v7, $0x0  }
0x81: {  	v8 =	vsel vm1, v8, v7  }
0x82: {  	vm1 =	vge.s32 v8, v6  }
0x83: {  	s16 =	simm.s32 $0x2000;
	s15 =	sadd.s32 $0x4000, s5;
	[tilespmem:s1+$0x18410] =	vst.msk vm1, v8  }
0x84: {  	s2 =	sand.u32 $0xDF80, s15;
	[tilespmem:s1+$0x19490] =	vst.msk vm1, v7;
	v7 =	vor.u32 s16, v0  }
0x85: {  	s2 =	sor.u32 s10, s2;
	[tilespmem:s1+$0x1A510] =	vst.msk vm1, v7  }
0x86: {  	v7 =	vld [tilespmem:s2+$0x0];
	_ =	sdelay $0x4  }
0x87: {  	v8 =	vxor.u32 $0x7FFFFFFF, v7;
	vm2 =	vlt.s32 v7, $0x0  }
0x88: {  	v8 =	vsel vm2, v8, v7  }
0x89: {  	vm2 =	vge.s32 v8, v6  }
0x8a: {  	s24 =	simm.s32 $0x4000;
	s18 =	sadd.s32 $0x6000, s5;
	[tilespmem:s1+$0x18820] =	vst.msk vm2, v8  }
0x8b: {  	s2 =	sand.u32 $0xFF80, s18;
	v8 =	vmpcnt.ones.xlane vm0;
	[tilespmem:s1+$0x198A0] =	vst.msk vm2, v7;
	v7 =	vor.u32 s24, v0  }
0x8c: {  	s2 =	sor.u32 s10, s2;
	[tilespmem:s1+$0x1A920] =	vst.msk vm2, v7  }
0x8d: {  	(v2sf) =	vpush v8, $0x0;
	v7 =	vld [tilespmem:s2+$0x0];
	_ =	sdelay $0x4  }
0x8e: {  	v8 =	vmpcnt.ones.xlane vm1;
	v9 =	vxor.u32 $0x7FFFFFFF, v7;
	vm0 =	vlt.s32 v7, $0x0  }
0x8f: {  	v9 =	vsel vm0, v9, v7  }
0x90: {  	(v2sf) =	vpush v8, $0x0;
	v8 =	vmpcnt.ones.xlane vm2;
	vm0 =	vge.s32 v9, v6  }
0x91: {  	s25 =	simm.s32 $0x6000;
	s5 =	simm.s32 $0x10;
	s2 =	sadd.s32 $0x10, s29;
	[tilespmem:s1+$0x18C30] =	vst.msk vm0, v9;
	v9 =	vmpcnt.ones.xlane vm0  }
0x92: {  	s16 =	sand.u32 $0x70, s5;
	s26 =	sand.u32 $0x9F80, s2;
	(v2sf) =	vpush v8, $0x0;
	[tilespmem:s1+$0x19CB0] =	vst.msk vm0, v7;
	v7 =	vor.u32 s25, v0  }
0x93: {  	s13 =	sor.u32 s16, s26;
	[tilespmem:s1+$0x1AD30] =	vst.msk vm0, v7;
	(v2sf) =	vpush v9, $0x0  }
0x94: {  	v7 =	vld [tilespmem:s13+$0x0];
	_ =	sdelay $0x3  }
0x95: {  	s15 =	spop (v2sf)  }
0x96: {  	s13 =	sadd.s32 $0x0, s15;
	v8 =	vxor.u32 $0x7FFFFFFF, v7;
	vm0 =	vlt.s32 v7, $0x0  }
0x97: {  	p0 =	slt.s32 s13, $0x400;
	v8 =	vsel vm0, v8, v7  }
0x98: {  	s13 =	simm.s32 @!p0 $0x400;
	vm0 =	vge.s32 v8, v6  }
0x99: {  	s18 =	sadd.s32 $0x2000, s2;
	[tilespmem:s13+$0x18000] =	vst.msk vm0, v8  }
0x9a: {  	s1 =	sand.u32 $0xBF80, s18;
	v8 =	vmpcnt.ones.xlane vm0;
	[tilespmem:s13+$0x19080] =	vst.msk vm0, v7;
	v7 =	vor.u32 s5, v0  }
0x9b: {  	s25 =	sadd.s32 $0x4000, s2;
	s2 =	sadd.s32 $0x6000, s2;
	s1 =	sor.u32 s16, s1;
	[tilespmem:s13+$0x1A100] =	vst.msk vm0, v7  }
0x9c: {  	s28 =	sand.u32 $0xFF80, s2;
	(v2sf) =	vpush v8, $0x0;
	v7 =	vld [tilespmem:s1+$0x0]  }
0x9d: {  	s28 =	sor.u32 s16, s28;
	s24 =	spop (v2sf)  }
0x9e: {  	s15 =	simm.s32 $0x20;
	s10 =	sadd.s32 $0x0, s24;
	s26 =	spop (v2sf)  }
0x9f: {  	p0 =	slt.s32 s10, $0x400;
	s12 =	sadd.s32 $0x0, s26;
	s18 =	spop (v2sf)  }
0xa0: {  	s10 =	simm.s32 @!p0 $0x400;
	p0 =	slt.s32 s12, $0x400;
	s2 =	sadd.s32 $0x0, s18  }
0xa1: {  	s12 =	simm.s32 @!p0 $0x400;
	s1 =	sand.u32 $0xDF80, s25;
	v8 =	vxor.u32 $0x7FFFFFFF, v7;
	vm0 =	vlt.s32 v7, $0x0;
	p1 =	slt.s32 s2, $0x400  }
.LBB2_11:
0xa2: {  	p0 =	sne.s32 s15, $0x1FF0  }
0xa3: {  	v8 =	vsel vm0, v8, v7;
	s2 =	simm.s32 @!p1 $0x400;
	s18 =	smov.u32 s15;
	s15 =	sadd.s32 $0x10, s15  }
0xa4: {  	vm0 =	vge.s32 v8, v6  }
0xa5: {  	s24 =	sadd.s32 $0x2000, s5;
	v9 =	vmpcnt.ones.xlane vm0;
	[tilespmem:s10+$0x18410] =	vst.msk vm0, v8  }
0xa6: {  	[tilespmem:s10+$0x19490] =	vst.msk vm0, v7;
	v7 =	vor.u32 s24, v0  }
0xa7: {  	s1 =	sor.u32 s16, s1;
	[tilespmem:s10+$0x1A510] =	vst.msk vm0, v7;
	(v2sf) =	vpush v9, $0x0  }
0xa8: {  	v7 =	vld [tilespmem:s1+$0x0];
	_ =	sdelay $0x2  }
0xa9: {  	s1 =	spop (v2sf)  }
0xaa: {  	s13 =	sadd.s32 s13, s1  }
0xab: {  	p1 =	slt.s32 s13, $0x400;
	v8 =	vxor.u32 $0x7FFFFFFF, v7;
	vm0 =	vlt.s32 v7, $0x0  }
0xac: {  	s13 =	simm.s32 @!p1 $0x400;
	v8 =	vsel vm0, v8, v7  }
0xad: {  	vm0 =	vge.s32 v8, v6  }
0xae: {  	s1 =	sadd.s32 $0x4000, s5;
	v9 =	vmpcnt.ones.xlane vm0;
	[tilespmem:s12+$0x18820] =	vst.msk vm0, v8  }
0xaf: {  	[tilespmem:s12+$0x198A0] =	vst.msk vm0, v7;
	v7 =	vor.u32 s1, v0  }
0xb0: {  	[tilespmem:s12+$0x1A920] =	vst.msk vm0, v7;
	(v2sf) =	vpush v9, $0x0  }
0xb1: {  	v7 =	vld [tilespmem:s28+$0x0];
	_ =	sdelay $0x2  }
0xb2: {  	s1 =	spop (v2sf)  }
0xb3: {  	s10 =	sadd.s32 s10, s1  }
0xb4: {  	p1 =	slt.s32 s10, $0x400;
	v8 =	vxor.u32 $0x7FFFFFFF, v7;
	vm0 =	vlt.s32 v7, $0x0  }
0xb5: {  	s10 =	simm.s32 @!p1 $0x400;
	v8 =	vsel vm0, v8, v7  }
0xb6: {  	vm0 =	vge.s32 v8, v6  }
0xb7: {  	s16 =	sand.u32 $0x70, s18;
	s24 =	sadd.s32 s18, s29;
	s1 =	sadd.s32 $0x6000, s5;
	v9 =	vmpcnt.ones.xlane vm0;
	[tilespmem:s2+$0x18C30] =	vst.msk vm0, v8  }
0xb8: {  	s25 =	sadd.s32 $0x4000, s24;
	s28 =	sadd.s32 $0x2000, s24;
	s5 =	sand.u32 $0x9F80, s24;
	[tilespmem:s2+$0x19CB0] =	vst.msk vm0, v7;
	v7 =	vor.u32 s1, v0  }
0xb9: {  	s26 =	sand.u32 $0xBF80, s28;
	s5 =	sor.u32 s16, s5;
	s1 =	sand.u32 $0xDF80, s25;
	[tilespmem:s2+$0x1AD30] =	vst.msk vm0, v7;
	(v2sf) =	vpush v9, $0x0  }
0xba: {  	s24 =	sadd.s32 $0x6000, s24;
	v7 =	vld [tilespmem:s5+$0x0];
	s5 =	smov.u32 s18  }
0xbb: {  	s18 =	sand.u32 $0xFF80, s24  }
0xbc: {  	s28 =	sor.u32 s16, s18  }
0xbd: {  	s18 =	spop (v2sf)  }
0xbe: {  	s12 =	sadd.s32 s12, s18  }
0xbf: {  	v8 =	vxor.u32 $0x7FFFFFFF, v7;
	vm0 =	vlt.s32 v7, $0x0;
	p1 =	slt.s32 s12, $0x400  }
0xc0: {  	v8 =	vsel vm0, v8, v7;
	s12 =	simm.s32 @!p1 $0x400  }
0xc1: {  	vm0 =	vge.s32 v8, v6  }
0xc2: {  	v9 =	vmpcnt.ones.xlane vm0;
	[tilespmem:s13+$0x18000] =	vst.msk vm0, v8  }
0xc3: {  	[tilespmem:s13+$0x19080] =	vst.msk vm0, v7;
	v7 =	vor.u32 s5, v0  }
0xc4: {  	s18 =	sor.u32 s16, s26;
	[tilespmem:s13+$0x1A100] =	vst.msk vm0, v7;
	(v2sf) =	vpush v9, $0x0  }
0xc5: {  	v7 =	vld [tilespmem:s18+$0x0]  }
.Ltmp4:
0xc6: {  	(pc) =	sbr.rel @p0 .LBB2_11-.Ltmp4, $4  }
0xc7: {  	_ = 	snop  }
0xc8: {  	s18 =	spop (v2sf)  }
0xc9: {  	s2 =	sadd.s32 s2, s18  }
0xca: {  	v8 =	vxor.u32 $0x7FFFFFFF, v7;
	vm0 =	vlt.s32 v7, $0x0;
	p1 =	slt.s32 s2, $0x400  }
0xcb: {  	v8 =	vsel vm0, v8, v7  }
0xcc: {  	vm0 =	vge.s32 v8, v6  }
0xcd: {  	s15 =	sadd.s32 $0x2000, s5;
	[tilespmem:s10+$0x18410] =	vst.msk vm0, v8  }
0xce: {  	[tilespmem:s10+$0x19490] =	vst.msk vm0, v7;
	v7 =	vor.u32 s15, v0  }
0xcf: {  	s1 =	sor.u32 s16, s1;
	[tilespmem:s10+$0x1A510] =	vst.msk vm0, v7  }
0xd0: {  	v7 =	vld [tilespmem:s1+$0x0];
	_ =	sdelay $0x4  }
0xd1: {  	v61 =	vxor.u32 $0x7FFFFFFF, v7;
	vm1 =	vlt.s32 v7, $0x0  }
0xd2: {  	v62 =	vmpcnt.ones.xlane vm0;
	v8 =	vsel vm1, v61, v7  }
0xd3: {  	vm1 =	vge.s32 v8, v6  }
0xd4: {  	s16 =	sadd.s32 $0x4000, s5;
	(v2sf) =	vpush v62, $0x0;
	[tilespmem:s12+$0x18820] =	vst.msk vm1, v8  }
0xd5: {  	[tilespmem:s12+$0x198A0] =	vst.msk vm1, v7;
	v7 =	vor.u32 s16, v0  }
0xd6: {  	[tilespmem:s12+$0x1A920] =	vst.msk vm1, v7  }
0xd7: {  	v7 =	vld [tilespmem:s28+$0x0]  }
0xd8: {  	v9 =	vmpcnt.ones.xlane vm1;
	_ =	sdelay $0x1  }
0xd9: {  	(v2sf) =	vpush v9, $0x0;
	_ =	sdelay $0x1  }
0xda: {  	v10 =	vxor.u32 $0x7FFFFFFF, v7;
	vm15 =	vlt.s32 v7, $0x0  }
0xdb: {  	v63 =	vsel vm15, v10, v7  }
0xdc: {  	vm0 =	vge.s32 v63, v6  }
0xdd: {  	v6 =	vmpcnt.ones.xlane vm0;
	_ =	sdelay $0x1  }
0xde: {  	(v2sf) =	vpush v6, $0x0  }
0xdf: {  	s2 =	simm.s32 @!p1 $0x400;
	s18 =	spop (v2sf)  }
0xe0: {  	s5 =	sadd.s32 $0x6000, s5;
	s13 =	sadd.s32 s13, s18;
	s24 =	spop (v2sf)  }
0xe1: {  	p0 =	slt.s32 s13, $0x400;
	s15 =	sadd.s32 s10, s24;
	s10 =	smov.u32 s13  }
0xe2: {  	p3 =	slt.s32 s13, $0x1;
	p1 =	slt.s32 s15, $0x400;
	s10 =	simm.s32 @!p0 $0x400  }
0xe3: {  	s1 =	smov.u32 s15;
	p5 =	slt.s32 s15, $0x1;
	s24 =	sshra.s32 s10, $0x1F  }
0xe4: {  	s15 =	simm.s32 $0x1;
	s1 =	simm.s32 @!p1 $0x400;
	s24 =	sshrl.u32 s24, $0x1C  }
0xe5: {  	s28 =	sand.u32 $0xF, s1;
	s26 =	sadd.s32 s24, s10;
	s24 =	simm.s32 $0x1  }
0xe6: {  	p6 =	sne.s32 s28, $0x0;
	s13 =	sshra.s32 s26, $0x4;
	s25 =	spop (v2sf)  }
0xe7: {  	s26 =	sshra.s32 s1, $0x1F;
	s16 =	sadd.s32 s12, s25;
	s25 =	sand.u32 $0xF, s10  }
0xe8: {  	[tilespmem:s2+$0x18C30] =	vst.msk vm0, v63;
	p0 =	slt.s32 s16, $0x400;
	s12 =	smov.u32 s16;
	p4 =	sne.s32 s25, $0x0  }
0xe9: {  	[tilespmem:s2+$0x19CB0] =	vst.msk vm0, v7;
	s26 =	sshrl.u32 s26, $0x1C;
	v6 =	vor.u32 s5, v0;
	s12 =	simm.s32 @!p0 $0x400;
	p0 =	por !p3, !p4  }
0xea: {  	p1 =	por !p5, !p6;
	s28 =	sadd.s32 s26, s1;
	[tilespmem:s2+$0x1AD30] =	vst.msk vm0, v6;
	p0 =	por !p0, !p0  }
0xeb: {  	[tilespmem:s10+$0x18000] =	vst v5;
	s10 =	simm.s32 $0x7FFFFFFF;
	s26 =	sshra.s32 s12, $0x1F;
	s24 =	simm.s32 @!p0 $0x0  }
0xec: {  	p0 =	por !p1, !p1;
	s26 =	sshrl.u32 s26, $0x1C;
	s24 =	ssub.s32 s13, s24  }
0xed: {  	s13 =	sshra.s32 s28, $0x4;
	s28 =	sand.u32 $0xF, s12;
	s18 =	spop (v2sf)  }
0xee: {  	[tilespmem:s1+$0x18410] =	vst v5;
	s15 =	simm.s32 @!p0 $0x0;
	s26 =	sadd.s32 s26, s12;
	s18 =	sadd.s32 s2, s18  }
0xef: {  	[tilespmem:s12+$0x18820] =	vst v5;
	s12 =	simm.s32 $0xFFFFFFFF;
	p3 =	sne.s32 s28, $0x0;
	p2 =	slt.s32 s18, $0x400  }
0xf0: {  	s25 =	smov.u32 s18;
	p5 =	slt.s32 s18, $0x1;
	s18 =	simm.s32 $0x1  }
0xf1: {  	s25 =	simm.s32 @!p2 $0x400;
	p2 =	slt.s32 s16, $0x1;
	s16 =	sshra.s32 s26, $0x4  }
0xf2: {  	p4 =	por !p2, !p3;
	s26 =	sand.u32 $0xF, s25;
	s28 =	sshra.s32 s25, $0x1F  }
0xf3: {  	p0 =	por !p4, !p4;
	p6 =	sne.s32 s26, $0x0;
	s28 =	sshrl.u32 s28, $0x1C  }
0xf4: {  	p4 =	sgt.s32 s24, $0xFFFFFFFF;
	p1 =	por !p5, !p6;
	s26 =	sadd.s32 s28, s25  }
0xf5: {  	s28 =	simm.s32 $0x1;
	s18 =	simm.s32 @!p0 $0x0;
	p1 =	por !p1, !p1  }
.Ltmp5:
0xf6: {  	s5 =	sshra.s32 s26, $0x4;
	s26 =	ssub.s32 s13, s15;
	(pc) =	sbr.rel .LBB2_13-.Ltmp5, $4  }
0xf7: {  	s18 =	ssub.s32 s16, s18;
	s16 =	simm.s32 $0x0;
	s28 =	simm.s32 @!p1 $0x0  }
0xf8: {  	s2 =	sadd.s32 $0x1, s26;
	s13 =	sadd.s32 $0x1, s18;
	p0 =	slt.s32 s26, $0x0  }
0xf9: {  	p1 =	slt.s32 s24, $0x0;
	p2 =	slt.s32 s18, $0x0;
	s28 =	ssub.s32 s5, s28  }
0xfa: {  	[tilespmem:s25+$0x18C30] =	vst v5;
	s5 =	sadd.s32 $0x1, s24;
	s15 =	sadd.s32 $0x1, s28;
	p3 =	slt.s32 s28, $0x0  }
.LBB2_42:
0xfb: {  	vm2 =	vlt.s32 v11, v9;
	vm0 =	vmand vm1, vm0  }
0xfc: {  	vm0 =	vmor vm2, vm0  }
0xfd: {  	v8 =	vnsel vm0, $0x80000000, v11  }
0xfe: {  	vm0 =	vgt.s32 v8, v6  }
0xff: {  	v6 =	vsel vm0, v8, v6;
	v7 =	vsel vm0, v10, v7  }
.LBB2_43:
0x100: {  	v8 =	vxor.u32 $0x80000000, v6  }
0x101: {  	(xrf0) =	vmax.scan.msk.u32 $0xffff, v8;
	_ =	sdelay $0x5  }
0x102: {  	v8, _, _ =	vpop (xrf0)  }
0x103: {  	(v2sf) =	vpush v8, $0xF;
	_ =	sdelay $0xe  }
0x104: {  	s1 =	spop (v2sf)  }
0x105: {  	s10 =	sxor.u32 $0x80000000, s1  }
0x106: {  	vm0 =	veq.s32 v6, s10;
	v6 =	vxor.u32 $0x80000000, v7  }
0x107: {  	v6 =	vnsel vm0, $0xC0000000, v6  }
0x108: {  	(xrf0) =	vmin.scan.msk.u32 $0xffff, v6;
	_ =	sdelay $0x5  }
0x109: {  	v6, _, _ =	vpop (xrf0)  }
0x10a: {  	(v2sf) =	vpush v6, $0xF;
	_ =	sdelay $0xc  }
0x10b: {  	p5 =	slt.u32 s16, $0x5E  }
.Ltmp6:
0x10c: {  	_ = 	snop;
	(pc) =	sbr.rel @!p5 .LBB2_44-.Ltmp6, $4  }
0x10d: {  	s26 =	spop (v2sf)  }
0x10e: {  	s12 =	sxor.u32 $0x80000000, s26  }
0x10f: {  	s28 =	sadd.s32 $0x2, s16;
	v6 =	vmov s12  }
0x110: {  	[tilespmem:s16+$0x1B281] =	vst.msk $0x1, v6;
	s16 =	smov.u32 s28  }
.LBB2_13:
.Ltmp7:
0x111: {  	(pc) =	sbr.rel @p1 .LBB2_14-.Ltmp7, $1  }
0x112: {  	_ =	sdelay $0x3  }
0x113: {  	s18 =	simm.s32 $0x18000  }
0x114: {  	p5 =	seq.s32 s5, $0x1;
	v11 =	vld [tilespmem:s18+$0x0]  }
.Ltmp8:
0x115: {  	_ = 	snop;
	(pc) =	sbr.rel @p5 .LBB2_51-.Ltmp8, $4  }
0x116: {  	_ = 	snop  }
0x117: {  	v7 =	vmov s10;
	s1 =	simm.s32 $0x0  }
0x118: {  	v9 =	vmov s12;
	v6 =	vimm.s32 $0x80000000;
	v10 =	vor.u32 s1, v0  }
0x119: {  	v8 =	vimm.s32 $0x40000000;
	s28 =	simm.s32 $0x18010;
	s18 =	sadd.s32 $0xFFFFFFFF, s5;
	vm1 =	vgt.s32 v10, v9;
	vm0 =	veq.s32 v11, v7  }
.LBB2_50:
0x11a: {  	v12 =	vld [tilespmem:s28+$0x0];
	p5 =	seq.s32 s18, $0x1;
	s18 =	sadd.s32 $0xFFFFFFFF, s18;
	vm2 =	vlt.s32 v11, v7;
	vm0 =	vmand vm1, vm0  }
.Ltmp9:
0x11b: {  	vm0 =	vmor vm2, vm0;
	(pc) =	sbr.rel @!p5 .LBB2_50-.Ltmp9, $4  }
0x11c: {  	v11 =	vnsel vm0, $0x80000000, v11  }
0x11d: {  	s1 =	sadd.s32 $0x10, s1;
	vm0 =	vgt.s32 v11, v6  }
0x11e: {  	v6 =	vsel vm0, v11, v6;
	v8 =	vsel vm0, v10, v8;
	v10 =	vor.u32 s1, v0  }
0x11f: {  	s28 =	sadd.s32 $0x10, s28;
	vm0 =	veq.s32 v12, v7;
	vm1 =	vgt.s32 v10, v9;
	v11 =	vmov v12  }
.LBB2_51:
.Ltmp10:
0x120: {  	vm2 =	vlt.s32 v11, v7;
	vm0 =	vmand vm1, vm0;
	(pc) =	sbr.rel .LBB2_15-.Ltmp10, $4  }
0x121: {  	vm0 =	vmor vm2, vm0  }
0x122: {  	v7 =	vnsel vm0, $0x80000000, v11  }
0x123: {  	vm0 =	vgt.s32 v7, v6  }
0x124: {  	v7 =	vsel vm0, v7, v6;
	v6 =	vsel vm0, v10, v8  }
.LBB2_14:
0x125: {  	v6 =	vimm.s32 $0x40000000;
	v7 =	vimm.s32 $0x80000000  }
.LBB2_15:
.Ltmp11:
0x126: {  	(pc) =	sbr.rel @p0 .LBB2_19-.Ltmp11, $1  }
0x127: {  	_ =	sdelay $0x3  }
0x128: {  	s18 =	simm.s32 $0x18410  }
0x129: {  	p5 =	seq.s32 s2, $0x1;
	v11 =	vld [tilespmem:s18+$0x0]  }
.Ltmp12:
0x12a: {  	_ = 	snop;
	(pc) =	sbr.rel @p5 .LBB2_18-.Ltmp12, $4  }
0x12b: {  	_ = 	snop  }
0x12c: {  	s1 =	simm.s32 $0x410  }
0x12d: {  	v8 =	vmov s10;
	v9 =	vmov s12;
	v10 =	vor.u32 s1, v0  }
0x12e: {  	s28 =	simm.s32 $0x18420;
	s18 =	sadd.s32 $0xFFFFFFFF, s2;
	vm1 =	vgt.s32 v10, v9;
	vm0 =	veq.s32 v11, v8  }
.LBB2_17:
0x12f: {  	v12 =	vld [tilespmem:s28+$0x0];
	p5 =	seq.s32 s18, $0x1;
	s18 =	sadd.s32 $0xFFFFFFFF, s18;
	vm2 =	vlt.s32 v11, v8;
	vm0 =	vmand vm1, vm0  }
.Ltmp13:
0x130: {  	vm0 =	vmor vm2, vm0;
	(pc) =	sbr.rel @!p5 .LBB2_17-.Ltmp13, $4  }
0x131: {  	v11 =	vnsel vm0, $0x80000000, v11  }
0x132: {  	s1 =	sadd.s32 $0x10, s1;
	vm0 =	vgt.s32 v11, v7  }
0x133: {  	v7 =	vsel vm0, v11, v7;
	v6 =	vsel vm0, v10, v6;
	v10 =	vor.u32 s1, v0  }
0x134: {  	s28 =	sadd.s32 $0x10, s28;
	vm0 =	veq.s32 v12, v8;
	vm1 =	vgt.s32 v10, v9;
	v11 =	vmov v12  }
.LBB2_18:
0x135: {  	vm2 =	vlt.s32 v11, v8;
	vm0 =	vmand vm1, vm0  }
0x136: {  	vm0 =	vmor vm2, vm0  }
0x137: {  	v8 =	vnsel vm0, $0x80000000, v11  }
0x138: {  	vm0 =	vgt.s32 v8, v7  }
0x139: {  	v7 =	vsel vm0, v8, v7;
	v6 =	vsel vm0, v10, v6  }
.LBB2_19:
.Ltmp14:
0x13a: {  	(pc) =	sbr.rel @p2 .LBB2_23-.Ltmp14, $1  }
0x13b: {  	_ =	sdelay $0x3  }
0x13c: {  	s18 =	simm.s32 $0x18820  }
0x13d: {  	p5 =	seq.s32 s13, $0x1;
	v11 =	vld [tilespmem:s18+$0x0]  }
.Ltmp15:
0x13e: {  	_ = 	snop;
	(pc) =	sbr.rel @p5 .LBB2_22-.Ltmp15, $4  }
0x13f: {  	_ = 	snop  }
0x140: {  	s1 =	simm.s32 $0x820  }
0x141: {  	v8 =	vmov s10;
	v9 =	vmov s12;
	v10 =	vor.u32 s1, v0  }
0x142: {  	s28 =	simm.s32 $0x18830;
	s18 =	sadd.s32 $0xFFFFFFFF, s13;
	vm1 =	vgt.s32 v10, v9;
	vm0 =	veq.s32 v11, v8  }
.LBB2_21:
0x143: {  	v12 =	vld [tilespmem:s28+$0x0];
	p5 =	seq.s32 s18, $0x1;
	s18 =	sadd.s32 $0xFFFFFFFF, s18;
	vm2 =	vlt.s32 v11, v8;
	vm0 =	vmand vm1, vm0  }
.Ltmp16:
0x144: {  	vm0 =	vmor vm2, vm0;
	(pc) =	sbr.rel @!p5 .LBB2_21-.Ltmp16, $4  }
0x145: {  	v11 =	vnsel vm0, $0x80000000, v11  }
0x146: {  	s1 =	sadd.s32 $0x10, s1;
	vm0 =	vgt.s32 v11, v7  }
0x147: {  	v7 =	vsel vm0, v11, v7;
	v6 =	vsel vm0, v10, v6;
	v10 =	vor.u32 s1, v0  }
0x148: {  	s28 =	sadd.s32 $0x10, s28;
	vm0 =	veq.s32 v12, v8;
	vm1 =	vgt.s32 v10, v9;
	v11 =	vmov v12  }
.LBB2_22:
0x149: {  	vm2 =	vlt.s32 v11, v8;
	vm0 =	vmand vm1, vm0  }
0x14a: {  	vm0 =	vmor vm2, vm0  }
0x14b: {  	v8 =	vnsel vm0, $0x80000000, v11  }
0x14c: {  	vm0 =	vgt.s32 v8, v7  }
0x14d: {  	v7 =	vsel vm0, v8, v7;
	v6 =	vsel vm0, v10, v6  }
.LBB2_23:
.Ltmp17:
0x14e: {  	(pc) =	sbr.rel @p3 .LBB2_27-.Ltmp17, $1  }
0x14f: {  	_ =	sdelay $0x3  }
0x150: {  	s28 =	simm.s32 $0x18C30  }
0x151: {  	p5 =	sne.s32 s15, $0x1;
	v11 =	vld [tilespmem:s28+$0x0]  }
.Ltmp18:
0x152: {  	_ = 	snop;
	(pc) =	sbr.rel @!p5 .LBB2_26-.Ltmp18, $4  }
0x153: {  	_ = 	snop  }
0x154: {  	s1 =	simm.s32 $0xC30  }
0x155: {  	v8 =	vmov s10;
	v9 =	vmov s12;
	v10 =	vor.u32 s1, v0  }
0x156: {  	s10 =	sadd.s32 $0xFFFFFFFF, s15;
	s12 =	simm.s32 $0x18C40;
	vm1 =	vgt.s32 v10, v9;
	vm0 =	veq.s32 v11, v8  }
.LBB2_25:
0x157: {  	v12 =	vld [tilespmem:s12+$0x0];
	p5 =	sne.s32 s10, $0x1;
	s10 =	sadd.s32 $0xFFFFFFFF, s10;
	vm2 =	vlt.s32 v11, v8;
	vm0 =	vmand vm1, vm0  }
.Ltmp19:
0x158: {  	vm0 =	vmor vm2, vm0;
	(pc) =	sbr.rel @p5 .LBB2_25-.Ltmp19, $4  }
0x159: {  	v11 =	vnsel vm0, $0x80000000, v11  }
0x15a: {  	s1 =	sadd.s32 $0x10, s1;
	vm0 =	vgt.s32 v11, v7  }
0x15b: {  	v7 =	vsel vm0, v11, v7;
	v6 =	vsel vm0, v10, v6;
	v10 =	vor.u32 s1, v0  }
0x15c: {  	s12 =	sadd.s32 $0x10, s12;
	vm0 =	veq.s32 v12, v8;
	vm1 =	vgt.s32 v10, v9;
	v11 =	vmov v12  }
.LBB2_26:
0x15d: {  	vm2 =	vlt.s32 v11, v8;
	vm0 =	vmand vm1, vm0  }
0x15e: {  	vm0 =	vmor vm2, vm0  }
0x15f: {  	v8 =	vnsel vm0, $0x80000000, v11  }
0x160: {  	vm0 =	vgt.s32 v8, v7  }
0x161: {  	v7 =	vsel vm0, v8, v7;
	v6 =	vsel vm0, v10, v6  }
.LBB2_27:
0x162: {  	v8 =	vxor.u32 $0x80000000, v7  }
0x163: {  	(xrf0) =	vmax.scan.msk.u32 $0xffff, v8;
	_ =	sdelay $0x5  }
0x164: {  	v8, _, _ =	vpop (xrf0)  }
0x165: {  	(v2sf) =	vpush v8, $0xF;
	_ =	sdelay $0xe  }
0x166: {  	s1 =	spop (v2sf)  }
0x167: {  	s1 =	sxor.u32 $0x80000000, s1  }
0x168: {  	v6 =	vxor.u32 $0x80000000, v6;
	vm0 =	veq.s32 v7, s1  }
0x169: {  	v6 =	vnsel vm0, $0xC0000000, v6  }
0x16a: {  	(xrf0) =	vmin.scan.msk.u32 $0xffff, v6;
	_ =	sdelay $0x5  }
0x16b: {  	v6, _, _ =	vpop (xrf0)  }
0x16c: {  	(v2sf) =	vpush v6, $0xF;
	_ =	sdelay $0xd  }
.Ltmp20:
0x16d: {  	_ = 	snop;
	(pc) =	sbr.rel @!p4 .LBB2_31-.Ltmp20, $4  }
0x16e: {  	s10 =	spop (v2sf)  }
0x16f: {  	s10 =	sxor.u32 $0x80000000, s10  }
0x170: {  	v8 =	vmov s10  }
0x171: {  	v9 =	vmov s1;
	v7 =	vimm.s32 $0x40000000;
	v6 =	vimm.s32 $0x80000000;
	[tilespmem:s16+$0x1B280] =	vst.msk $0x1, v8  }
0x172: {  	s10 =	simm.s32 $0x18000  }
0x173: {  	p5 =	seq.s32 s5, $0x1;
	v11 =	vld [tilespmem:s10+$0x0]  }
.Ltmp21:
0x174: {  	_ = 	snop;
	(pc) =	sbr.rel @p5 .LBB2_30-.Ltmp21, $4  }
0x175: {  	_ = 	snop  }
0x176: {  	s1 =	simm.s32 $0x0  }
0x177: {  	v10 =	vor.u32 s1, v0  }
0x178: {  	s12 =	simm.s32 $0x18010;
	s10 =	sadd.s32 $0xFFFFFFFF, s5;
	vm1 =	vgt.s32 v10, v8;
	vm0 =	veq.s32 v11, v9  }
.LBB2_29:
0x179: {  	v12 =	vld [tilespmem:s12+$0x0];
	p5 =	seq.s32 s10, $0x1;
	s10 =	sadd.s32 $0xFFFFFFFF, s10;
	vm2 =	vlt.s32 v11, v9;
	vm0 =	vmand vm1, vm0  }
.Ltmp22:
0x17a: {  	vm0 =	vmor vm2, vm0;
	(pc) =	sbr.rel @!p5 .LBB2_29-.Ltmp22, $4  }
0x17b: {  	v11 =	vnsel vm0, $0x80000000, v11  }
0x17c: {  	s1 =	sadd.s32 $0x10, s1;
	vm0 =	vgt.s32 v11, v6  }
0x17d: {  	v6 =	vsel vm0, v11, v6;
	v7 =	vsel vm0, v10, v7;
	v10 =	vor.u32 s1, v0  }
0x17e: {  	s12 =	sadd.s32 $0x10, s12;
	vm0 =	veq.s32 v12, v9;
	vm1 =	vgt.s32 v10, v8;
	v11 =	vmov v12  }
.LBB2_30:
0x17f: {  	vm2 =	vlt.s32 v11, v9;
	vm0 =	vmand vm1, vm0  }
0x180: {  	vm0 =	vmor vm2, vm0  }
0x181: {  	v11 =	vnsel vm0, $0x80000000, v11  }
0x182: {  	vm0 =	vgt.s32 v11, v6  }
0x183: {  	v6 =	vsel vm0, v11, v6;
	v7 =	vsel vm0, v10, v7  }
.LBB2_31:
.Ltmp23:
0x184: {  	(pc) =	sbr.rel @p0 .LBB2_35-.Ltmp23, $1  }
0x185: {  	_ =	sdelay $0x3  }
0x186: {  	s10 =	simm.s32 $0x18410  }
0x187: {  	p5 =	seq.s32 s2, $0x1;
	v11 =	vld [tilespmem:s10+$0x0]  }
.Ltmp24:
0x188: {  	_ = 	snop;
	(pc) =	sbr.rel @p5 .LBB2_34-.Ltmp24, $4  }
0x189: {  	_ = 	snop  }
0x18a: {  	s1 =	simm.s32 $0x410  }
0x18b: {  	v10 =	vor.u32 s1, v0  }
0x18c: {  	s12 =	simm.s32 $0x18420;
	s10 =	sadd.s32 $0xFFFFFFFF, s2;
	vm1 =	vgt.s32 v10, v8;
	vm0 =	veq.s32 v11, v9  }
.LBB2_33:
0x18d: {  	v12 =	vld [tilespmem:s12+$0x0];
	p5 =	seq.s32 s10, $0x1;
	s10 =	sadd.s32 $0xFFFFFFFF, s10;
	vm2 =	vlt.s32 v11, v9;
	vm0 =	vmand vm1, vm0  }
.Ltmp25:
0x18e: {  	vm0 =	vmor vm2, vm0;
	(pc) =	sbr.rel @!p5 .LBB2_33-.Ltmp25, $4  }
0x18f: {  	v11 =	vnsel vm0, $0x80000000, v11  }
0x190: {  	s1 =	sadd.s32 $0x10, s1;
	vm0 =	vgt.s32 v11, v6  }
0x191: {  	v6 =	vsel vm0, v11, v6;
	v7 =	vsel vm0, v10, v7;
	v10 =	vor.u32 s1, v0  }
0x192: {  	s12 =	sadd.s32 $0x10, s12;
	vm0 =	veq.s32 v12, v9;
	vm1 =	vgt.s32 v10, v8;
	v11 =	vmov v12  }
.LBB2_34:
0x193: {  	vm2 =	vlt.s32 v11, v9;
	vm0 =	vmand vm1, vm0  }
0x194: {  	vm0 =	vmor vm2, vm0  }
0x195: {  	v11 =	vnsel vm0, $0x80000000, v11  }
0x196: {  	vm0 =	vgt.s32 v11, v6  }
0x197: {  	v6 =	vsel vm0, v11, v6;
	v7 =	vsel vm0, v10, v7  }
.LBB2_35:
.Ltmp26:
0x198: {  	(pc) =	sbr.rel @p2 .LBB2_39-.Ltmp26, $1  }
0x199: {  	_ =	sdelay $0x3  }
0x19a: {  	s10 =	simm.s32 $0x18820  }
0x19b: {  	p5 =	seq.s32 s13, $0x1;
	v11 =	vld [tilespmem:s10+$0x0]  }
.Ltmp27:
0x19c: {  	_ = 	snop;
	(pc) =	sbr.rel @p5 .LBB2_38-.Ltmp27, $4  }
0x19d: {  	_ = 	snop  }
0x19e: {  	s1 =	simm.s32 $0x820  }
0x19f: {  	v10 =	vor.u32 s1, v0  }
0x1a0: {  	s12 =	simm.s32 $0x18830;
	s10 =	sadd.s32 $0xFFFFFFFF, s13;
	vm1 =	vgt.s32 v10, v8;
	vm0 =	veq.s32 v11, v9  }
.LBB2_37:
0x1a1: {  	v12 =	vld [tilespmem:s12+$0x0];
	p5 =	seq.s32 s10, $0x1;
	s10 =	sadd.s32 $0xFFFFFFFF, s10;
	vm2 =	vlt.s32 v11, v9;
	vm0 =	vmand vm1, vm0  }
.Ltmp28:
0x1a2: {  	vm0 =	vmor vm2, vm0;
	(pc) =	sbr.rel @!p5 .LBB2_37-.Ltmp28, $4  }
0x1a3: {  	v11 =	vnsel vm0, $0x80000000, v11  }
0x1a4: {  	s1 =	sadd.s32 $0x10, s1;
	vm0 =	vgt.s32 v11, v6  }
0x1a5: {  	v6 =	vsel vm0, v11, v6;
	v7 =	vsel vm0, v10, v7;
	v10 =	vor.u32 s1, v0  }
0x1a6: {  	s12 =	sadd.s32 $0x10, s12;
	vm0 =	veq.s32 v12, v9;
	vm1 =	vgt.s32 v10, v8;
	v11 =	vmov v12  }
.LBB2_38:
0x1a7: {  	vm2 =	vlt.s32 v11, v9;
	vm0 =	vmand vm1, vm0  }
0x1a8: {  	vm0 =	vmor vm2, vm0  }
0x1a9: {  	v11 =	vnsel vm0, $0x80000000, v11  }
0x1aa: {  	vm0 =	vgt.s32 v11, v6  }
0x1ab: {  	v6 =	vsel vm0, v11, v6;
	v7 =	vsel vm0, v10, v7  }
.LBB2_39:
.Ltmp29:
0x1ac: {  	(pc) =	sbr.rel @p3 .LBB2_43-.Ltmp29, $1  }
0x1ad: {  	_ =	sdelay $0x3  }
0x1ae: {  	s10 =	simm.s32 $0x18C30  }
0x1af: {  	p5 =	sne.s32 s15, $0x1;
	v11 =	vld [tilespmem:s10+$0x0]  }
.Ltmp30:
0x1b0: {  	_ = 	snop;
	(pc) =	sbr.rel @!p5 .LBB2_42-.Ltmp30, $4  }
0x1b1: {  	_ = 	snop  }
0x1b2: {  	s1 =	simm.s32 $0xC30  }
0x1b3: {  	v10 =	vor.u32 s1, v0  }
0x1b4: {  	s12 =	simm.s32 $0x18C40;
	s10 =	sadd.s32 $0xFFFFFFFF, s15;
	vm1 =	vgt.s32 v10, v8;
	vm0 =	veq.s32 v11, v9  }
.LBB2_41:
0x1b5: {  	v12 =	vld [tilespmem:s12+$0x0];
	p5 =	sne.s32 s10, $0x1;
	s10 =	sadd.s32 $0xFFFFFFFF, s10;
	vm2 =	vlt.s32 v11, v9;
	vm0 =	vmand vm1, vm0  }
.Ltmp31:
0x1b6: {  	vm0 =	vmor vm2, vm0;
	(pc) =	sbr.rel @p5 .LBB2_41-.Ltmp31, $4  }
0x1b7: {  	v11 =	vnsel vm0, $0x80000000, v11  }
0x1b8: {  	s1 =	sadd.s32 $0x10, s1;
	vm0 =	vgt.s32 v11, v6  }
0x1b9: {  	v6 =	vsel vm0, v11, v6;
	v7 =	vsel vm0, v10, v7;
	v10 =	vor.u32 s1, v0  }
0x1ba: {  	s12 =	sadd.s32 $0x10, s12;
	vm0 =	veq.s32 v12, v9;
	vm1 =	vgt.s32 v10, v8;
	v11 =	vmov v12  }
.Ltmp32:
0x1bb: {  	_ = 	snop;
	(pc) =	sbr.rel .LBB2_42-.Ltmp32, $1  }
0x1bc: {  	_ =	sdelay $0x3  }
.LBB2_44:
0x1bd: {  	v6 =	vld [tilespmem:$0x1B280];
	_ =	sdelay $0x7  }
0x1be: {  	v7 =	vld.idx.msk [tilespmem:v6+s20+$0x0], $0xffff;
	_ =	sdelay $0x3  }
0x1bf: {  	v8 =	vld [tilespmem:$0x1B290]  }
0x1c0: {  	[tilespmem:$0x1B180] =	vst v7  }
0x1c1: {  	v6 =	vld.idx.msk [tilespmem:v6+s21+$0x0], $0xffff;
	_ =	sdelay $0x4  }
0x1c2: {  	[tilespmem:$0x1B200] =	vst v6  }
0x1c3: {  	v6 =	vld.idx.msk [tilespmem:v8+s20+$0x0], $0xffff;
	_ =	sdelay $0x3  }
0x1c4: {  	v7 =	vld [tilespmem:$0x1B2A0]  }
0x1c5: {  	[tilespmem:$0x1B190] =	vst v6  }
0x1c6: {  	v6 =	vld.idx.msk [tilespmem:v8+s21+$0x0], $0xffff;
	_ =	sdelay $0x4  }
0x1c7: {  	[tilespmem:$0x1B210] =	vst v6  }
0x1c8: {  	v6 =	vld.idx.msk [tilespmem:v7+s20+$0x0], $0xffff;
	_ =	sdelay $0x3  }
0x1c9: {  	v8 =	vld [tilespmem:$0x1B2B0]  }
0x1ca: {  	[tilespmem:$0x1B1A0] =	vst v6  }
0x1cb: {  	v6 =	vld.idx.msk [tilespmem:v7+s21+$0x0], $0xffff;
	_ =	sdelay $0x4  }
0x1cc: {  	[tilespmem:$0x1B220] =	vst v6  }
0x1cd: {  	v6 =	vld.idx.msk [tilespmem:v8+s20+$0x0], $0xffff;
	_ =	sdelay $0x3  }
0x1ce: {  	v7 =	vld [tilespmem:$0x1B2C0]  }
0x1cf: {  	[tilespmem:$0x1B1B0] =	vst v6  }
0x1d0: {  	v6 =	vld.idx.msk [tilespmem:v8+s21+$0x0], $0xffff;
	_ =	sdelay $0x4  }
0x1d1: {  	[tilespmem:$0x1B230] =	vst v6  }
0x1d2: {  	v6 =	vld.idx.msk [tilespmem:v7+s20+$0x0], $0xffff;
	_ =	sdelay $0x3  }
0x1d3: {  	v8 =	vld [tilespmem:$0x1B2D0]  }
0x1d4: {  	[tilespmem:$0x1B1C0] =	vst v6  }
0x1d5: {  	v6 =	vld.idx.msk [tilespmem:v7+s21+$0x0], $0xffff;
	_ =	sdelay $0x4  }
0x1d6: {  	[tilespmem:$0x1B240] =	vst v6  }
0x1d7: {  	v6 =	vld.idx.msk [tilespmem:v8+s20+$0x0], $0xffff;
	_ =	sdelay $0x3  }
0x1d8: {  	v10 =	vld [tilespmem:$0x1B410]  }
0x1d9: {  	v11 =	vld [tilespmem:$0x1B420];
	[tilespmem:$0x1B1D0] =	vst v6  }
0x1da: {  	v6 =	vld.idx.msk [tilespmem:v8+s21+$0x0], $0xffff  }
0x1db: {  	v8 =	vld [tilespmem:$0x1B400]  }
0x1dc: {  	v14 =	vld [tilespmem:$0x1B430]  }
0x1dd: {  	v7 =	vld [tilespmem:$0x1B180]  }
0x1de: {  	v9 =	vld [tilespmem:$0x1B190]  }
0x1df: {  	v12 =	vld [tilespmem:$0x1B1A0];
	[tilespmem:$0x1B250] =	vst v6  }
0x1e0: {  	v8 =	vmul.f32 $3.000000120e-01, v8;
	v6 =	vld.msk [tilespmem:s0+$0x1B480 ss:$0x0], $0xffff  }
0x1e1: {  	v13 =	vld [tilespmem:$0x1B1B0]  }
0x1e2: {  	v10 =	vmul.f32 $3.000000120e-01, v10;
	v11 =	vmul.f32 $3.000000120e-01, v11;
	v7 =	vadd.f32 v8, v7;
	v8 =	vld [tilespmem:$0x1B440];
	_ =	sdelay $0x1  }
0x1e3: {  	v15 =	vld [tilespmem:$0x1B450];
	v9 =	vadd.f32 v10, v9;
	v10 =	vadd.f32 v11, v12  }
0x1e4: {  	v14 =	vmul.f32 $3.000000120e-01, v14;
	v17 =	vadd.f32 v7, v6;
	v7 =	vld [tilespmem:$0x1B1C0]  }
0x1e5: {  	v11 =	vld [tilespmem:$0x1B1D0];
	v18 =	vadd.f32 v9, v6;
	v19 =	vadd.f32 v10, v6  }
0x1e6: {  	v10 =	vadd.f32 v14, v13;
	v8 =	vmul.f32 $3.000000120e-01, v8;
	v12 =	vxor.u32 $0x7FFFFFFF, v17  }
0x1e7: {  	vm0 =	vlt.s32 v17, $0x0;
	v14 =	vxor.u32 $0x7FFFFFFF, v19;
	vm5 =	vlt.s32 v19, $0x0  }
0x1e8: {  	v20 =	vadd.f32 v10, v6;
	v9 =	vsel vm0, v12, v17;
	v12 =	vmul.f32 $3.000000120e-01, v15  }
0x1e9: {  	v13 =	vxor.u32 $0x7FFFFFFF, v18;
	v10 =	vsel vm5, v14, v19;
	v7 =	vadd.f32 v8, v7  }
0x1ea: {  	vm1 =	vlt.s32 v18, $0x0;
	[tilespmem:$0x1B3A0] =	vst v10;
	vm6 =	vlt.s32 v20, $0x0;
	v8 =	vadd.f32 v12, v11  }
0x1eb: {  	s18 =	simm.s32 $0xFFFFFFFF;
	[tilespmem:$0x1B380] =	vst v9;
	v9 =	vor.u32 $0x30, v0;
	v11 =	vld [tilespmem:$0x1B3A0];
	v21 =	vadd.f32 v7, v6;
	v7 =	vxor.u32 $0x7FFFFFFF, v20  }
0x1ec: {  	v15 =	vld [tilespmem:$0x1B380];
	v22 =	vadd.f32 v8, v6;
	v6 =	vsel vm1, v13, v18;
	v13 =	vmov s18  }
0x1ed: {  	v10 =	vsel vm6, v7, v20;
	vm9 =	vlt.s32 v13, v0;
	v7 =	vxor.u32 $0x7FFFFFFF, v21  }
0x1ee: {  	[tilespmem:$0x1B390] =	vst v6;
	vm7 =	vlt.s32 v21, $0x0;
	v6 =	vxor.u32 $0x7FFFFFFF, v22;
	vm8 =	vlt.s32 v22, $0x0  }
0x1ef: {  	s24 =	simm.s32 $0x7FFFFFFF;
	vm11 =	vlt.s32 v13, v9;
	v14 =	vld [tilespmem:$0x1B390];
	v8 =	vsel vm7, v7, v21;
	v12 =	vsel vm8, v6, v22  }
0x1f0: {  	[tilespmem:$0x1B3B0] =	vst v10;
	v6 =	vor.u32 $0x20, v0;
	v7 =	vor.u32 $0x10, v0;
	vm3 =	vlt.s32 v11, s24  }
0x1f1: {  	vm4 =	veq.s32 v11, s24;
	v23 =	vld [tilespmem:$0x1B3B0];
	vm12 =	veq.s32 v15, s24;
	vm13 =	vlt.s32 v15, s24  }
0x1f2: {  	[tilespmem:$0x1B3C0] =	vst v8;
	vm10 =	vlt.s32 v13, v6;
	vm2 =	vlt.s32 v13, v7;
	v8 =	vor.u32 $0x40, v0  }
0x1f3: {  	vm0 =	vmand vm9, vm12;
	v16 =	vld [tilespmem:$0x1B3C0];
	vm1 =	vmand vm10, vm4;
	vm5 =	vlt.s32 v13, v8  }
0x1f4: {  	vm0 =	vmor vm13, vm0;
	vm1 =	vmor vm3, vm1;
	vm7 =	veq.s32 v14, s24  }
0x1f5: {  	[tilespmem:$0x1B3D0] =	vst v12;
	v12 =	vnsel vm0, $0x80000000, v15;
	vm6 =	vlt.s32 v14, s24;
	vm2 =	vmand vm2, vm7  }
0x1f6: {  	v11 =	vnsel vm1, $0x80000000, v11;
	vm7 =	veq.s32 v23, s24;
	vm2 =	vmor vm6, vm2  }
0x1f7: {  	vm8 =	vlt.s32 v23, s24;
	vm3 =	vmand vm11, vm7;
	v10 =	vnsel vm2, $0x80000000, v14;
	v14 =	vld [tilespmem:$0x1B3D0]  }
0x1f8: {  	vm14 =	vlt.s32 v16, s24;
	vm15 =	veq.s32 v16, s24;
	vm2 =	vgt.s32 v10, v12  }
0x1f9: {  	vm1 =	vmor vm8, vm3;
	vm6 =	vmand vm5, vm15;
	v15 =	vsel vm2, v10, v12  }
0x1fa: {  	vm0 =	vmor vm14, vm6;
	v10 =	vor.u32 $0x50, v0;
	vm4 =	vgt.s32 v11, v15  }
0x1fb: {  	vm9 =	vlt.s32 v13, v10;
	v11 =	vsel vm4, v11, v15;
	v15 =	vnsel vm1, $0x80000000, v23  }
0x1fc: {  	v13 =	vnsel vm0, $0x80000000, v16;
	vm10 =	vgt.s32 v15, v11;
	vm12 =	veq.s32 v14, s24  }
0x1fd: {  	vm11 =	vlt.s32 v14, s24;
	v11 =	vsel vm10, v15, v11;
	vm13 =	vmand vm9, vm12  }
0x1fe: {  	vm14 =	vgt.s32 v13, v11;
	vm0 =	vmor vm11, vm13  }
0x1ff: {  	v11 =	vsel vm14, v13, v11;
	v13 =	vnsel vm0, $0x80000000, v14  }
0x200: {  	vm0 =	vgt.s32 v13, v11  }
0x201: {  	v58 =	vsel vm0, v13, v11  }
0x202: {  	v11 =	vxor.u32 $0x80000000, v58  }
0x203: {  	(xrf0) =	vmax.scan.msk.u32 $0xffff, v11;
	_ =	sdelay $0x5  }
0x204: {  	v11, _, _ =	vpop (xrf0)  }
0x205: {  	(v2sf) =	vpush v11, $0xF;
	_ =	sdelay $0xa  }
0x206: {  	vm15 =	veq.s32 v12, $0x80000000;
	v11 =	vor.u32 $0x80000000, v0  }
0x207: {  	v12 =	vor.u32 $0x80000010, v0;
	v13 =	vsel vm15, $0xC0000000, v11  }
0x208: {  	v14 =	vsel vm2, v12, v13;
	v13 =	vor.u32 $0x80000020, v0  }
0x209: {  	v15 =	vsel vm4, v13, v14;
	v14 =	vor.u32 $0x80000030, v0  }
0x20a: {  	v16 =	vsel vm10, v14, v15;
	v15 =	vor.u32 $0x80000040, v0;
	s25 =	spop (v2sf)  }
0x20b: {  	v24 =	vsel vm14, v15, v16;
	v16 =	vor.u32 $0x80000050, v0;
	s1 =	sxor.u32 $0x80000000, s25  }
0x20c: {  	v59 =	vsel vm0, v16, v24;
	vm8 =	veq.s32 v58, s1  }
0x20d: {  	v23 =	vnsel vm8, $0xC0000000, v59  }
0x20e: {  	(xrf0) =	vmin.scan.msk.u32 $0xffff, v23;
	_ =	sdelay $0x5  }
0x20f: {  	v23, _, _ =	vpop (xrf0)  }
0x210: {  	(v2sf) =	vpush v23, $0xF;
	_ =	sdelay $0xb  }
0x211: {  	[tilespmem:$0x1B300] =	vst v17  }
0x212: {  	[tilespmem:$0x1B310] =	vst v18  }
0x213: {  	[tilespmem:$0x1B320] =	vst v19  }
0x214: {  	[tilespmem:$0x1B330] =	vst v20;
	s26 =	spop (v2sf)  }
0x215: {  	[tilespmem:$0x1B340] =	vst v21;
	s2 =	sxor.u32 $0x80000000, s26  }
0x216: {  	s0 =	simm.s32 $0x1B581;
	[tilespmem:$0x1B350] =	vst v22;
	v17 =	vmov s2  }
0x217: {  	[tilespmem:s0+$0xFFFFFFFF] =	vst.msk $0x1, v17  }
0x218: {  	v18 =	vld [tilespmem:$0x1B380]  }
0x219: {  	v19 =	vld [tilespmem:$0x1B390]  }
0x21a: {  	v60 =	vld [tilespmem:$0x1B3A0]  }
0x21b: {  	v61 =	vld [tilespmem:$0x1B3B0]  }
0x21c: {  	vm9 =	vlt.s32 v17, v7;
	v62 =	vld [tilespmem:$0x1B3C0]  }
0x21d: {  	vm1 =	vlt.s32 v17, v6;
	vm2 =	vlt.s32 v17, v9;
	vm3 =	vlt.s32 v17, v8  }
0x21e: {  	vm12 =	vlt.s32 v17, v0;
	vm10 =	vlt.s32 v18, s1;
	vm11 =	veq.s32 v18, s1  }
0x21f: {  	vm13 =	vlt.s32 v19, s1;
	vm14 =	veq.s32 v19, s1;
	vm15 =	veq.s32 v60, s1  }
0x220: {  	vm5 =	vmand vm11, vm12;
	vm0 =	vmand vm14, vm9;
	vm9 =	vlt.s32 v60, s1  }
0x221: {  	v63 =	vld [tilespmem:$0x1B3D0];
	vm1 =	vmand vm15, vm1;
	vm11 =	veq.s32 v61, s1;
	vm14 =	veq.s32 v62, s1  }
0x222: {  	vm4 =	vmor vm10, vm5;
	vm0 =	vmor vm13, vm0;
	vm1 =	vmor vm9, vm1  }
0x223: {  	vm10 =	vlt.s32 v61, s1;
	v18 =	vnsel vm4, $0x80000000, v18;
	v19 =	vnsel vm0, $0x80000000, v19  }
0x224: {  	vm12 =	vmand vm11, vm2;
	vm13 =	vlt.s32 v17, v10;
	vm0 =	vgt.s32 v19, v18  }
0x225: {  	vm15 =	vmand vm14, vm3;
	v20 =	vnsel vm1, $0x80000000, v60;
	v19 =	vsel vm0, v19, v18  }
0x226: {  	vm11 =	veq.s32 v63, s1;
	vm1 =	vmor vm10, vm12;
	vm5 =	vgt.s32 v20, v19  }
0x227: {  	vm10 =	vlt.s32 v62, s1;
	v17 =	vsel vm5, v20, v19;
	v19 =	vnsel vm1, $0x80000000, v61  }
0x228: {  	vm2 =	vmand vm11, vm13;
	vm1 =	vmor vm10, vm15;
	vm9 =	vgt.s32 v19, v17  }
0x229: {  	vm12 =	vlt.s32 v63, s1;
	v17 =	vsel vm9, v19, v17;
	v19 =	vnsel vm1, $0x80000000, v62  }
0x22a: {  	vm1 =	vmor vm12, vm2;
	vm13 =	vgt.s32 v19, v17  }
0x22b: {  	v17 =	vsel vm13, v19, v17;
	v19 =	vnsel vm1, $0x80000000, v63  }
0x22c: {  	vm1 =	vgt.s32 v19, v17  }
0x22d: {  	v17 =	vsel vm1, v19, v17  }
0x22e: {  	v19 =	vxor.u32 $0x80000000, v17  }
0x22f: {  	(xrf0) =	vmax.scan.msk.u32 $0xffff, v19;
	_ =	sdelay $0x5  }
0x230: {  	v19, _, _ =	vpop (xrf0)  }
0x231: {  	(v2sf) =	vpush v19, $0xF;
	_ =	sdelay $0xa  }
0x232: {  	vm14 =	veq.s32 v18, $0x80000000  }
0x233: {  	v18 =	vsel vm14, $0xC0000000, v11  }
0x234: {  	v18 =	vsel vm0, v12, v18  }
0x235: {  	v18 =	vsel vm5, v13, v18  }
0x236: {  	v18 =	vsel vm9, v14, v18;
	s28 =	spop (v2sf)  }
0x237: {  	v18 =	vsel vm13, v15, v18;
	s10 =	sxor.u32 $0x80000000, s28  }
0x238: {  	vm15 =	veq.s32 v17, s10;
	v17 =	vsel vm1, v16, v18  }
0x239: {  	v17 =	vnsel vm15, $0xC0000000, v17  }
0x23a: {  	(xrf0) =	vmin.scan.msk.u32 $0xffff, v17;
	_ =	sdelay $0x5  }
0x23b: {  	v17, _, _ =	vpop (xrf0)  }
0x23c: {  	s5 =	simm.s32 $0x0;
	s2 =	simm.s32 $0x1B581;
	(v2sf) =	vpush v17, $0xF  }
.LBB2_45:
0x23d: {  	_ =	sdelay $0x8  }
0x23e: {  	s5 =	sadd.s32 $0x2, s5;
	s0 =	sadd.s32 $0x2, s0  }
0x23f: {  	p0 =	slt.u32 s5, $0x3E;
	_ =	sdelay $0x3  }
0x240: {  	s1 =	spop (v2sf)  }
0x241: {  	s1 =	sxor.u32 $0x80000000, s1  }
0x242: {  	v17 =	vmov s1  }
0x243: {  	[tilespmem:s2+$0x0] =	vst.msk $0x1, v17;
	s2 =	smov.u32 s0  }
0x244: {  	v18 =	vld [tilespmem:$0x1B3A0]  }
0x245: {  	vm0 =	vlt.s32 v17, v0;
	vm1 =	vlt.s32 v17, v6  }
0x246: {  	vm2 =	vlt.s32 v17, v7;
	v19 =	vld [tilespmem:$0x1B390]  }
0x247: {  	v20 =	vld [tilespmem:$0x1B380]  }
0x248: {  	v21 =	vld [tilespmem:$0x1B3C0]  }
0x249: {  	vm3 =	vlt.s32 v18, s10;
	vm4 =	veq.s32 v18, s10  }
0x24a: {  	vm5 =	vlt.s32 v17, v8;
	vm1 =	vmand vm1, vm4;
	vm4 =	vlt.s32 v17, v9  }
0x24b: {  	vm6 =	vlt.s32 v19, s10;
	vm7 =	veq.s32 v19, s10;
	vm1 =	vmor vm3, vm1;
	v22 =	vld [tilespmem:$0x1B3B0]  }
0x24c: {  	vm3 =	veq.s32 v20, s10;
	vm2 =	vmand vm2, vm7;
	v18 =	vnsel vm1, $0x80000000, v18  }
0x24d: {  	vm1 =	vlt.s32 v20, s10;
	vm0 =	vmand vm0, vm3;
	vm2 =	vmor vm6, vm2  }
0x24e: {  	vm3 =	veq.s32 v21, s10;
	vm0 =	vmor vm1, vm0;
	vm1 =	vlt.s32 v21, s10  }
0x24f: {  	v19 =	vnsel vm2, $0x80000000, v19;
	v20 =	vnsel vm0, $0x80000000, v20;
	vm0 =	vmand vm5, vm3;
	v23 =	vld [tilespmem:$0x1B3D0]  }
0x250: {  	vm3 =	vgt.s32 v19, v20;
	vm2 =	veq.s32 v22, s10;
	vm1 =	vmor vm1, vm0  }
0x251: {  	vm0 =	vlt.s32 v22, s10;
	v19 =	vsel vm3, v19, v20;
	vm2 =	vmand vm4, vm2  }
0x252: {  	vm4 =	vgt.s32 v18, v19;
	vm0 =	vmor vm0, vm2  }
0x253: {  	vm2 =	vlt.s32 v17, v10;
	v18 =	vsel vm4, v18, v19;
	v19 =	vnsel vm0, $0x80000000, v22  }
0x254: {  	vm0 =	vgt.s32 v19, v18;
	vm5 =	vlt.s32 v23, s10;
	vm6 =	veq.s32 v23, s10  }
0x255: {  	v17 =	vsel vm0, v19, v18;
	v18 =	vnsel vm1, $0x80000000, v21;
	vm2 =	vmand vm2, vm6  }
0x256: {  	vm6 =	veq.s32 v20, $0x80000000;
	vm1 =	vgt.s32 v18, v17;
	vm2 =	vmor vm5, vm2  }
0x257: {  	v19 =	vsel vm6, $0xC0000000, v11;
	v17 =	vsel vm1, v18, v17;
	v18 =	vnsel vm2, $0x80000000, v23  }
0x258: {  	v19 =	vsel vm3, v12, v19;
	vm2 =	vgt.s32 v18, v17  }
0x259: {  	v17 =	vsel vm2, v18, v17;
	v18 =	vsel vm4, v13, v19  }
0x25a: {  	v19 =	vxor.u32 $0x80000000, v17  }
0x25b: {  	(xrf0) =	vmax.scan.msk.u32 $0xffff, v19;
	_ =	sdelay $0x5  }
0x25c: {  	v19, _, _ =	vpop (xrf0)  }
0x25d: {  	(v2sf) =	vpush v19, $0xF;
	_ =	sdelay $0xe  }
0x25e: {  	v18 =	vsel vm0, v14, v18;
	s1 =	spop (v2sf)  }
0x25f: {  	v18 =	vsel vm1, v15, v18;
	s10 =	sxor.u32 $0x80000000, s1  }
0x260: {  	vm0 =	veq.s32 v17, s10;
	v17 =	vsel vm2, v16, v18  }
0x261: {  	v17 =	vnsel vm0, $0xC0000000, v17  }
0x262: {  	(xrf0) =	vmin.scan.msk.u32 $0xffff, v17;
	_ =	sdelay $0x5  }
0x263: {  	v17, _, _ =	vpop (xrf0)  }
0x264: {  	(v2sf) =	vpush v17, $0xF;
	_ =	sdelay $0xe  }
0x265: {  	s1 =	spop (v2sf)  }
0x266: {  	s1 =	sxor.u32 $0x80000000, s1  }
0x267: {  	v17 =	vmov s1  }
0x268: {  	[tilespmem:s0+$0xFFFFFFFF] =	vst.msk $0x1, v17;
	vm2 =	vlt.s32 v17, v7;
	vm4 =	vlt.s32 v17, v6  }
0x269: {  	v18 =	vld [tilespmem:$0x1B380]  }
0x26a: {  	v19 =	vld [tilespmem:$0x1B390]  }
0x26b: {  	v20 =	vld [tilespmem:$0x1B3A0];
	_ =	sdelay $0x1  }
0x26c: {  	vm3 =	vlt.s32 v17, v9;
	vm0 =	vlt.s32 v17, v8;
	vm1 =	vlt.s32 v17, v10  }
0x26d: {  	vm7 =	vlt.s32 v17, v0;
	vm5 =	vlt.s32 v18, s10;
	vm6 =	veq.s32 v18, s10;
	v17 =	vld [tilespmem:$0x1B3B0]  }
0x26e: {  	vm6 =	vmand vm6, vm7;
	vm7 =	vlt.s32 v19, s10;
	vm8 =	veq.s32 v19, s10  }
0x26f: {  	vm5 =	vmor vm5, vm6;
	vm2 =	vmand vm8, vm2;
	vm6 =	veq.s32 v20, s10;
	v21 =	vld [tilespmem:$0x1B3C0]  }
0x270: {  	vm2 =	vmor vm7, vm2;
	vm7 =	vlt.s32 v20, s10;
	vm4 =	vmand vm6, vm4  }
0x271: {  	v18 =	vnsel vm5, $0x80000000, v18;
	v19 =	vnsel vm2, $0x80000000, v19;
	vm4 =	vmor vm7, vm4;
	v22 =	vld [tilespmem:$0x1B3D0]  }
0x272: {  	vm2 =	vgt.s32 v19, v18;
	vm5 =	vlt.s32 v17, s10;
	vm6 =	veq.s32 v17, s10  }
0x273: {  	v20 =	vnsel vm4, $0x80000000, v20;
	v19 =	vsel vm2, v19, v18;
	vm3 =	vmand vm6, vm3  }
0x274: {  	vm4 =	vgt.s32 v20, v19;
	vm3 =	vmor vm5, vm3;
	vm5 =	veq.s32 v21, s10  }
0x275: {  	v19 =	vsel vm4, v20, v19;
	v17 =	vnsel vm3, $0x80000000, v17;
	vm3 =	vmand vm5, vm0  }
0x276: {  	vm5 =	vlt.s32 v21, s10;
	vm0 =	vgt.s32 v17, v19;
	vm6 =	veq.s32 v22, s10  }
0x277: {  	vm3 =	vmor vm5, vm3;
	v17 =	vsel vm0, v17, v19;
	vm5 =	vmand vm6, vm1  }
0x278: {  	vm6 =	veq.s32 v18, $0x80000000;
	v18 =	vnsel vm3, $0x80000000, v21;
	vm3 =	vlt.s32 v22, s10  }
0x279: {  	vm1 =	vgt.s32 v18, v17;
	vm3 =	vmor vm3, vm5;
	v19 =	vsel vm6, $0xC0000000, v11  }
0x27a: {  	v17 =	vsel vm1, v18, v17;
	v18 =	vnsel vm3, $0x80000000, v22;
	v19 =	vsel vm2, v12, v19  }
0x27b: {  	vm2 =	vgt.s32 v18, v17;
	v19 =	vsel vm4, v13, v19  }
0x27c: {  	v17 =	vsel vm2, v18, v17  }
0x27d: {  	v18 =	vxor.u32 $0x80000000, v17  }
0x27e: {  	(xrf0) =	vmax.scan.msk.u32 $0xffff, v18;
	_ =	sdelay $0x5  }
0x27f: {  	v18, _, _ =	vpop (xrf0)  }
0x280: {  	(v2sf) =	vpush v18, $0xF;
	_ =	sdelay $0xe  }
0x281: {  	v18 =	vsel vm0, v14, v19;
	s1 =	spop (v2sf)  }
0x282: {  	v18 =	vsel vm1, v15, v18;
	s10 =	sxor.u32 $0x80000000, s1  }
0x283: {  	vm0 =	veq.s32 v17, s10;
	v17 =	vsel vm2, v16, v18  }
0x284: {  	v17 =	vnsel vm0, $0xC0000000, v17  }
0x285: {  	(xrf0) =	vmin.scan.msk.u32 $0xffff, v17;
	_ =	sdelay $0x2  }
.Ltmp33:
0x286: {  	(pc) =	sbr.rel @p0 .LBB2_45-.Ltmp33, $3  }
0x287: {  	_ =	sdelay $0x1  }
0x288: {  	v17, _, _ =	vpop (xrf0)  }
0x289: {  	(v2sf) =	vpush v17, $0xF  }
0x28a: {  	_ =	sdelay $0xd  }
0x28b: {  	s0 =	spop (v2sf)  }
0x28c: {  	s0 =	sxor.u32 $0x80000000, s0  }
0x28d: {  	v6 =	vmov s0  }
0x28e: {  	[tilespmem:s2+$0x0] =	vst.msk $0x1, v6  }
0x28f: {  	v6 =	vld [tilespmem:$0x1B580];
	_ =	sdelay $0x7  }
0x290: {  	v7 =	vld.idx.msk [tilespmem:v6+s22+$0x0], $0xffff;
	_ =	sdelay $0x4  }
0x291: {  	[tilespmem:$0x1B600] =	vst v7;
	v7 =	vld [tilespmem:$0x1B590];
	_ =	sdelay $0x1  }
0x292: {  	v8 =	vld.idx.msk [tilespmem:v6+s23+$0x0], $0xffff;
	_ =	sdelay $0x3  }
0x293: {  	[tilespmem:$0x1B700] =	vst v6  }
0x294: {  	[tilespmem:$0x1B680] =	vst v8  }
0x295: {  	v6 =	vld.idx.msk [tilespmem:v7+s22+$0x0], $0xffff;
	_ =	sdelay $0x4  }
0x296: {  	[tilespmem:$0x1B610] =	vst v6;
	v6 =	vld [tilespmem:$0x1B5A0];
	_ =	sdelay $0x1  }
0x297: {  	v8 =	vld.idx.msk [tilespmem:v7+s23+$0x0], $0xffff;
	_ =	sdelay $0x3  }
0x298: {  	[tilespmem:$0x1B710] =	vst v7  }
0x299: {  	[tilespmem:$0x1B690] =	vst v8  }
0x29a: {  	v7 =	vld.idx.msk [tilespmem:v6+s22+$0x0], $0xffff;
	_ =	sdelay $0x4  }
0x29b: {  	[tilespmem:$0x1B620] =	vst v7;
	v7 =	vld [tilespmem:$0x1B5B0];
	_ =	sdelay $0x1  }
0x29c: {  	v8 =	vld.idx.msk [tilespmem:v6+s23+$0x0], $0xffff;
	_ =	sdelay $0x3  }
0x29d: {  	[tilespmem:$0x1B720] =	vst v6  }
0x29e: {  	[tilespmem:$0x1B6A0] =	vst v8  }
0x29f: {  	v6 =	vld.idx.msk [tilespmem:v7+s22+$0x0], $0xffff;
	_ =	sdelay $0x4  }
0x2a0: {  	[tilespmem:$0x1B630] =	vst v6  }
0x2a1: {  	v6 =	vld.idx.msk [tilespmem:v7+s23+$0x0], $0xffff;
	_ =	sdelay $0x3  }
0x2a2: {  	[tilespmem:$0x1B730] =	vst v7  }
0x2a3: {  	s24 =	sadd.s32 s6, s31;
	s1 =	simm.s32 $0x1B600;
	[tilespmem:$0x1B6B0] =	vst v6  }
0x2a4: {  	[hbm4b:s24+s3] =	stream.linear.scatter [tilespmem:s1], [sflag:$0x2], $0x80, $0x38;
	[tilespmem:$0x1B780] =	vst v63  }
0x2a5: {  	_ =	swait.ge [sflag:s14], $0x80  }
0x2a6: {  	[sflag:s14] =	ssyncset.done $0x0  }
0x2a7: {  	s25 =	sadd.s32 s7, s31;
	s26 =	simm.s32 $0x1B680;
	[sflag:s14] =	ssyncadd.s32 $0xFFFFFF80  }
0x2a8: {  	[hbm4b:s25+s3] =	stream.linear.scatter [tilespmem:s26], [sflag:$0x2], $0x80, $0x38;
	[tilespmem:$0x1B780] =	vst v63  }
0x2a9: {  	_ =	swait.ge [sflag:s14], $0x80  }
0x2aa: {  	s28 =	sadd.s32 s8, s31;
	p0 =	sne.s32 s30, $0x4;
	[sflag:s14] =	ssyncset.done $0x0  }
.Ltmp34:
0x2ab: {  	s31 =	simm.s32 $0x1B700;
	[sflag:s14] =	ssyncadd.s32 $0xFFFFFF80;
	(pc) =	sbr.rel @p0 .LBB2_2-.Ltmp34, $4  }
0x2ac: {  	[hbm4b:s28+s3] =	stream.linear.scatter [tilespmem:s31], [sflag:$0x2], $0x80, $0x38;
	[tilespmem:$0x1B780] =	vst v63  }
0x2ad: {  	_ =	swait.ge [sflag:s14], $0x80  }
0x2ae: {  	[sflag:s14] =	ssyncset.done $0x0  }
0x2af: {  	s29 =	sadd.s32 $0x8000, s29;
	[sflag:s14] =	ssyncadd.s32 $0xFFFFFF80  }
0x2b0: {  	s1 =	rddreg [dreg:$0x6]  }
0x2b1: {  	s0 =	rddreg [dreg:$0x5];
	s1 =	sadd.s32 $0x1, s1  }
0x2b2: {  	p0 =	sne.s32 s1, s0  }
.Ltmp35:
0x2b3: {  	_ = 	snop;
	(pc) =	sbr.rel @p0 .LBB2_1-.Ltmp35, $1  }
0x2b4: {  	_ =	sdelay $0x3  }
0x2b5: {  	_ =	sfence.sel $0x180000  }
0x2b6: {  	[bflag:$0x0] =	sbarrier.arrive $0xFFFF  }
0x2b7: {  	_ =	strace $0x90000047  }
0x2b8: {  	s0 =	stileid.u32;
	[bflag:$0x2] =	sbarrier.arrive $0xFFFF  }
0x2b9: {  	p0 =	sne.s32 s0, $0x0;
	s0 =	rddreg [dreg:$0x3]  }
0x2ba: {  	s0 =	sadd.s32 @!p0 $0x100000, s0  }
0x2bb: {  	[sflag:s0] =	ssyncadd.tile.s32 @!p0 $0x1;
	_ =	shalt  }
.Lfunc_end2:
_tile_overlayer_lowered:
.L_overlay_start_2:
0x2bc: {  	(tag) =	ssettag $0x2  }
0x2bd: {  	s0 =	rddreg [dreg:$0x0];
	s2 =	stileid.u32  }
0x2be: {  	s1 =	rddreg [dreg:$0x1];
	p0 =	sne.s32 s2, $0x0  }
0x2bf: {  	s3 =	rddreg [dreg:$0x2];
	[bflag:$0x3] =	sbarrier.arrive $0xFFFF;
	s2 =	simm.s32 @!p0 $0x1C02  }
0x2c0: {  	[timem:s3], [sflag:s2] =	dma.local @!p0 [hbm:s0], s1  }
0x2c1: {  	s0 =	simm.s32 @!p0 $0x2  }
0x2c2: {  	_ =	swait.ge @!p0 [sflag:s0], s1  }
0x2c3: {  	s1 =	ssub.s32 @!p0 $0x0, s1;
	[sflag:s0] =	ssyncset.done @!p0 $0x0  }
0x2c4: {  	[sflag:s0] =	ssyncadd.s32 @!p0 s1  }
0x2c5: {  	[bflag:$0x3] =	sbarrier.arrive $0xFFFF  }
0x2c6: {  	_ =	shalt  }

</sc_bundles>
